<compile_context>
chip_gen: v7x
topology: tpu7x:2x2x1
jax: 0.10.2.dev20260603
libtpu: 0.0.44.dev20260713+nightly
codegen_flags: <defaults>
</compile_context>

<pallas_src>
import functools

import jax
import jax.numpy as jnp
from jax import lax
from jax.experimental import pallas as pl
from jax.experimental.pallas import tpu as pltpu
from jax.experimental.pallas import tpu_sc as plsc

_N = 1048576
_VOCAB = 10
_D = 16
_NC = 2
_NS = 16
_NW = _NC * _NS
_CHUNK = _N // _NW
_LANES = 16
_VECS = _CHUNK // _LANES

_M3 = 0x71C71C7
_INNER = 7
_CHAINS = 4
_BLOCK = _INNER * _CHAINS * 2
_OUTER = _VECS // _BLOCK
_TAIL = _VECS - _OUTER * _BLOCK
_SEG1 = _OUTER // 2
_SPLIT = _SEG1 * _BLOCK * _LANES


def _build_partial_call():
  mesh = plsc.VectorSubcoreMesh(
      core_axis_name="c", subcore_axis_name="s", num_cores=_NC)

  @functools.partial(
      pl.kernel,
      mesh=mesh,
      compiler_params=pltpu.CompilerParams(needs_layout_passes=False),
      out_type=jax.ShapeDtypeStruct((_NW, _D), jnp.float32),
      scratch_types=[
          pltpu.VMEM((_CHUNK,), jnp.int32),
          pltpu.VMEM((_VOCAB, _D), jnp.float32),
          pltpu.VMEM((_D,), jnp.float32),
          pltpu.VMEM((_LANES * _LANES,), jnp.int32),
          pltpu.VMEM((_LANES * _LANES,), jnp.int32),
          pltpu.SemaphoreType.DMA,
          pltpu.SemaphoreType.DMA,
      ],
  )
  def digit_hist_partial(digits_hbm, table_hbm, out_hbm,
                         chunk_v, table_v, row_v, cnt_v, rep_v,
                         sem1, sem2):
    c = lax.axis_index("c")
    s = lax.axis_index("s")
    wid = c * _NS + s
    base = wid * _CHUNK

    cp1 = pltpu.async_copy(
        digits_hbm.at[pl.ds(base, _SPLIT)], chunk_v.at[pl.ds(0, _SPLIT)], sem1)
    cp2 = pltpu.async_copy(
        digits_hbm.at[pl.ds(base + _SPLIT, _CHUNK - _SPLIT)],
        chunk_v.at[pl.ds(_SPLIT, _CHUNK - _SPLIT)], sem2)
    pltpu.sync_copy(table_hbm, table_v)

    def inner_block(vbase, n, ef):
      e, f = ef
      accs = [jnp.zeros((_LANES,), jnp.int32) for _ in range(_CHAINS)]
      for a in range(_CHAINS):
        for j in range(n):
          vec = chunk_v[pl.ds((vbase + a * n + j) * _LANES, _LANES)]
          accs[a] = accs[a] + (jnp.int32(1) << (vec * 3))
      for a in range(_CHAINS):
        e = e + (accs[a] & _M3)
        f = f + ((accs[a] >> 3) & _M3)
      return e, f

    def mid_flush(ef, cnts):
      e, f = ef
      cnts = list(cnts)
      for k in range(5):
        cnts[2 * k] = cnts[2 * k] + ((e >> (6 * k)) & 63)
        cnts[2 * k + 1] = cnts[2 * k + 1] + ((f >> (6 * k)) & 63)
      return tuple(cnts)

    def outer_body(i, cnts):
      ef = (jnp.zeros((_LANES,), jnp.int32), jnp.zeros((_LANES,), jnp.int32))
      vbase = i * _BLOCK
      ef = inner_block(vbase, _INNER, ef)
      ef = inner_block(vbase + _INNER * _CHAINS, _INNER, ef)
      return mid_flush(ef, cnts)

    cnts0 = tuple(jnp.zeros((_LANES,), jnp.int32) for _ in range(_VOCAB))
    cp1.wait()
    cnts = lax.fori_loop(0, _SEG1, outer_body, cnts0)
    cp2.wait()
    cnts = lax.fori_loop(_SEG1, _OUTER, outer_body, cnts)
    ef = (jnp.zeros((_LANES,), jnp.int32), jnp.zeros((_LANES,), jnp.int32))
    vb = _OUTER * _BLOCK
    q = _TAIL // _CHAINS
    while q > 0:
      n = min(q, _INNER)
      ef = inner_block(vb, n, ef)
      vb += n * _CHAINS
      q -= n
    accs = mid_flush(ef, cnts)

    for d in range(_VOCAB):
      cnt_v[pl.ds(d * _LANES, _LANES)] = accs[d]
    zero = jnp.zeros((_LANES,), jnp.int32)
    for d in range(_VOCAB, _LANES):
      cnt_v[pl.ds(d * _LANES, _LANES)] = zero
    lane = lax.iota(jnp.int32, _LANES)
    totals = jnp.zeros((_LANES,), jnp.int32)
    for l in range(_LANES):
      totals = totals + plsc.load_gather(cnt_v, [lane * _LANES + l])
    for l in range(_LANES):
      plsc.store_scatter(rep_v, [lane * _LANES + l], totals)

    partial = jnp.zeros((_D,), jnp.float32)
    for d in range(_VOCAB):
      splat = rep_v[pl.ds(d * _LANES, _LANES)]
      partial = partial + splat.astype(jnp.float32) * table_v[d, :]
    row_v[...] = partial * jnp.float32(1.0 / _N)
    pltpu.sync_copy(row_v, out_hbm.at[wid])

  return digit_hist_partial


def _build_tc_fold():
  def fold_body(parts_ref, out_ref):
    out_ref[...] = jnp.sum(parts_ref[...], axis=0, keepdims=True)

  return pl.pallas_call(
      fold_body,
      out_shape=jax.ShapeDtypeStruct((1, _D), jnp.float32),
  )


_partial_call = _build_partial_call()
_tc_fold = _build_tc_fold()


def kernel(digits, table):
  digits = digits.reshape(_N).astype(jnp.int32)
  table = table.astype(jnp.float32)
  partials = _partial_call(digits, table)
  return _tc_fold(partials).reshape(_D)

# --- scband reference (transcript-rebuilt; emitter-appended) ---
"""Pipeline reference for scband-digit-embedding-40879498729249 (READ-ONLY COPY).

The authoritative reference and input builder live on the scoring server;
editing this copy changes nothing except your own understanding.
"""

import jax, jax.numpy as jnp
import numpy as np

NUM_DIGITS = 1048576
VOCAB = 10
EMBED_DIM = 16

def setup_inputs(seed: int = 0) -> dict:
    key = jax.random.key(seed)
    k1, k2 = jax.random.split(key)
    digits = jax.random.randint(k1, (NUM_DIGITS,), 0, VOCAB, dtype=jnp.int64 if jax.config.jax_enable_x64 else jnp.int32)
    table = jax.random.normal(k2, (VOCAB, EMBED_DIM), dtype=jnp.float32)
    return {"digits": digits, "table": table}

def reference(digits, table):
    # nn.Embedding lookup -> gather rows, then mean over the digit axis (dim=0)
    embedded = jnp.take(table, digits, axis=0)  # [N, D]
    return embedded.mean(axis=0)  # [D]

if __name__ == "__main__":
    import jax
    _d = setup_inputs()
    print(jax.jit(kernel)(*tuple(_d.values())))

</pallas_src>

<mosaic_0001>
#map = affine_map<(d0, d1) -> (0)>
#map1 = affine_map<(d0, d1) -> (0, 0)>
module attributes {stable_mosaic.version = 14 : i64} {
  func.func @digit_hist_partial(%arg0: i32, %arg1: i32, %arg2: memref<1048576xi32, #tpu.memory_space<hbm>>, %arg3: memref<10x16xf32, #tpu.memory_space<hbm>>, %arg4: memref<32x16xf32, #tpu.memory_space<hbm>>, %arg5: memref<32768xi32, #tpu.memory_space<vmem>>, %arg6: memref<10x16xf32, #tpu.memory_space<vmem>>, %arg7: memref<16xf32, #tpu.memory_space<vmem>>, %arg8: memref<256xi32, #tpu.memory_space<vmem>>, %arg9: memref<256xi32, #tpu.memory_space<vmem>>, %arg10: memref<!tpu.dma_semaphore, #tpu.memory_space<semaphore_mem>>, %arg11: memref<!tpu.dma_semaphore, #tpu.memory_space<semaphore_mem>>) attributes {dimension_semantics = [#tpu.dimension_semantics<core_parallel>, #tpu.dimension_semantics<subcore_parallel>], iteration_bounds = array<i64: 2, 16>, scalar_prefetch = 0 : i64, scratch_operands = 7 : i64, tpu.core_type = #tpu.core_type<sc_vector_subcore>, window_params = [{transform_indices = #map}, {transform_indices = #map1}, {transform_indices = #map1}]} {
    %mul3A = arith.constant 16 : i32
    %mul3A_0 = arith.muli %arg0, %mul3A : i32
    %add3A = arith.addi %mul3A_0, %arg1 : i32
    %mul3A_1 = arith.constant 32768 : i32
    %mul3A_2 = arith.muli %add3A, %mul3A_1 : i32
    %dma_start3A = arith.constant 0 : i32
    %dma_start3A_3 = tpu.memref_slice %arg5[%dma_start3A] : memref<32768xi32, #tpu.memory_space<vmem>> -> memref<16128xi32, #tpu.memory_space<vmem>>
    %dma_start3A_4 = tpu.memref_slice %arg2[%mul3A_2] : memref<1048576xi32, #tpu.memory_space<hbm>> -> memref<16128xi32, #tpu.memory_space<hbm>>
    %dma_start3A_5 = arith.constant 0 : i32
    %dma_start3A_6 = tpu.memref_slice %arg5[%dma_start3A_5] : memref<32768xi32, #tpu.memory_space<vmem>> -> memref<16128xi32, #tpu.memory_space<vmem>>
    %dma_start3A_7 = tpu.memref_slice %arg2[%mul3A_2] : memref<1048576xi32, #tpu.memory_space<hbm>> -> memref<16128xi32, #tpu.memory_space<hbm>>
    tpu.enqueue_dma source(%dma_start3A_7 : memref<16128xi32, #tpu.memory_space<hbm>>) target(%dma_start3A_6 : memref<16128xi32, #tpu.memory_space<vmem>>) target_semaphore(%arg10 : memref<!tpu.dma_semaphore, #tpu.memory_space<semaphore_mem>>)
    %add3A_8 = arith.constant 16128 : i32
    %add3A_9 = arith.addi %mul3A_2, %add3A_8 : i32
    %dma_start3A_10 = arith.constant 16128 : i32
    %dma_start3A_11 = tpu.memref_slice %arg5[%dma_start3A_10] : memref<32768xi32, #tpu.memory_space<vmem>> -> memref<16640xi32, #tpu.memory_space<vmem>>
    %dma_start3A_12 = tpu.memref_slice %arg2[%add3A_9] : memref<1048576xi32, #tpu.memory_space<hbm>> -> memref<16640xi32, #tpu.memory_space<hbm>>
    %dma_start3A_13 = arith.constant 16128 : i32
    %dma_start3A_14 = tpu.memref_slice %arg5[%dma_start3A_13] : memref<32768xi32, #tpu.memory_space<vmem>> -> memref<16640xi32, #tpu.memory_space<vmem>>
    %dma_start3A_15 = tpu.memref_slice %arg2[%add3A_9] : memref<1048576xi32, #tpu.memory_space<hbm>> -> memref<16640xi32, #tpu.memory_space<hbm>>
    tpu.enqueue_dma source(%dma_start3A_15 : memref<16640xi32, #tpu.memory_space<hbm>>) target(%dma_start3A_14 : memref<16640xi32, #tpu.memory_space<vmem>>) target_semaphore(%arg11 : memref<!tpu.dma_semaphore, #tpu.memory_space<semaphore_mem>>)
    "tpu.region"() ({
      %run_scoped3A = tpu.sem_alloc : memref<!tpu.dma_semaphore, #tpu.memory_space<semaphore_mem>>
      tpu.enqueue_dma source(%arg3 : memref<10x16xf32, #tpu.memory_space<hbm>>) target(%arg6 : memref<10x16xf32, #tpu.memory_space<vmem>>) target_semaphore(%run_scoped3A : memref<!tpu.dma_semaphore, #tpu.memory_space<semaphore_mem>>)
      tpu.wait_dma2 semaphore(%run_scoped3A : memref<!tpu.dma_semaphore, #tpu.memory_space<semaphore_mem>>) src(%arg3 : memref<10x16xf32, #tpu.memory_space<hbm>>) dst(%arg6 : memref<10x16xf32, #tpu.memory_space<vmem>>)
      tpu.yield
    }) : () -> ()
    %broadcast_in_dim3A = arith.constant 0 : i32
    %broadcast_in_dim3A_16 = vector.broadcast %broadcast_in_dim3A : i32 to vector<16xi32>
    %broadcast_in_dim3A_17 = arith.constant 0 : i32
    %broadcast_in_dim3A_18 = vector.broadcast %broadcast_in_dim3A_17 : i32 to vector<16xi32>
    %broadcast_in_dim3A_19 = arith.constant 0 : i32
    %broadcast_in_dim3A_20 = vector.broadcast %broadcast_in_dim3A_19 : i32 to vector<16xi32>
    %broadcast_in_dim3A_21 = arith.constant 0 : i32
    %broadcast_in_dim3A_22 = vector.broadcast %broadcast_in_dim3A_21 : i32 to vector<16xi32>
    %broadcast_in_dim3A_23 = arith.constant 0 : i32
    %broadcast_in_dim3A_24 = vector.broadcast %broadcast_in_dim3A_23 : i32 to vector<16xi32>
    %broadcast_in_dim3A_25 = arith.constant 0 : i32
    %broadcast_in_dim3A_26 = vector.broadcast %broadcast_in_dim3A_25 : i32 to vector<16xi32>
    %broadcast_in_dim3A_27 = arith.constant 0 : i32
    %broadcast_in_dim3A_28 = vector.broadcast %broadcast_in_dim3A_27 : i32 to vector<16xi32>
    %broadcast_in_dim3A_29 = arith.constant 0 : i32
    %broadcast_in_dim3A_30 = vector.broadcast %broadcast_in_dim3A_29 : i32 to vector<16xi32>
    %broadcast_in_dim3A_31 = arith.constant 0 : i32
    %broadcast_in_dim3A_32 = vector.broadcast %broadcast_in_dim3A_31 : i32 to vector<16xi32>
    %broadcast_in_dim3A_33 = arith.constant 0 : i32
    %broadcast_in_dim3A_34 = vector.broadcast %broadcast_in_dim3A_33 : i32 to vector<16xi32>
    %dma_wait3A = arith.constant 0 : i32
    %dma_wait3A_35 = tpu.memref_slice %arg5[%dma_wait3A] : memref<32768xi32, #tpu.memory_space<vmem>> -> memref<16128xi32, #tpu.memory_space<vmem>>
    %dma_wait3A_36 = tpu.memref_slice %arg2[%mul3A_2] : memref<1048576xi32, #tpu.memory_space<hbm>> -> memref<16128xi32, #tpu.memory_space<hbm>>
    %dma_wait3A_37 = arith.constant 0 : i32
    %dma_wait3A_38 = tpu.memref_slice %arg5[%dma_wait3A_37] : memref<32768xi32, #tpu.memory_space<vmem>> -> memref<16128xi32, #tpu.memory_space<vmem>>
    %dma_wait3A_39 = tpu.memref_slice %arg2[%mul3A_2] : memref<1048576xi32, #tpu.memory_space<hbm>> -> memref<16128xi32, #tpu.memory_space<hbm>>
    tpu.wait_dma2 semaphore(%arg10 : memref<!tpu.dma_semaphore, #tpu.memory_space<semaphore_mem>>) src(%dma_wait3A_39 : memref<16128xi32, #tpu.memory_space<hbm>>) dst(%dma_wait3A_38 : memref<16128xi32, #tpu.memory_space<vmem>>)
    %scan3A = arith.constant 0 : i32
    %scan3A_40 = arith.constant 18 : i32
    %scan3A_41 = arith.addi %scan3A, %scan3A_40 : i32
    %scan3A_42 = arith.constant 1 : i32
    %scan3A_43:10 = scf.for %scan3A_873 = %scan3A to %scan3A_41 step %scan3A_42 iter_args(%scan3A_874 = %broadcast_in_dim3A_16, %scan3A_875 = %broadcast_in_dim3A_18, %scan3A_876 = %broadcast_in_dim3A_20, %scan3A_877 = %broadcast_in_dim3A_22, %scan3A_878 = %broadcast_in_dim3A_24, %scan3A_879 = %broadcast_in_dim3A_26, %scan3A_880 = %broadcast_in_dim3A_28, %scan3A_881 = %broadcast_in_dim3A_30, %scan3A_882 = %broadcast_in_dim3A_32, %scan3A_883 = %broadcast_in_dim3A_34) -> (vector<16xi32>, vector<16xi32>, vector<16xi32>, vector<16xi32>, vector<16xi32>, vector<16xi32>, vector<16xi32>, vector<16xi32>, vector<16xi32>, vector<16xi32>)  : i32 {
      %broadcast_in_dim3A_884 = arith.constant 0 : i32
      %broadcast_in_dim3A_885 = vector.broadcast %broadcast_in_dim3A_884 : i32 to vector<16xi32>
      %broadcast_in_dim3A_886 = arith.constant 0 : i32
      %broadcast_in_dim3A_887 = vector.broadcast %broadcast_in_dim3A_886 : i32 to vector<16xi32>
      %mul3A_888 = arith.constant 56 : i32
      %mul3A_889 = arith.muli %scan3A_873, %mul3A_888 : i32
      %broadcast_in_dim3A_890 = arith.constant 0 : i32
      %broadcast_in_dim3A_891 = vector.broadcast %broadcast_in_dim3A_890 : i32 to vector<16xi32>
      %broadcast_in_dim3A_892 = arith.constant 0 : i32
      %broadcast_in_dim3A_893 = vector.broadcast %broadcast_in_dim3A_892 : i32 to vector<16xi32>
      %broadcast_in_dim3A_894 = arith.constant 0 : i32
      %broadcast_in_dim3A_895 = vector.broadcast %broadcast_in_dim3A_894 : i32 to vector<16xi32>
      %broadcast_in_dim3A_896 = arith.constant 0 : i32
      %broadcast_in_dim3A_897 = vector.broadcast %broadcast_in_dim3A_896 : i32 to vector<16xi32>
      %add3A_898 = arith.constant 0 : i32
      %add3A_899 = arith.addi %mul3A_889, %add3A_898 : i32
      %add3A_900 = arith.constant 0 : i32
      %add3A_901 = arith.addi %add3A_899, %add3A_900 : i32
      %mul3A_902 = arith.constant 16 : i32
      %mul3A_903 = arith.muli %add3A_901, %mul3A_902 : i32
      %get3A_904 = arith.index_cast %mul3A_903 : i32 to index
      %get3A_905 = tpu.vector_load %arg5[%get3A_904] {strides = array<i32>} : memref<32768xi32, #tpu.memory_space<vmem>>, vector<16xi32>,
      %mul3A_906 = arith.constant 3 : i32
      %mul3A_907 = vector.broadcast %mul3A_906 : i32 to vector<16xi32>
      %mul3A_908 = arith.muli %get3A_905, %mul3A_907 : vector<16xi32>
      %shift_left3A_909 = arith.constant 1 : i32
      %shift_left3A_910 = vector.broadcast %shift_left3A_909 : i32 to vector<16xi32>
      %shift_left3A_911 = arith.shli %shift_left3A_910, %mul3A_908 : vector<16xi32>
      %add3A_912 = arith.addi %broadcast_in_dim3A_891, %shift_left3A_911 : vector<16xi32>
      %add3A_913 = arith.constant 0 : i32
      %add3A_914 = arith.addi %mul3A_889, %add3A_913 : i32
      %add3A_915 = arith.constant 1 : i32
      %add3A_916 = arith.addi %add3A_914, %add3A_915 : i32
      %mul3A_917 = arith.constant 16 : i32
      %mul3A_918 = arith.muli %add3A_916, %mul3A_917 : i32
      %get3A_919 = arith.index_cast %mul3A_918 : i32 to index
      %get3A_920 = tpu.vector_load %arg5[%get3A_919] {strides = array<i32>} : memref<32768xi32, #tpu.memory_space<vmem>>, vector<16xi32>,
      %mul3A_921 = arith.constant 3 : i32
      %mul3A_922 = vector.broadcast %mul3A_921 : i32 to vector<16xi32>
      %mul3A_923 = arith.muli %get3A_920, %mul3A_922 : vector<16xi32>
      %shift_left3A_924 = arith.constant 1 : i32
      %shift_left3A_925 = vector.broadcast %shift_left3A_924 : i32 to vector<16xi32>
      %shift_left3A_926 = arith.shli %shift_left3A_925, %mul3A_923 : vector<16xi32>
      %add3A_927 = arith.addi %add3A_912, %shift_left3A_926 : vector<16xi32>
      %add3A_928 = arith.constant 0 : i32
      %add3A_929 = arith.addi %mul3A_889, %add3A_928 : i32
      %add3A_930 = arith.constant 2 : i32
      %add3A_931 = arith.addi %add3A_929, %add3A_930 : i32
      %mul3A_932 = arith.constant 16 : i32
      %mul3A_933 = arith.muli %add3A_931, %mul3A_932 : i32
      %get3A_934 = arith.index_cast %mul3A_933 : i32 to index
      %get3A_935 = tpu.vector_load %arg5[%get3A_934] {strides = array<i32>} : memref<32768xi32, #tpu.memory_space<vmem>>, vector<16xi32>,
      %mul3A_936 = arith.constant 3 : i32
      %mul3A_937 = vector.broadcast %mul3A_936 : i32 to vector<16xi32>
      %mul3A_938 = arith.muli %get3A_935, %mul3A_937 : vector<16xi32>
      %shift_left3A_939 = arith.constant 1 : i32
      %shift_left3A_940 = vector.broadcast %shift_left3A_939 : i32 to vector<16xi32>
      %shift_left3A_941 = arith.shli %shift_left3A_940, %mul3A_938 : vector<16xi32>
      %add3A_942 = arith.addi %add3A_927, %shift_left3A_941 : vector<16xi32>
      %add3A_943 = arith.constant 0 : i32
      %add3A_944 = arith.addi %mul3A_889, %add3A_943 : i32
      %add3A_945 = arith.constant 3 : i32
      %add3A_946 = arith.addi %add3A_944, %add3A_945 : i32
      %mul3A_947 = arith.constant 16 : i32
      %mul3A_948 = arith.muli %add3A_946, %mul3A_947 : i32
      %get3A_949 = arith.index_cast %mul3A_948 : i32 to index
      %get3A_950 = tpu.vector_load %arg5[%get3A_949] {strides = array<i32>} : memref<32768xi32, #tpu.memory_space<vmem>>, vector<16xi32>,
      %mul3A_951 = arith.constant 3 : i32
      %mul3A_952 = vector.broadcast %mul3A_951 : i32 to vector<16xi32>
      %mul3A_953 = arith.muli %get3A_950, %mul3A_952 : vector<16xi32>
      %shift_left3A_954 = arith.constant 1 : i32
      %shift_left3A_955 = vector.broadcast %shift_left3A_954 : i32 to vector<16xi32>
      %shift_left3A_956 = arith.shli %shift_left3A_955, %mul3A_953 : vector<16xi32>
      %add3A_957 = arith.addi %add3A_942, %shift_left3A_956 : vector<16xi32>
      %add3A_958 = arith.constant 0 : i32
      %add3A_959 = arith.addi %mul3A_889, %add3A_958 : i32
      %add3A_960 = arith.constant 4 : i32
      %add3A_961 = arith.addi %add3A_959, %add3A_960 : i32
      %mul3A_962 = arith.constant 16 : i32
      %mul3A_963 = arith.muli %add3A_961, %mul3A_962 : i32
      %get3A_964 = arith.index_cast %mul3A_963 : i32 to index
      %get3A_965 = tpu.vector_load %arg5[%get3A_964] {strides = array<i32>} : memref<32768xi32, #tpu.memory_space<vmem>>, vector<16xi32>,
      %mul3A_966 = arith.constant 3 : i32
      %mul3A_967 = vector.broadcast %mul3A_966 : i32 to vector<16xi32>
      %mul3A_968 = arith.muli %get3A_965, %mul3A_967 : vector<16xi32>
      %shift_left3A_969 = arith.constant 1 : i32
      %shift_left3A_970 = vector.broadcast %shift_left3A_969 : i32 to vector<16xi32>
      %shift_left3A_971 = arith.shli %shift_left3A_970, %mul3A_968 : vector<16xi32>
      %add3A_972 = arith.addi %add3A_957, %shift_left3A_971 : vector<16xi32>
      %add3A_973 = arith.constant 0 : i32
      %add3A_974 = arith.addi %mul3A_889, %add3A_973 : i32
      %add3A_975 = arith.constant 5 : i32
      %add3A_976 = arith.addi %add3A_974, %add3A_975 : i32
      %mul3A_977 = arith.constant 16 : i32
      %mul3A_978 = arith.muli %add3A_976, %mul3A_977 : i32
      %get3A_979 = arith.index_cast %mul3A_978 : i32 to index
      %get3A_980 = tpu.vector_load %arg5[%get3A_979] {strides = array<i32>} : memref<32768xi32, #tpu.memory_space<vmem>>, vector<16xi32>,
      %mul3A_981 = arith.constant 3 : i32
      %mul3A_982 = vector.broadcast %mul3A_981 : i32 to vector<16xi32>
      %mul3A_983 = arith.muli %get3A_980, %mul3A_982 : vector<16xi32>
      %shift_left3A_984 = arith.constant 1 : i32
      %shift_left3A_985 = vector.broadcast %shift_left3A_984 : i32 to vector<16xi32>
      %shift_left3A_986 = arith.shli %shift_left3A_985, %mul3A_983 : vector<16xi32>
      %add3A_987 = arith.addi %add3A_972, %shift_left3A_986 : vector<16xi32>
      %add3A_988 = arith.constant 0 : i32
      %add3A_989 = arith.addi %mul3A_889, %add3A_988 : i32
      %add3A_990 = arith.constant 6 : i32
      %add3A_991 = arith.addi %add3A_989, %add3A_990 : i32
      %mul3A_992 = arith.constant 16 : i32
      %mul3A_993 = arith.muli %add3A_991, %mul3A_992 : i32
      %get3A_994 = arith.index_cast %mul3A_993 : i32 to index
      %get3A_995 = tpu.vector_load %arg5[%get3A_994] {strides = array<i32>} : memref<32768xi32, #tpu.memory_space<vmem>>, vector<16xi32>,
      %mul3A_996 = arith.constant 3 : i32
      %mul3A_997 = vector.broadcast %mul3A_996 : i32 to vector<16xi32>
      %mul3A_998 = arith.muli %get3A_995, %mul3A_997 : vector<16xi32>
      %shift_left3A_999 = arith.constant 1 : i32
      %shift_left3A_1000 = vector.broadcast %shift_left3A_999 : i32 to vector<16xi32>
      %shift_left3A_1001 = arith.shli %shift_left3A_1000, %mul3A_998 : vector<16xi32>
      %add3A_1002 = arith.addi %add3A_987, %shift_left3A_1001 : vector<16xi32>
      %add3A_1003 = arith.constant 7 : i32
      %add3A_1004 = arith.addi %mul3A_889, %add3A_1003 : i32
      %add3A_1005 = arith.constant 0 : i32
      %add3A_1006 = arith.addi %add3A_1004, %add3A_1005 : i32
      %mul3A_1007 = arith.constant 16 : i32
      %mul3A_1008 = arith.muli %add3A_1006, %mul3A_1007 : i32
      %get3A_1009 = arith.index_cast %mul3A_1008 : i32 to index
      %get3A_1010 = tpu.vector_load %arg5[%get3A_1009] {strides = array<i32>} : memref<32768xi32, #tpu.memory_space<vmem>>, vector<16xi32>,
      %mul3A_1011 = arith.constant 3 : i32
      %mul3A_1012 = vector.broadcast %mul3A_1011 : i32 to vector<16xi32>
      %mul3A_1013 = arith.muli %get3A_1010, %mul3A_1012 : vector<16xi32>
      %shift_left3A_1014 = arith.constant 1 : i32
      %shift_left3A_1015 = vector.broadcast %shift_left3A_1014 : i32 to vector<16xi32>
      %shift_left3A_1016 = arith.shli %shift_left3A_1015, %mul3A_1013 : vector<16xi32>
      %add3A_1017 = arith.addi %broadcast_in_dim3A_893, %shift_left3A_1016 : vector<16xi32>
      %add3A_1018 = arith.constant 7 : i32
      %add3A_1019 = arith.addi %mul3A_889, %add3A_1018 : i32
      %add3A_1020 = arith.constant 1 : i32
      %add3A_1021 = arith.addi %add3A_1019, %add3A_1020 : i32
      %mul3A_1022 = arith.constant 16 : i32
      %mul3A_1023 = arith.muli %add3A_1021, %mul3A_1022 : i32
      %get3A_1024 = arith.index_cast %mul3A_1023 : i32 to index
      %get3A_1025 = tpu.vector_load %arg5[%get3A_1024] {strides = array<i32>} : memref<32768xi32, #tpu.memory_space<vmem>>, vector<16xi32>,
      %mul3A_1026 = arith.constant 3 : i32
      %mul3A_1027 = vector.broadcast %mul3A_1026 : i32 to vector<16xi32>
      %mul3A_1028 = arith.muli %get3A_1025, %mul3A_1027 : vector<16xi32>
      %shift_left3A_1029 = arith.constant 1 : i32
      %shift_left3A_1030 = vector.broadcast %shift_left3A_1029 : i32 to vector<16xi32>
      %shift_left3A_1031 = arith.shli %shift_left3A_1030, %mul3A_1028 : vector<16xi32>
      %add3A_1032 = arith.addi %add3A_1017, %shift_left3A_1031 : vector<16xi32>
      %add3A_1033 = arith.constant 7 : i32
      %add3A_1034 = arith.addi %mul3A_889, %add3A_1033 : i32
      %add3A_1035 = arith.constant 2 : i32
      %add3A_1036 = arith.addi %add3A_1034, %add3A_1035 : i32
      %mul3A_1037 = arith.constant 16 : i32
      %mul3A_1038 = arith.muli %add3A_1036, %mul3A_1037 : i32
      %get3A_1039 = arith.index_cast %mul3A_1038 : i32 to index
      %get3A_1040 = tpu.vector_load %arg5[%get3A_1039] {strides = array<i32>} : memref<32768xi32, #tpu.memory_space<vmem>>, vector<16xi32>,
      %mul3A_1041 = arith.constant 3 : i32
      %mul3A_1042 = vector.broadcast %mul3A_1041 : i32 to vector<16xi32>
      %mul3A_1043 = arith.muli %get3A_1040, %mul3A_1042 : vector<16xi32>
      %shift_left3A_1044 = arith.constant 1 : i32
      %shift_left3A_1045 = vector.broadcast %shift_left3A_1044 : i32 to vector<16xi32>
      %shift_left3A_1046 = arith.shli %shift_left3A_1045, %mul3A_1043 : vector<16xi32>
      %add3A_1047 = arith.addi %add3A_1032, %shift_left3A_1046 : vector<16xi32>
      %add3A_1048 = arith.constant 7 : i32
      %add3A_1049 = arith.addi %mul3A_889, %add3A_1048 : i32
      %add3A_1050 = arith.constant 3 : i32
      %add3A_1051 = arith.addi %add3A_1049, %add3A_1050 : i32
      %mul3A_1052 = arith.constant 16 : i32
      %mul3A_1053 = arith.muli %add3A_1051, %mul3A_1052 : i32
      %get3A_1054 = arith.index_cast %mul3A_1053 : i32 to index
      %get3A_1055 = tpu.vector_load %arg5[%get3A_1054] {strides = array<i32>} : memref<32768xi32, #tpu.memory_space<vmem>>, vector<16xi32>,
      %mul3A_1056 = arith.constant 3 : i32
      %mul3A_1057 = vector.broadcast %mul3A_1056 : i32 to vector<16xi32>
      %mul3A_1058 = arith.muli %get3A_1055, %mul3A_1057 : vector<16xi32>
      %shift_left3A_1059 = arith.constant 1 : i32
      %shift_left3A_1060 = vector.broadcast %shift_left3A_1059 : i32 to vector<16xi32>
      %shift_left3A_1061 = arith.shli %shift_left3A_1060, %mul3A_1058 : vector<16xi32>
      %add3A_1062 = arith.addi %add3A_1047, %shift_left3A_1061 : vector<16xi32>
      %add3A_1063 = arith.constant 7 : i32
      %add3A_1064 = arith.addi %mul3A_889, %add3A_1063 : i32
      %add3A_1065 = arith.constant 4 : i32
      %add3A_1066 = arith.addi %add3A_1064, %add3A_1065 : i32
      %mul3A_1067 = arith.constant 16 : i32
      %mul3A_1068 = arith.muli %add3A_1066, %mul3A_1067 : i32
      %get3A_1069 = arith.index_cast %mul3A_1068 : i32 to index
      %get3A_1070 = tpu.vector_load %arg5[%get3A_1069] {strides = array<i32>} : memref<32768xi32, #tpu.memory_space<vmem>>, vector<16xi32>,
      %mul3A_1071 = arith.constant 3 : i32
      %mul3A_1072 = vector.broadcast %mul3A_1071 : i32 to vector<16xi32>
      %mul3A_1073 = arith.muli %get3A_1070, %mul3A_1072 : vector<16xi32>
      %shift_left3A_1074 = arith.constant 1 : i32
      %shift_left3A_1075 = vector.broadcast %shift_left3A_1074 : i32 to vector<16xi32>
      %shift_left3A_1076 = arith.shli %shift_left3A_1075, %mul3A_1073 : vector<16xi32>
      %add3A_1077 = arith.addi %add3A_1062, %shift_left3A_1076 : vector<16xi32>
      %add3A_1078 = arith.constant 7 : i32
      %add3A_1079 = arith.addi %mul3A_889, %add3A_1078 : i32
      %add3A_1080 = arith.constant 5 : i32
      %add3A_1081 = arith.addi %add3A_1079, %add3A_1080 : i32
      %mul3A_1082 = arith.constant 16 : i32
      %mul3A_1083 = arith.muli %add3A_1081, %mul3A_1082 : i32
      %get3A_1084 = arith.index_cast %mul3A_1083 : i32 to index
      %get3A_1085 = tpu.vector_load %arg5[%get3A_1084] {strides = array<i32>} : memref<32768xi32, #tpu.memory_space<vmem>>, vector<16xi32>,
      %mul3A_1086 = arith.constant 3 : i32
      %mul3A_1087 = vector.broadcast %mul3A_1086 : i32 to vector<16xi32>
      %mul3A_1088 = arith.muli %get3A_1085, %mul3A_1087 : vector<16xi32>
      %shift_left3A_1089 = arith.constant 1 : i32
      %shift_left3A_1090 = vector.broadcast %shift_left3A_1089 : i32 to vector<16xi32>
      %shift_left3A_1091 = arith.shli %shift_left3A_1090, %mul3A_1088 : vector<16xi32>
      %add3A_1092 = arith.addi %add3A_1077, %shift_left3A_1091 : vector<16xi32>
      %add3A_1093 = arith.constant 7 : i32
      %add3A_1094 = arith.addi %mul3A_889, %add3A_1093 : i32
      %add3A_1095 = arith.constant 6 : i32
      %add3A_1096 = arith.addi %add3A_1094, %add3A_1095 : i32
      %mul3A_1097 = arith.constant 16 : i32
      %mul3A_1098 = arith.muli %add3A_1096, %mul3A_1097 : i32
      %get3A_1099 = arith.index_cast %mul3A_1098 : i32 to index
      %get3A_1100 = tpu.vector_load %arg5[%get3A_1099] {strides = array<i32>} : memref<32768xi32, #tpu.memory_space<vmem>>, vector<16xi32>,
      %mul3A_1101 = arith.constant 3 : i32
      %mul3A_1102 = vector.broadcast %mul3A_1101 : i32 to vector<16xi32>
      %mul3A_1103 = arith.muli %get3A_1100, %mul3A_1102 : vector<16xi32>
      %shift_left3A_1104 = arith.constant 1 : i32
      %shift_left3A_1105 = vector.broadcast %shift_left3A_1104 : i32 to vector<16xi32>
      %shift_left3A_1106 = arith.shli %shift_left3A_1105, %mul3A_1103 : vector<16xi32>
      %add3A_1107 = arith.addi %add3A_1092, %shift_left3A_1106 : vector<16xi32>
      %add3A_1108 = arith.constant 14 : i32
      %add3A_1109 = arith.addi %mul3A_889, %add3A_1108 : i32
      %add3A_1110 = arith.constant 0 : i32
      %add3A_1111 = arith.addi %add3A_1109, %add3A_1110 : i32
      %mul3A_1112 = arith.constant 16 : i32
      %mul3A_1113 = arith.muli %add3A_1111, %mul3A_1112 : i32
      %get3A_1114 = arith.index_cast %mul3A_1113 : i32 to index
      %get3A_1115 = tpu.vector_load %arg5[%get3A_1114] {strides = array<i32>} : memref<32768xi32, #tpu.memory_space<vmem>>, vector<16xi32>,
      %mul3A_1116 = arith.constant 3 : i32
      %mul3A_1117 = vector.broadcast %mul3A_1116 : i32 to vector<16xi32>
      %mul3A_1118 = arith.muli %get3A_1115, %mul3A_1117 : vector<16xi32>
      %shift_left3A_1119 = arith.constant 1 : i32
      %shift_left3A_1120 = vector.broadcast %shift_left3A_1119 : i32 to vector<16xi32>
      %shift_left3A_1121 = arith.shli %shift_left3A_1120, %mul3A_1118 : vector<16xi32>
      %add3A_1122 = arith.addi %broadcast_in_dim3A_895, %shift_left3A_1121 : vector<16xi32>
      %add3A_1123 = arith.constant 14 : i32
      %add3A_1124 = arith.addi %mul3A_889, %add3A_1123 : i32
      %add3A_1125 = arith.constant 1 : i32
      %add3A_1126 = arith.addi %add3A_1124, %add3A_1125 : i32
      %mul3A_1127 = arith.constant 16 : i32
      %mul3A_1128 = arith.muli %add3A_1126, %mul3A_1127 : i32
      %get3A_1129 = arith.index_cast %mul3A_1128 : i32 to index
      %get3A_1130 = tpu.vector_load %arg5[%get3A_1129] {strides = array<i32>} : memref<32768xi32, #tpu.memory_space<vmem>>, vector<16xi32>,
      %mul3A_1131 = arith.constant 3 : i32
      %mul3A_1132 = vector.broadcast %mul3A_1131 : i32 to vector<16xi32>
      %mul3A_1133 = arith.muli %get3A_1130, %mul3A_1132 : vector<16xi32>
      %shift_left3A_1134 = arith.constant 1 : i32
      %shift_left3A_1135 = vector.broadcast %shift_left3A_1134 : i32 to vector<16xi32>
      %shift_left3A_1136 = arith.shli %shift_left3A_1135, %mul3A_1133 : vector<16xi32>
      %add3A_1137 = arith.addi %add3A_1122, %shift_left3A_1136 : vector<16xi32>
      %add3A_1138 = arith.constant 14 : i32
      %add3A_1139 = arith.addi %mul3A_889, %add3A_1138 : i32
      %add3A_1140 = arith.constant 2 : i32
      %add3A_1141 = arith.addi %add3A_1139, %add3A_1140 : i32
      %mul3A_1142 = arith.constant 16 : i32
      %mul3A_1143 = arith.muli %add3A_1141, %mul3A_1142 : i32
      %get3A_1144 = arith.index_cast %mul3A_1143 : i32 to index
      %get3A_1145 = tpu.vector_load %arg5[%get3A_1144] {strides = array<i32>} : memref<32768xi32, #tpu.memory_space<vmem>>, vector<16xi32>,
      %mul3A_1146 = arith.constant 3 : i32
      %mul3A_1147 = vector.broadcast %mul3A_1146 : i32 to vector<16xi32>
      %mul3A_1148 = arith.muli %get3A_1145, %mul3A_1147 : vector<16xi32>
      %shift_left3A_1149 = arith.constant 1 : i32
      %shift_left3A_1150 = vector.broadcast %shift_left3A_1149 : i32 to vector<16xi32>
      %shift_left3A_1151 = arith.shli %shift_left3A_1150, %mul3A_1148 : vector<16xi32>
      %add3A_1152 = arith.addi %add3A_1137, %shift_left3A_1151 : vector<16xi32>
      %add3A_1153 = arith.constant 14 : i32
      %add3A_1154 = arith.addi %mul3A_889, %add3A_1153 : i32
      %add3A_1155 = arith.constant 3 : i32
      %add3A_1156 = arith.addi %add3A_1154, %add3A_1155 : i32
      %mul3A_1157 = arith.constant 16 : i32
      %mul3A_1158 = arith.muli %add3A_1156, %mul3A_1157 : i32
      %get3A_1159 = arith.index_cast %mul3A_1158 : i32 to index
      %get3A_1160 = tpu.vector_load %arg5[%get3A_1159] {strides = array<i32>} : memref<32768xi32, #tpu.memory_space<vmem>>, vector<16xi32>,
      %mul3A_1161 = arith.constant 3 : i32
      %mul3A_1162 = vector.broadcast %mul3A_1161 : i32 to vector<16xi32>
      %mul3A_1163 = arith.muli %get3A_1160, %mul3A_1162 : vector<16xi32>
      %shift_left3A_1164 = arith.constant 1 : i32
      %shift_left3A_1165 = vector.broadcast %shift_left3A_1164 : i32 to vector<16xi32>
      %shift_left3A_1166 = arith.shli %shift_left3A_1165, %mul3A_1163 : vector<16xi32>
      %add3A_1167 = arith.addi %add3A_1152, %shift_left3A_1166 : vector<16xi32>
      %add3A_1168 = arith.constant 14 : i32
      %add3A_1169 = arith.addi %mul3A_889, %add3A_1168 : i32
      %add3A_1170 = arith.constant 4 : i32
      %add3A_1171 = arith.addi %add3A_1169, %add3A_1170 : i32
      %mul3A_1172 = arith.constant 16 : i32
      %mul3A_1173 = arith.muli %add3A_1171, %mul3A_1172 : i32
      %get3A_1174 = arith.index_cast %mul3A_1173 : i32 to index
      %get3A_1175 = tpu.vector_load %arg5[%get3A_1174] {strides = array<i32>} : memref<32768xi32, #tpu.memory_space<vmem>>, vector<16xi32>,
      %mul3A_1176 = arith.constant 3 : i32
      %mul3A_1177 = vector.broadcast %mul3A_1176 : i32 to vector<16xi32>
      %mul3A_1178 = arith.muli %get3A_1175, %mul3A_1177 : vector<16xi32>
      %shift_left3A_1179 = arith.constant 1 : i32
      %shift_left3A_1180 = vector.broadcast %shift_left3A_1179 : i32 to vector<16xi32>
      %shift_left3A_1181 = arith.shli %shift_left3A_1180, %mul3A_1178 : vector<16xi32>
      %add3A_1182 = arith.addi %add3A_1167, %shift_left3A_1181 : vector<16xi32>
      %add3A_1183 = arith.constant 14 : i32
      %add3A_1184 = arith.addi %mul3A_889, %add3A_1183 : i32
      %add3A_1185 = arith.constant 5 : i32
      %add3A_1186 = arith.addi %add3A_1184, %add3A_1185 : i32
      %mul3A_1187 = arith.constant 16 : i32
      %mul3A_1188 = arith.muli %add3A_1186, %mul3A_1187 : i32
      %get3A_1189 = arith.index_cast %mul3A_1188 : i32 to index
      %get3A_1190 = tpu.vector_load %arg5[%get3A_1189] {strides = array<i32>} : memref<32768xi32, #tpu.memory_space<vmem>>, vector<16xi32>,
      %mul3A_1191 = arith.constant 3 : i32
      %mul3A_1192 = vector.broadcast %mul3A_1191 : i32 to vector<16xi32>
      %mul3A_1193 = arith.muli %get3A_1190, %mul3A_1192 : vector<16xi32>
      %shift_left3A_1194 = arith.constant 1 : i32
      %shift_left3A_1195 = vector.broadcast %shift_left3A_1194 : i32 to vector<16xi32>
      %shift_left3A_1196 = arith.shli %shift_left3A_1195, %mul3A_1193 : vector<16xi32>
      %add3A_1197 = arith.addi %add3A_1182, %shift_left3A_1196 : vector<16xi32>
      %add3A_1198 = arith.constant 14 : i32
      %add3A_1199 = arith.addi %mul3A_889, %add3A_1198 : i32
      %add3A_1200 = arith.constant 6 : i32
      %add3A_1201 = arith.addi %add3A_1199, %add3A_1200 : i32
      %mul3A_1202 = arith.constant 16 : i32
      %mul3A_1203 = arith.muli %add3A_1201, %mul3A_1202 : i32
      %get3A_1204 = arith.index_cast %mul3A_1203 : i32 to index
      %get3A_1205 = tpu.vector_load %arg5[%get3A_1204] {strides = array<i32>} : memref<32768xi32, #tpu.memory_space<vmem>>, vector<16xi32>,
      %mul3A_1206 = arith.constant 3 : i32
      %mul3A_1207 = vector.broadcast %mul3A_1206 : i32 to vector<16xi32>
      %mul3A_1208 = arith.muli %get3A_1205, %mul3A_1207 : vector<16xi32>
      %shift_left3A_1209 = arith.constant 1 : i32
      %shift_left3A_1210 = vector.broadcast %shift_left3A_1209 : i32 to vector<16xi32>
      %shift_left3A_1211 = arith.shli %shift_left3A_1210, %mul3A_1208 : vector<16xi32>
      %add3A_1212 = arith.addi %add3A_1197, %shift_left3A_1211 : vector<16xi32>
      %add3A_1213 = arith.constant 21 : i32
      %add3A_1214 = arith.addi %mul3A_889, %add3A_1213 : i32
      %add3A_1215 = arith.constant 0 : i32
      %add3A_1216 = arith.addi %add3A_1214, %add3A_1215 : i32
      %mul3A_1217 = arith.constant 16 : i32
      %mul3A_1218 = arith.muli %add3A_1216, %mul3A_1217 : i32
      %get3A_1219 = arith.index_cast %mul3A_1218 : i32 to index
      %get3A_1220 = tpu.vector_load %arg5[%get3A_1219] {strides = array<i32>} : memref<32768xi32, #tpu.memory_space<vmem>>, vector<16xi32>,
      %mul3A_1221 = arith.constant 3 : i32
      %mul3A_1222 = vector.broadcast %mul3A_1221 : i32 to vector<16xi32>
      %mul3A_1223 = arith.muli %get3A_1220, %mul3A_1222 : vector<16xi32>
      %shift_left3A_1224 = arith.constant 1 : i32
      %shift_left3A_1225 = vector.broadcast %shift_left3A_1224 : i32 to vector<16xi32>
      %shift_left3A_1226 = arith.shli %shift_left3A_1225, %mul3A_1223 : vector<16xi32>
      %add3A_1227 = arith.addi %broadcast_in_dim3A_897, %shift_left3A_1226 : vector<16xi32>
      %add3A_1228 = arith.constant 21 : i32
      %add3A_1229 = arith.addi %mul3A_889, %add3A_1228 : i32
      %add3A_1230 = arith.constant 1 : i32
      %add3A_1231 = arith.addi %add3A_1229, %add3A_1230 : i32
      %mul3A_1232 = arith.constant 16 : i32
      %mul3A_1233 = arith.muli %add3A_1231, %mul3A_1232 : i32
      %get3A_1234 = arith.index_cast %mul3A_1233 : i32 to index
      %get3A_1235 = tpu.vector_load %arg5[%get3A_1234] {strides = array<i32>} : memref<32768xi32, #tpu.memory_space<vmem>>, vector<16xi32>,
      %mul3A_1236 = arith.constant 3 : i32
      %mul3A_1237 = vector.broadcast %mul3A_1236 : i32 to vector<16xi32>
      %mul3A_1238 = arith.muli %get3A_1235, %mul3A_1237 : vector<16xi32>
      %shift_left3A_1239 = arith.constant 1 : i32
      %shift_left3A_1240 = vector.broadcast %shift_left3A_1239 : i32 to vector<16xi32>
      %shift_left3A_1241 = arith.shli %shift_left3A_1240, %mul3A_1238 : vector<16xi32>
      %add3A_1242 = arith.addi %add3A_1227, %shift_left3A_1241 : vector<16xi32>
      %add3A_1243 = arith.constant 21 : i32
      %add3A_1244 = arith.addi %mul3A_889, %add3A_1243 : i32
      %add3A_1245 = arith.constant 2 : i32
      %add3A_1246 = arith.addi %add3A_1244, %add3A_1245 : i32
      %mul3A_1247 = arith.constant 16 : i32
      %mul3A_1248 = arith.muli %add3A_1246, %mul3A_1247 : i32
      %get3A_1249 = arith.index_cast %mul3A_1248 : i32 to index
      %get3A_1250 = tpu.vector_load %arg5[%get3A_1249] {strides = array<i32>} : memref<32768xi32, #tpu.memory_space<vmem>>, vector<16xi32>,
      %mul3A_1251 = arith.constant 3 : i32
      %mul3A_1252 = vector.broadcast %mul3A_1251 : i32 to vector<16xi32>
      %mul3A_1253 = arith.muli %get3A_1250, %mul3A_1252 : vector<16xi32>
      %shift_left3A_1254 = arith.constant 1 : i32
      %shift_left3A_1255 = vector.broadcast %shift_left3A_1254 : i32 to vector<16xi32>
      %shift_left3A_1256 = arith.shli %shift_left3A_1255, %mul3A_1253 : vector<16xi32>
      %add3A_1257 = arith.addi %add3A_1242, %shift_left3A_1256 : vector<16xi32>
      %add3A_1258 = arith.constant 21 : i32
      %add3A_1259 = arith.addi %mul3A_889, %add3A_1258 : i32
      %add3A_1260 = arith.constant 3 : i32
      %add3A_1261 = arith.addi %add3A_1259, %add3A_1260 : i32
      %mul3A_1262 = arith.constant 16 : i32
      %mul3A_1263 = arith.muli %add3A_1261, %mul3A_1262 : i32
      %get3A_1264 = arith.index_cast %mul3A_1263 : i32 to index
      %get3A_1265 = tpu.vector_load %arg5[%get3A_1264] {strides = array<i32>} : memref<32768xi32, #tpu.memory_space<vmem>>, vector<16xi32>,
      %mul3A_1266 = arith.constant 3 : i32
      %mul3A_1267 = vector.broadcast %mul3A_1266 : i32 to vector<16xi32>
      %mul3A_1268 = arith.muli %get3A_1265, %mul3A_1267 : vector<16xi32>
      %shift_left3A_1269 = arith.constant 1 : i32
      %shift_left3A_1270 = vector.broadcast %shift_left3A_1269 : i32 to vector<16xi32>
      %shift_left3A_1271 = arith.shli %shift_left3A_1270, %mul3A_1268 : vector<16xi32>
      %add3A_1272 = arith.addi %add3A_1257, %shift_left3A_1271 : vector<16xi32>
      %add3A_1273 = arith.constant 21 : i32
      %add3A_1274 = arith.addi %mul3A_889, %add3A_1273 : i32
      %add3A_1275 = arith.constant 4 : i32
      %add3A_1276 = arith.addi %add3A_1274, %add3A_1275 : i32
      %mul3A_1277 = arith.constant 16 : i32
      %mul3A_1278 = arith.muli %add3A_1276, %mul3A_1277 : i32
      %get3A_1279 = arith.index_cast %mul3A_1278 : i32 to index
      %get3A_1280 = tpu.vector_load %arg5[%get3A_1279] {strides = array<i32>} : memref<32768xi32, #tpu.memory_space<vmem>>, vector<16xi32>,
      %mul3A_1281 = arith.constant 3 : i32
      %mul3A_1282 = vector.broadcast %mul3A_1281 : i32 to vector<16xi32>
      %mul3A_1283 = arith.muli %get3A_1280, %mul3A_1282 : vector<16xi32>
      %shift_left3A_1284 = arith.constant 1 : i32
      %shift_left3A_1285 = vector.broadcast %shift_left3A_1284 : i32 to vector<16xi32>
      %shift_left3A_1286 = arith.shli %shift_left3A_1285, %mul3A_1283 : vector<16xi32>
      %add3A_1287 = arith.addi %add3A_1272, %shift_left3A_1286 : vector<16xi32>
      %add3A_1288 = arith.constant 21 : i32
      %add3A_1289 = arith.addi %mul3A_889, %add3A_1288 : i32
      %add3A_1290 = arith.constant 5 : i32
      %add3A_1291 = arith.addi %add3A_1289, %add3A_1290 : i32
      %mul3A_1292 = arith.constant 16 : i32
      %mul3A_1293 = arith.muli %add3A_1291, %mul3A_1292 : i32
      %get3A_1294 = arith.index_cast %mul3A_1293 : i32 to index
      %get3A_1295 = tpu.vector_load %arg5[%get3A_1294] {strides = array<i32>} : memref<32768xi32, #tpu.memory_space<vmem>>, vector<16xi32>,
      %mul3A_1296 = arith.constant 3 : i32
      %mul3A_1297 = vector.broadcast %mul3A_1296 : i32 to vector<16xi32>
      %mul3A_1298 = arith.muli %get3A_1295, %mul3A_1297 : vector<16xi32>
      %shift_left3A_1299 = arith.constant 1 : i32
      %shift_left3A_1300 = vector.broadcast %shift_left3A_1299 : i32 to vector<16xi32>
      %shift_left3A_1301 = arith.shli %shift_left3A_1300, %mul3A_1298 : vector<16xi32>
      %add3A_1302 = arith.addi %add3A_1287, %shift_left3A_1301 : vector<16xi32>
      %add3A_1303 = arith.constant 21 : i32
      %add3A_1304 = arith.addi %mul3A_889, %add3A_1303 : i32
      %add3A_1305 = arith.constant 6 : i32
      %add3A_1306 = arith.addi %add3A_1304, %add3A_1305 : i32
      %mul3A_1307 = arith.constant 16 : i32
      %mul3A_1308 = arith.muli %add3A_1306, %mul3A_1307 : i32
      %get3A_1309 = arith.index_cast %mul3A_1308 : i32 to index
      %get3A_1310 = tpu.vector_load %arg5[%get3A_1309] {strides = array<i32>} : memref<32768xi32, #tpu.memory_space<vmem>>, vector<16xi32>,
      %mul3A_1311 = arith.constant 3 : i32
      %mul3A_1312 = vector.broadcast %mul3A_1311 : i32 to vector<16xi32>
      %mul3A_1313 = arith.muli %get3A_1310, %mul3A_1312 : vector<16xi32>
      %shift_left3A_1314 = arith.constant 1 : i32
      %shift_left3A_1315 = vector.broadcast %shift_left3A_1314 : i32 to vector<16xi32>
      %shift_left3A_1316 = arith.shli %shift_left3A_1315, %mul3A_1313 : vector<16xi32>
      %add3A_1317 = arith.addi %add3A_1302, %shift_left3A_1316 : vector<16xi32>
      %and3A_1318 = arith.constant 119304647 : i32
      %and3A_1319 = vector.broadcast %and3A_1318 : i32 to vector<16xi32>
      %and3A_1320 = arith.andi %add3A_1002, %and3A_1319 : vector<16xi32>
      %add3A_1321 = arith.addi %broadcast_in_dim3A_885, %and3A_1320 : vector<16xi32>
      %shift_right_arithmetic3A_1322 = arith.constant 3 : i32
      %shift_right_arithmetic3A_1323 = vector.broadcast %shift_right_arithmetic3A_1322 : i32 to vector<16xi32>
      %shift_right_arithmetic3A_1324 = arith.shrsi %add3A_1002, %shift_right_arithmetic3A_1323 : vector<16xi32>
      %and3A_1325 = arith.constant 119304647 : i32
      %and3A_1326 = vector.broadcast %and3A_1325 : i32 to vector<16xi32>
      %and3A_1327 = arith.andi %shift_right_arithmetic3A_1324, %and3A_1326 : vector<16xi32>
      %add3A_1328 = arith.addi %broadcast_in_dim3A_887, %and3A_1327 : vector<16xi32>
      %and3A_1329 = arith.constant 119304647 : i32
      %and3A_1330 = vector.broadcast %and3A_1329 : i32 to vector<16xi32>
      %and3A_1331 = arith.andi %add3A_1107, %and3A_1330 : vector<16xi32>
      %add3A_1332 = arith.addi %add3A_1321, %and3A_1331 : vector<16xi32>
      %shift_right_arithmetic3A_1333 = arith.constant 3 : i32
      %shift_right_arithmetic3A_1334 = vector.broadcast %shift_right_arithmetic3A_1333 : i32 to vector<16xi32>
      %shift_right_arithmetic3A_1335 = arith.shrsi %add3A_1107, %shift_right_arithmetic3A_1334 : vector<16xi32>
      %and3A_1336 = arith.constant 119304647 : i32
      %and3A_1337 = vector.broadcast %and3A_1336 : i32 to vector<16xi32>
      %and3A_1338 = arith.andi %shift_right_arithmetic3A_1335, %and3A_1337 : vector<16xi32>
      %add3A_1339 = arith.addi %add3A_1328, %and3A_1338 : vector<16xi32>
      %and3A_1340 = arith.constant 119304647 : i32
      %and3A_1341 = vector.broadcast %and3A_1340 : i32 to vector<16xi32>
      %and3A_1342 = arith.andi %add3A_1212, %and3A_1341 : vector<16xi32>
      %add3A_1343 = arith.addi %add3A_1332, %and3A_1342 : vector<16xi32>
      %shift_right_arithmetic3A_1344 = arith.constant 3 : i32
      %shift_right_arithmetic3A_1345 = vector.broadcast %shift_right_arithmetic3A_1344 : i32 to vector<16xi32>
      %shift_right_arithmetic3A_1346 = arith.shrsi %add3A_1212, %shift_right_arithmetic3A_1345 : vector<16xi32>
      %and3A_1347 = arith.constant 119304647 : i32
      %and3A_1348 = vector.broadcast %and3A_1347 : i32 to vector<16xi32>
      %and3A_1349 = arith.andi %shift_right_arithmetic3A_1346, %and3A_1348 : vector<16xi32>
      %add3A_1350 = arith.addi %add3A_1339, %and3A_1349 : vector<16xi32>
      %and3A_1351 = arith.constant 119304647 : i32
      %and3A_1352 = vector.broadcast %and3A_1351 : i32 to vector<16xi32>
      %and3A_1353 = arith.andi %add3A_1317, %and3A_1352 : vector<16xi32>
      %add3A_1354 = arith.addi %add3A_1343, %and3A_1353 : vector<16xi32>
      %shift_right_arithmetic3A_1355 = arith.constant 3 : i32
      %shift_right_arithmetic3A_1356 = vector.broadcast %shift_right_arithmetic3A_1355 : i32 to vector<16xi32>
      %shift_right_arithmetic3A_1357 = arith.shrsi %add3A_1317, %shift_right_arithmetic3A_1356 : vector<16xi32>
      %and3A_1358 = arith.constant 119304647 : i32
      %and3A_1359 = vector.broadcast %and3A_1358 : i32 to vector<16xi32>
      %and3A_1360 = arith.andi %shift_right_arithmetic3A_1357, %and3A_1359 : vector<16xi32>
      %add3A_1361 = arith.addi %add3A_1350, %and3A_1360 : vector<16xi32>
      %add3A_1362 = arith.constant 28 : i32
      %add3A_1363 = arith.addi %mul3A_889, %add3A_1362 : i32
      %broadcast_in_dim3A_1364 = arith.constant 0 : i32
      %broadcast_in_dim3A_1365 = vector.broadcast %broadcast_in_dim3A_1364 : i32 to vector<16xi32>
      %broadcast_in_dim3A_1366 = arith.constant 0 : i32
      %broadcast_in_dim3A_1367 = vector.broadcast %broadcast_in_dim3A_1366 : i32 to vector<16xi32>
      %broadcast_in_dim3A_1368 = arith.constant 0 : i32
      %broadcast_in_dim3A_1369 = vector.broadcast %broadcast_in_dim3A_1368 : i32 to vector<16xi32>
      %broadcast_in_dim3A_1370 = arith.constant 0 : i32
      %broadcast_in_dim3A_1371 = vector.broadcast %broadcast_in_dim3A_1370 : i32 to vector<16xi32>
      %add3A_1372 = arith.constant 0 : i32
      %add3A_1373 = arith.addi %add3A_1363, %add3A_1372 : i32
      %add3A_1374 = arith.constant 0 : i32
      %add3A_1375 = arith.addi %add3A_1373, %add3A_1374 : i32
      %mul3A_1376 = arith.constant 16 : i32
      %mul3A_1377 = arith.muli %add3A_1375, %mul3A_1376 : i32
      %get3A_1378 = arith.index_cast %mul3A_1377 : i32 to index
      %get3A_1379 = tpu.vector_load %arg5[%get3A_1378] {strides = array<i32>} : memref<32768xi32, #tpu.memory_space<vmem>>, vector<16xi32>,
      %mul3A_1380 = arith.constant 3 : i32
      %mul3A_1381 = vector.broadcast %mul3A_1380 : i32 to vector<16xi32>
      %mul3A_1382 = arith.muli %get3A_1379, %mul3A_1381 : vector<16xi32>
      %shift_left3A_1383 = arith.constant 1 : i32
      %shift_left3A_1384 = vector.broadcast %shift_left3A_1383 : i32 to vector<16xi32>
      %shift_left3A_1385 = arith.shli %shift_left3A_1384, %mul3A_1382 : vector<16xi32>
      %add3A_1386 = arith.addi %broadcast_in_dim3A_1365, %shift_left3A_1385 : vector<16xi32>
      %add3A_1387 = arith.constant 0 : i32
      %add3A_1388 = arith.addi %add3A_1363, %add3A_1387 : i32
      %add3A_1389 = arith.constant 1 : i32
      %add3A_1390 = arith.addi %add3A_1388, %add3A_1389 : i32
      %mul3A_1391 = arith.constant 16 : i32
      %mul3A_1392 = arith.muli %add3A_1390, %mul3A_1391 : i32
      %get3A_1393 = arith.index_cast %mul3A_1392 : i32 to index
      %get3A_1394 = tpu.vector_load %arg5[%get3A_1393] {strides = array<i32>} : memref<32768xi32, #tpu.memory_space<vmem>>, vector<16xi32>,
      %mul3A_1395 = arith.constant 3 : i32
      %mul3A_1396 = vector.broadcast %mul3A_1395 : i32 to vector<16xi32>
      %mul3A_1397 = arith.muli %get3A_1394, %mul3A_1396 : vector<16xi32>
      %shift_left3A_1398 = arith.constant 1 : i32
      %shift_left3A_1399 = vector.broadcast %shift_left3A_1398 : i32 to vector<16xi32>
      %shift_left3A_1400 = arith.shli %shift_left3A_1399, %mul3A_1397 : vector<16xi32>
      %add3A_1401 = arith.addi %add3A_1386, %shift_left3A_1400 : vector<16xi32>
      %add3A_1402 = arith.constant 0 : i32
      %add3A_1403 = arith.addi %add3A_1363, %add3A_1402 : i32
      %add3A_1404 = arith.constant 2 : i32
      %add3A_1405 = arith.addi %add3A_1403, %add3A_1404 : i32
      %mul3A_1406 = arith.constant 16 : i32
      %mul3A_1407 = arith.muli %add3A_1405, %mul3A_1406 : i32
      %get3A_1408 = arith.index_cast %mul3A_1407 : i32 to index
      %get3A_1409 = tpu.vector_load %arg5[%get3A_1408] {strides = array<i32>} : memref<32768xi32, #tpu.memory_space<vmem>>, vector<16xi32>,
      %mul3A_1410 = arith.constant 3 : i32
      %mul3A_1411 = vector.broadcast %mul3A_1410 : i32 to vector<16xi32>
      %mul3A_1412 = arith.muli %get3A_1409, %mul3A_1411 : vector<16xi32>
      %shift_left3A_1413 = arith.constant 1 : i32
      %shift_left3A_1414 = vector.broadcast %shift_left3A_1413 : i32 to vector<16xi32>
      %shift_left3A_1415 = arith.shli %shift_left3A_1414, %mul3A_1412 : vector<16xi32>
      %add3A_1416 = arith.addi %add3A_1401, %shift_left3A_1415 : vector<16xi32>
      %add3A_1417 = arith.constant 0 : i32
      %add3A_1418 = arith.addi %add3A_1363, %add3A_1417 : i32
      %add3A_1419 = arith.constant 3 : i32
      %add3A_1420 = arith.addi %add3A_1418, %add3A_1419 : i32
      %mul3A_1421 = arith.constant 16 : i32
      %mul3A_1422 = arith.muli %add3A_1420, %mul3A_1421 : i32
      %get3A_1423 = arith.index_cast %mul3A_1422 : i32 to index
      %get3A_1424 = tpu.vector_load %arg5[%get3A_1423] {strides = array<i32>} : memref<32768xi32, #tpu.memory_space<vmem>>, vector<16xi32>,
      %mul3A_1425 = arith.constant 3 : i32
      %mul3A_1426 = vector.broadcast %mul3A_1425 : i32 to vector<16xi32>
      %mul3A_1427 = arith.muli %get3A_1424, %mul3A_1426 : vector<16xi32>
      %shift_left3A_1428 = arith.constant 1 : i32
      %shift_left3A_1429 = vector.broadcast %shift_left3A_1428 : i32 to vector<16xi32>
      %shift_left3A_1430 = arith.shli %shift_left3A_1429, %mul3A_1427 : vector<16xi32>
      %add3A_1431 = arith.addi %add3A_1416, %shift_left3A_1430 : vector<16xi32>
      %add3A_1432 = arith.constant 0 : i32
      %add3A_1433 = arith.addi %add3A_1363, %add3A_1432 : i32
      %add3A_1434 = arith.constant 4 : i32
      %add3A_1435 = arith.addi %add3A_1433, %add3A_1434 : i32
      %mul3A_1436 = arith.constant 16 : i32
      %mul3A_1437 = arith.muli %add3A_1435, %mul3A_1436 : i32
      %get3A_1438 = arith.index_cast %mul3A_1437 : i32 to index
      %get3A_1439 = tpu.vector_load %arg5[%get3A_1438] {strides = array<i32>} : memref<32768xi32, #tpu.memory_space<vmem>>, vector<16xi32>,
      %mul3A_1440 = arith.constant 3 : i32
      %mul3A_1441 = vector.broadcast %mul3A_1440 : i32 to vector<16xi32>
      %mul3A_1442 = arith.muli %get3A_1439, %mul3A_1441 : vector<16xi32>
      %shift_left3A_1443 = arith.constant 1 : i32
      %shift_left3A_1444 = vector.broadcast %shift_left3A_1443 : i32 to vector<16xi32>
      %shift_left3A_1445 = arith.shli %shift_left3A_1444, %mul3A_1442 : vector<16xi32>
      %add3A_1446 = arith.addi %add3A_1431, %shift_left3A_1445 : vector<16xi32>
      %add3A_1447 = arith.constant 0 : i32
      %add3A_1448 = arith.addi %add3A_1363, %add3A_1447 : i32
      %add3A_1449 = arith.constant 5 : i32
      %add3A_1450 = arith.addi %add3A_1448, %add3A_1449 : i32
      %mul3A_1451 = arith.constant 16 : i32
      %mul3A_1452 = arith.muli %add3A_1450, %mul3A_1451 : i32
      %get3A_1453 = arith.index_cast %mul3A_1452 : i32 to index
      %get3A_1454 = tpu.vector_load %arg5[%get3A_1453] {strides = array<i32>} : memref<32768xi32, #tpu.memory_space<vmem>>, vector<16xi32>,
      %mul3A_1455 = arith.constant 3 : i32
      %mul3A_1456 = vector.broadcast %mul3A_1455 : i32 to vector<16xi32>
      %mul3A_1457 = arith.muli %get3A_1454, %mul3A_1456 : vector<16xi32>
      %shift_left3A_1458 = arith.constant 1 : i32
      %shift_left3A_1459 = vector.broadcast %shift_left3A_1458 : i32 to vector<16xi32>
      %shift_left3A_1460 = arith.shli %shift_left3A_1459, %mul3A_1457 : vector<16xi32>
      %add3A_1461 = arith.addi %add3A_1446, %shift_left3A_1460 : vector<16xi32>
      %add3A_1462 = arith.constant 0 : i32
      %add3A_1463 = arith.addi %add3A_1363, %add3A_1462 : i32
      %add3A_1464 = arith.constant 6 : i32
      %add3A_1465 = arith.addi %add3A_1463, %add3A_1464 : i32
      %mul3A_1466 = arith.constant 16 : i32
      %mul3A_1467 = arith.muli %add3A_1465, %mul3A_1466 : i32
      %get3A_1468 = arith.index_cast %mul3A_1467 : i32 to index
      %get3A_1469 = tpu.vector_load %arg5[%get3A_1468] {strides = array<i32>} : memref<32768xi32, #tpu.memory_space<vmem>>, vector<16xi32>,
      %mul3A_1470 = arith.constant 3 : i32
      %mul3A_1471 = vector.broadcast %mul3A_1470 : i32 to vector<16xi32>
      %mul3A_1472 = arith.muli %get3A_1469, %mul3A_1471 : vector<16xi32>
      %shift_left3A_1473 = arith.constant 1 : i32
      %shift_left3A_1474 = vector.broadcast %shift_left3A_1473 : i32 to vector<16xi32>
      %shift_left3A_1475 = arith.shli %shift_left3A_1474, %mul3A_1472 : vector<16xi32>
      %add3A_1476 = arith.addi %add3A_1461, %shift_left3A_1475 : vector<16xi32>
      %add3A_1477 = arith.constant 7 : i32
      %add3A_1478 = arith.addi %add3A_1363, %add3A_1477 : i32
      %add3A_1479 = arith.constant 0 : i32
      %add3A_1480 = arith.addi %add3A_1478, %add3A_1479 : i32
      %mul3A_1481 = arith.constant 16 : i32
      %mul3A_1482 = arith.muli %add3A_1480, %mul3A_1481 : i32
      %get3A_1483 = arith.index_cast %mul3A_1482 : i32 to index
      %get3A_1484 = tpu.vector_load %arg5[%get3A_1483] {strides = array<i32>} : memref<32768xi32, #tpu.memory_space<vmem>>, vector<16xi32>,
      %mul3A_1485 = arith.constant 3 : i32
      %mul3A_1486 = vector.broadcast %mul3A_1485 : i32 to vector<16xi32>
      %mul3A_1487 = arith.muli %get3A_1484, %mul3A_1486 : vector<16xi32>
      %shift_left3A_1488 = arith.constant 1 : i32
      %shift_left3A_1489 = vector.broadcast %shift_left3A_1488 : i32 to vector<16xi32>
      %shift_left3A_1490 = arith.shli %shift_left3A_1489, %mul3A_1487 : vector<16xi32>
      %add3A_1491 = arith.addi %broadcast_in_dim3A_1367, %shift_left3A_1490 : vector<16xi32>
      %add3A_1492 = arith.constant 7 : i32
      %add3A_1493 = arith.addi %add3A_1363, %add3A_1492 : i32
      %add3A_1494 = arith.constant 1 : i32
      %add3A_1495 = arith.addi %add3A_1493, %add3A_1494 : i32
      %mul3A_1496 = arith.constant 16 : i32
      %mul3A_1497 = arith.muli %add3A_1495, %mul3A_1496 : i32
      %get3A_1498 = arith.index_cast %mul3A_1497 : i32 to index
      %get3A_1499 = tpu.vector_load %arg5[%get3A_1498] {strides = array<i32>} : memref<32768xi32, #tpu.memory_space<vmem>>, vector<16xi32>,
      %mul3A_1500 = arith.constant 3 : i32
      %mul3A_1501 = vector.broadcast %mul3A_1500 : i32 to vector<16xi32>
      %mul3A_1502 = arith.muli %get3A_1499, %mul3A_1501 : vector<16xi32>
      %shift_left3A_1503 = arith.constant 1 : i32
      %shift_left3A_1504 = vector.broadcast %shift_left3A_1503 : i32 to vector<16xi32>
      %shift_left3A_1505 = arith.shli %shift_left3A_1504, %mul3A_1502 : vector<16xi32>
      %add3A_1506 = arith.addi %add3A_1491, %shift_left3A_1505 : vector<16xi32>
      %add3A_1507 = arith.constant 7 : i32
      %add3A_1508 = arith.addi %add3A_1363, %add3A_1507 : i32
      %add3A_1509 = arith.constant 2 : i32
      %add3A_1510 = arith.addi %add3A_1508, %add3A_1509 : i32
      %mul3A_1511 = arith.constant 16 : i32
      %mul3A_1512 = arith.muli %add3A_1510, %mul3A_1511 : i32
      %get3A_1513 = arith.index_cast %mul3A_1512 : i32 to index
      %get3A_1514 = tpu.vector_load %arg5[%get3A_1513] {strides = array<i32>} : memref<32768xi32, #tpu.memory_space<vmem>>, vector<16xi32>,
      %mul3A_1515 = arith.constant 3 : i32
      %mul3A_1516 = vector.broadcast %mul3A_1515 : i32 to vector<16xi32>
      %mul3A_1517 = arith.muli %get3A_1514, %mul3A_1516 : vector<16xi32>
      %shift_left3A_1518 = arith.constant 1 : i32
      %shift_left3A_1519 = vector.broadcast %shift_left3A_1518 : i32 to vector<16xi32>
      %shift_left3A_1520 = arith.shli %shift_left3A_1519, %mul3A_1517 : vector<16xi32>
      %add3A_1521 = arith.addi %add3A_1506, %shift_left3A_1520 : vector<16xi32>
      %add3A_1522 = arith.constant 7 : i32
      %add3A_1523 = arith.addi %add3A_1363, %add3A_1522 : i32
      %add3A_1524 = arith.constant 3 : i32
      %add3A_1525 = arith.addi %add3A_1523, %add3A_1524 : i32
      %mul3A_1526 = arith.constant 16 : i32
      %mul3A_1527 = arith.muli %add3A_1525, %mul3A_1526 : i32
      %get3A_1528 = arith.index_cast %mul3A_1527 : i32 to index
      %get3A_1529 = tpu.vector_load %arg5[%get3A_1528] {strides = array<i32>} : memref<32768xi32, #tpu.memory_space<vmem>>, vector<16xi32>,
      %mul3A_1530 = arith.constant 3 : i32
      %mul3A_1531 = vector.broadcast %mul3A_1530 : i32 to vector<16xi32>
      %mul3A_1532 = arith.muli %get3A_1529, %mul3A_1531 : vector<16xi32>
      %shift_left3A_1533 = arith.constant 1 : i32
      %shift_left3A_1534 = vector.broadcast %shift_left3A_1533 : i32 to vector<16xi32>
      %shift_left3A_1535 = arith.shli %shift_left3A_1534, %mul3A_1532 : vector<16xi32>
      %add3A_1536 = arith.addi %add3A_1521, %shift_left3A_1535 : vector<16xi32>
      %add3A_1537 = arith.constant 7 : i32
      %add3A_1538 = arith.addi %add3A_1363, %add3A_1537 : i32
      %add3A_1539 = arith.constant 4 : i32
      %add3A_1540 = arith.addi %add3A_1538, %add3A_1539 : i32
      %mul3A_1541 = arith.constant 16 : i32
      %mul3A_1542 = arith.muli %add3A_1540, %mul3A_1541 : i32
      %get3A_1543 = arith.index_cast %mul3A_1542 : i32 to index
      %get3A_1544 = tpu.vector_load %arg5[%get3A_1543] {strides = array<i32>} : memref<32768xi32, #tpu.memory_space<vmem>>, vector<16xi32>,
      %mul3A_1545 = arith.constant 3 : i32
      %mul3A_1546 = vector.broadcast %mul3A_1545 : i32 to vector<16xi32>
      %mul3A_1547 = arith.muli %get3A_1544, %mul3A_1546 : vector<16xi32>
      %shift_left3A_1548 = arith.constant 1 : i32
      %shift_left3A_1549 = vector.broadcast %shift_left3A_1548 : i32 to vector<16xi32>
      %shift_left3A_1550 = arith.shli %shift_left3A_1549, %mul3A_1547 : vector<16xi32>
      %add3A_1551 = arith.addi %add3A_1536, %shift_left3A_1550 : vector<16xi32>
      %add3A_1552 = arith.constant 7 : i32
      %add3A_1553 = arith.addi %add3A_1363, %add3A_1552 : i32
      %add3A_1554 = arith.constant 5 : i32
      %add3A_1555 = arith.addi %add3A_1553, %add3A_1554 : i32
      %mul3A_1556 = arith.constant 16 : i32
      %mul3A_1557 = arith.muli %add3A_1555, %mul3A_1556 : i32
      %get3A_1558 = arith.index_cast %mul3A_1557 : i32 to index
      %get3A_1559 = tpu.vector_load %arg5[%get3A_1558] {strides = array<i32>} : memref<32768xi32, #tpu.memory_space<vmem>>, vector<16xi32>,
      %mul3A_1560 = arith.constant 3 : i32
      %mul3A_1561 = vector.broadcast %mul3A_1560 : i32 to vector<16xi32>
      %mul3A_1562 = arith.muli %get3A_1559, %mul3A_1561 : vector<16xi32>
      %shift_left3A_1563 = arith.constant 1 : i32
      %shift_left3A_1564 = vector.broadcast %shift_left3A_1563 : i32 to vector<16xi32>
      %shift_left3A_1565 = arith.shli %shift_left3A_1564, %mul3A_1562 : vector<16xi32>
      %add3A_1566 = arith.addi %add3A_1551, %shift_left3A_1565 : vector<16xi32>
      %add3A_1567 = arith.constant 7 : i32
      %add3A_1568 = arith.addi %add3A_1363, %add3A_1567 : i32
      %add3A_1569 = arith.constant 6 : i32
      %add3A_1570 = arith.addi %add3A_1568, %add3A_1569 : i32
      %mul3A_1571 = arith.constant 16 : i32
      %mul3A_1572 = arith.muli %add3A_1570, %mul3A_1571 : i32
      %get3A_1573 = arith.index_cast %mul3A_1572 : i32 to index
      %get3A_1574 = tpu.vector_load %arg5[%get3A_1573] {strides = array<i32>} : memref<32768xi32, #tpu.memory_space<vmem>>, vector<16xi32>,
      %mul3A_1575 = arith.constant 3 : i32
      %mul3A_1576 = vector.broadcast %mul3A_1575 : i32 to vector<16xi32>
      %mul3A_1577 = arith.muli %get3A_1574, %mul3A_1576 : vector<16xi32>
      %shift_left3A_1578 = arith.constant 1 : i32
      %shift_left3A_1579 = vector.broadcast %shift_left3A_1578 : i32 to vector<16xi32>
      %shift_left3A_1580 = arith.shli %shift_left3A_1579, %mul3A_1577 : vector<16xi32>
      %add3A_1581 = arith.addi %add3A_1566, %shift_left3A_1580 : vector<16xi32>
      %add3A_1582 = arith.constant 14 : i32
      %add3A_1583 = arith.addi %add3A_1363, %add3A_1582 : i32
      %add3A_1584 = arith.constant 0 : i32
      %add3A_1585 = arith.addi %add3A_1583, %add3A_1584 : i32
      %mul3A_1586 = arith.constant 16 : i32
      %mul3A_1587 = arith.muli %add3A_1585, %mul3A_1586 : i32
      %get3A_1588 = arith.index_cast %mul3A_1587 : i32 to index
      %get3A_1589 = tpu.vector_load %arg5[%get3A_1588] {strides = array<i32>} : memref<32768xi32, #tpu.memory_space<vmem>>, vector<16xi32>,
      %mul3A_1590 = arith.constant 3 : i32
      %mul3A_1591 = vector.broadcast %mul3A_1590 : i32 to vector<16xi32>
      %mul3A_1592 = arith.muli %get3A_1589, %mul3A_1591 : vector<16xi32>
      %shift_left3A_1593 = arith.constant 1 : i32
      %shift_left3A_1594 = vector.broadcast %shift_left3A_1593 : i32 to vector<16xi32>
      %shift_left3A_1595 = arith.shli %shift_left3A_1594, %mul3A_1592 : vector<16xi32>
      %add3A_1596 = arith.addi %broadcast_in_dim3A_1369, %shift_left3A_1595 : vector<16xi32>
      %add3A_1597 = arith.constant 14 : i32
      %add3A_1598 = arith.addi %add3A_1363, %add3A_1597 : i32
      %add3A_1599 = arith.constant 1 : i32
      %add3A_1600 = arith.addi %add3A_1598, %add3A_1599 : i32
      %mul3A_1601 = arith.constant 16 : i32
      %mul3A_1602 = arith.muli %add3A_1600, %mul3A_1601 : i32
      %get3A_1603 = arith.index_cast %mul3A_1602 : i32 to index
      %get3A_1604 = tpu.vector_load %arg5[%get3A_1603] {strides = array<i32>} : memref<32768xi32, #tpu.memory_space<vmem>>, vector<16xi32>,
      %mul3A_1605 = arith.constant 3 : i32
      %mul3A_1606 = vector.broadcast %mul3A_1605 : i32 to vector<16xi32>
      %mul3A_1607 = arith.muli %get3A_1604, %mul3A_1606 : vector<16xi32>
      %shift_left3A_1608 = arith.constant 1 : i32
      %shift_left3A_1609 = vector.broadcast %shift_left3A_1608 : i32 to vector<16xi32>
      %shift_left3A_1610 = arith.shli %shift_left3A_1609, %mul3A_1607 : vector<16xi32>
      %add3A_1611 = arith.addi %add3A_1596, %shift_left3A_1610 : vector<16xi32>
      %add3A_1612 = arith.constant 14 : i32
      %add3A_1613 = arith.addi %add3A_1363, %add3A_1612 : i32
      %add3A_1614 = arith.constant 2 : i32
      %add3A_1615 = arith.addi %add3A_1613, %add3A_1614 : i32
      %mul3A_1616 = arith.constant 16 : i32
      %mul3A_1617 = arith.muli %add3A_1615, %mul3A_1616 : i32
      %get3A_1618 = arith.index_cast %mul3A_1617 : i32 to index
      %get3A_1619 = tpu.vector_load %arg5[%get3A_1618] {strides = array<i32>} : memref<32768xi32, #tpu.memory_space<vmem>>, vector<16xi32>,
      %mul3A_1620 = arith.constant 3 : i32
      %mul3A_1621 = vector.broadcast %mul3A_1620 : i32 to vector<16xi32>
      %mul3A_1622 = arith.muli %get3A_1619, %mul3A_1621 : vector<16xi32>
      %shift_left3A_1623 = arith.constant 1 : i32
      %shift_left3A_1624 = vector.broadcast %shift_left3A_1623 : i32 to vector<16xi32>
      %shift_left3A_1625 = arith.shli %shift_left3A_1624, %mul3A_1622 : vector<16xi32>
      %add3A_1626 = arith.addi %add3A_1611, %shift_left3A_1625 : vector<16xi32>
      %add3A_1627 = arith.constant 14 : i32
      %add3A_1628 = arith.addi %add3A_1363, %add3A_1627 : i32
      %add3A_1629 = arith.constant 3 : i32
      %add3A_1630 = arith.addi %add3A_1628, %add3A_1629 : i32
      %mul3A_1631 = arith.constant 16 : i32
      %mul3A_1632 = arith.muli %add3A_1630, %mul3A_1631 : i32
      %get3A_1633 = arith.index_cast %mul3A_1632 : i32 to index
      %get3A_1634 = tpu.vector_load %arg5[%get3A_1633] {strides = array<i32>} : memref<32768xi32, #tpu.memory_space<vmem>>, vector<16xi32>,
      %mul3A_1635 = arith.constant 3 : i32
      %mul3A_1636 = vector.broadcast %mul3A_1635 : i32 to vector<16xi32>
      %mul3A_1637 = arith.muli %get3A_1634, %mul3A_1636 : vector<16xi32>
      %shift_left3A_1638 = arith.constant 1 : i32
      %shift_left3A_1639 = vector.broadcast %shift_left3A_1638 : i32 to vector<16xi32>
      %shift_left3A_1640 = arith.shli %shift_left3A_1639, %mul3A_1637 : vector<16xi32>
      %add3A_1641 = arith.addi %add3A_1626, %shift_left3A_1640 : vector<16xi32>
      %add3A_1642 = arith.constant 14 : i32
      %add3A_1643 = arith.addi %add3A_1363, %add3A_1642 : i32
      %add3A_1644 = arith.constant 4 : i32
      %add3A_1645 = arith.addi %add3A_1643, %add3A_1644 : i32
      %mul3A_1646 = arith.constant 16 : i32
      %mul3A_1647 = arith.muli %add3A_1645, %mul3A_1646 : i32
      %get3A_1648 = arith.index_cast %mul3A_1647 : i32 to index
      %get3A_1649 = tpu.vector_load %arg5[%get3A_1648] {strides = array<i32>} : memref<32768xi32, #tpu.memory_space<vmem>>, vector<16xi32>,
      %mul3A_1650 = arith.constant 3 : i32
      %mul3A_1651 = vector.broadcast %mul3A_1650 : i32 to vector<16xi32>
      %mul3A_1652 = arith.muli %get3A_1649, %mul3A_1651 : vector<16xi32>
      %shift_left3A_1653 = arith.constant 1 : i32
      %shift_left3A_1654 = vector.broadcast %shift_left3A_1653 : i32 to vector<16xi32>
      %shift_left3A_1655 = arith.shli %shift_left3A_1654, %mul3A_1652 : vector<16xi32>
      %add3A_1656 = arith.addi %add3A_1641, %shift_left3A_1655 : vector<16xi32>
      %add3A_1657 = arith.constant 14 : i32
      %add3A_1658 = arith.addi %add3A_1363, %add3A_1657 : i32
      %add3A_1659 = arith.constant 5 : i32
      %add3A_1660 = arith.addi %add3A_1658, %add3A_1659 : i32
      %mul3A_1661 = arith.constant 16 : i32
      %mul3A_1662 = arith.muli %add3A_1660, %mul3A_1661 : i32
      %get3A_1663 = arith.index_cast %mul3A_1662 : i32 to index
      %get3A_1664 = tpu.vector_load %arg5[%get3A_1663] {strides = array<i32>} : memref<32768xi32, #tpu.memory_space<vmem>>, vector<16xi32>,
      %mul3A_1665 = arith.constant 3 : i32
      %mul3A_1666 = vector.broadcast %mul3A_1665 : i32 to vector<16xi32>
      %mul3A_1667 = arith.muli %get3A_1664, %mul3A_1666 : vector<16xi32>
      %shift_left3A_1668 = arith.constant 1 : i32
      %shift_left3A_1669 = vector.broadcast %shift_left3A_1668 : i32 to vector<16xi32>
      %shift_left3A_1670 = arith.shli %shift_left3A_1669, %mul3A_1667 : vector<16xi32>
      %add3A_1671 = arith.addi %add3A_1656, %shift_left3A_1670 : vector<16xi32>
      %add3A_1672 = arith.constant 14 : i32
      %add3A_1673 = arith.addi %add3A_1363, %add3A_1672 : i32
      %add3A_1674 = arith.constant 6 : i32
      %add3A_1675 = arith.addi %add3A_1673, %add3A_1674 : i32
      %mul3A_1676 = arith.constant 16 : i32
      %mul3A_1677 = arith.muli %add3A_1675, %mul3A_1676 : i32
      %get3A_1678 = arith.index_cast %mul3A_1677 : i32 to index
      %get3A_1679 = tpu.vector_load %arg5[%get3A_1678] {strides = array<i32>} : memref<32768xi32, #tpu.memory_space<vmem>>, vector<16xi32>,
      %mul3A_1680 = arith.constant 3 : i32
      %mul3A_1681 = vector.broadcast %mul3A_1680 : i32 to vector<16xi32>
      %mul3A_1682 = arith.muli %get3A_1679, %mul3A_1681 : vector<16xi32>
      %shift_left3A_1683 = arith.constant 1 : i32
      %shift_left3A_1684 = vector.broadcast %shift_left3A_1683 : i32 to vector<16xi32>
      %shift_left3A_1685 = arith.shli %shift_left3A_1684, %mul3A_1682 : vector<16xi32>
      %add3A_1686 = arith.addi %add3A_1671, %shift_left3A_1685 : vector<16xi32>
      %add3A_1687 = arith.constant 21 : i32
      %add3A_1688 = arith.addi %add3A_1363, %add3A_1687 : i32
      %add3A_1689 = arith.constant 0 : i32
      %add3A_1690 = arith.addi %add3A_1688, %add3A_1689 : i32
      %mul3A_1691 = arith.constant 16 : i32
      %mul3A_1692 = arith.muli %add3A_1690, %mul3A_1691 : i32
      %get3A_1693 = arith.index_cast %mul3A_1692 : i32 to index
      %get3A_1694 = tpu.vector_load %arg5[%get3A_1693] {strides = array<i32>} : memref<32768xi32, #tpu.memory_space<vmem>>, vector<16xi32>,
      %mul3A_1695 = arith.constant 3 : i32
      %mul3A_1696 = vector.broadcast %mul3A_1695 : i32 to vector<16xi32>
      %mul3A_1697 = arith.muli %get3A_1694, %mul3A_1696 : vector<16xi32>
      %shift_left3A_1698 = arith.constant 1 : i32
      %shift_left3A_1699 = vector.broadcast %shift_left3A_1698 : i32 to vector<16xi32>
      %shift_left3A_1700 = arith.shli %shift_left3A_1699, %mul3A_1697 : vector<16xi32>
      %add3A_1701 = arith.addi %broadcast_in_dim3A_1371, %shift_left3A_1700 : vector<16xi32>
      %add3A_1702 = arith.constant 21 : i32
      %add3A_1703 = arith.addi %add3A_1363, %add3A_1702 : i32
      %add3A_1704 = arith.constant 1 : i32
      %add3A_1705 = arith.addi %add3A_1703, %add3A_1704 : i32
      %mul3A_1706 = arith.constant 16 : i32
      %mul3A_1707 = arith.muli %add3A_1705, %mul3A_1706 : i32
      %get3A_1708 = arith.index_cast %mul3A_1707 : i32 to index
      %get3A_1709 = tpu.vector_load %arg5[%get3A_1708] {strides = array<i32>} : memref<32768xi32, #tpu.memory_space<vmem>>, vector<16xi32>,
      %mul3A_1710 = arith.constant 3 : i32
      %mul3A_1711 = vector.broadcast %mul3A_1710 : i32 to vector<16xi32>
      %mul3A_1712 = arith.muli %get3A_1709, %mul3A_1711 : vector<16xi32>
      %shift_left3A_1713 = arith.constant 1 : i32
      %shift_left3A_1714 = vector.broadcast %shift_left3A_1713 : i32 to vector<16xi32>
      %shift_left3A_1715 = arith.shli %shift_left3A_1714, %mul3A_1712 : vector<16xi32>
      %add3A_1716 = arith.addi %add3A_1701, %shift_left3A_1715 : vector<16xi32>
      %add3A_1717 = arith.constant 21 : i32
      %add3A_1718 = arith.addi %add3A_1363, %add3A_1717 : i32
      %add3A_1719 = arith.constant 2 : i32
      %add3A_1720 = arith.addi %add3A_1718, %add3A_1719 : i32
      %mul3A_1721 = arith.constant 16 : i32
      %mul3A_1722 = arith.muli %add3A_1720, %mul3A_1721 : i32
      %get3A_1723 = arith.index_cast %mul3A_1722 : i32 to index
      %get3A_1724 = tpu.vector_load %arg5[%get3A_1723] {strides = array<i32>} : memref<32768xi32, #tpu.memory_space<vmem>>, vector<16xi32>,
      %mul3A_1725 = arith.constant 3 : i32
      %mul3A_1726 = vector.broadcast %mul3A_1725 : i32 to vector<16xi32>
      %mul3A_1727 = arith.muli %get3A_1724, %mul3A_1726 : vector<16xi32>
      %shift_left3A_1728 = arith.constant 1 : i32
      %shift_left3A_1729 = vector.broadcast %shift_left3A_1728 : i32 to vector<16xi32>
      %shift_left3A_1730 = arith.shli %shift_left3A_1729, %mul3A_1727 : vector<16xi32>
      %add3A_1731 = arith.addi %add3A_1716, %shift_left3A_1730 : vector<16xi32>
      %add3A_1732 = arith.constant 21 : i32
      %add3A_1733 = arith.addi %add3A_1363, %add3A_1732 : i32
      %add3A_1734 = arith.constant 3 : i32
      %add3A_1735 = arith.addi %add3A_1733, %add3A_1734 : i32
      %mul3A_1736 = arith.constant 16 : i32
      %mul3A_1737 = arith.muli %add3A_1735, %mul3A_1736 : i32
      %get3A_1738 = arith.index_cast %mul3A_1737 : i32 to index
      %get3A_1739 = tpu.vector_load %arg5[%get3A_1738] {strides = array<i32>} : memref<32768xi32, #tpu.memory_space<vmem>>, vector<16xi32>,
      %mul3A_1740 = arith.constant 3 : i32
      %mul3A_1741 = vector.broadcast %mul3A_1740 : i32 to vector<16xi32>
      %mul3A_1742 = arith.muli %get3A_1739, %mul3A_1741 : vector<16xi32>
      %shift_left3A_1743 = arith.constant 1 : i32
      %shift_left3A_1744 = vector.broadcast %shift_left3A_1743 : i32 to vector<16xi32>
      %shift_left3A_1745 = arith.shli %shift_left3A_1744, %mul3A_1742 : vector<16xi32>
      %add3A_1746 = arith.addi %add3A_1731, %shift_left3A_1745 : vector<16xi32>
      %add3A_1747 = arith.constant 21 : i32
      %add3A_1748 = arith.addi %add3A_1363, %add3A_1747 : i32
      %add3A_1749 = arith.constant 4 : i32
      %add3A_1750 = arith.addi %add3A_1748, %add3A_1749 : i32
      %mul3A_1751 = arith.constant 16 : i32
      %mul3A_1752 = arith.muli %add3A_1750, %mul3A_1751 : i32
      %get3A_1753 = arith.index_cast %mul3A_1752 : i32 to index
      %get3A_1754 = tpu.vector_load %arg5[%get3A_1753] {strides = array<i32>} : memref<32768xi32, #tpu.memory_space<vmem>>, vector<16xi32>,
      %mul3A_1755 = arith.constant 3 : i32
      %mul3A_1756 = vector.broadcast %mul3A_1755 : i32 to vector<16xi32>
      %mul3A_1757 = arith.muli %get3A_1754, %mul3A_1756 : vector<16xi32>
      %shift_left3A_1758 = arith.constant 1 : i32
      %shift_left3A_1759 = vector.broadcast %shift_left3A_1758 : i32 to vector<16xi32>
      %shift_left3A_1760 = arith.shli %shift_left3A_1759, %mul3A_1757 : vector<16xi32>
      %add3A_1761 = arith.addi %add3A_1746, %shift_left3A_1760 : vector<16xi32>
      %add3A_1762 = arith.constant 21 : i32
      %add3A_1763 = arith.addi %add3A_1363, %add3A_1762 : i32
      %add3A_1764 = arith.constant 5 : i32
      %add3A_1765 = arith.addi %add3A_1763, %add3A_1764 : i32
      %mul3A_1766 = arith.constant 16 : i32
      %mul3A_1767 = arith.muli %add3A_1765, %mul3A_1766 : i32
      %get3A_1768 = arith.index_cast %mul3A_1767 : i32 to index
      %get3A_1769 = tpu.vector_load %arg5[%get3A_1768] {strides = array<i32>} : memref<32768xi32, #tpu.memory_space<vmem>>, vector<16xi32>,
      %mul3A_1770 = arith.constant 3 : i32
      %mul3A_1771 = vector.broadcast %mul3A_1770 : i32 to vector<16xi32>
      %mul3A_1772 = arith.muli %get3A_1769, %mul3A_1771 : vector<16xi32>
      %shift_left3A_1773 = arith.constant 1 : i32
      %shift_left3A_1774 = vector.broadcast %shift_left3A_1773 : i32 to vector<16xi32>
      %shift_left3A_1775 = arith.shli %shift_left3A_1774, %mul3A_1772 : vector<16xi32>
      %add3A_1776 = arith.addi %add3A_1761, %shift_left3A_1775 : vector<16xi32>
      %add3A_1777 = arith.constant 21 : i32
      %add3A_1778 = arith.addi %add3A_1363, %add3A_1777 : i32
      %add3A_1779 = arith.constant 6 : i32
      %add3A_1780 = arith.addi %add3A_1778, %add3A_1779 : i32
      %mul3A_1781 = arith.constant 16 : i32
      %mul3A_1782 = arith.muli %add3A_1780, %mul3A_1781 : i32
      %get3A_1783 = arith.index_cast %mul3A_1782 : i32 to index
      %get3A_1784 = tpu.vector_load %arg5[%get3A_1783] {strides = array<i32>} : memref<32768xi32, #tpu.memory_space<vmem>>, vector<16xi32>,
      %mul3A_1785 = arith.constant 3 : i32
      %mul3A_1786 = vector.broadcast %mul3A_1785 : i32 to vector<16xi32>
      %mul3A_1787 = arith.muli %get3A_1784, %mul3A_1786 : vector<16xi32>
      %shift_left3A_1788 = arith.constant 1 : i32
      %shift_left3A_1789 = vector.broadcast %shift_left3A_1788 : i32 to vector<16xi32>
      %shift_left3A_1790 = arith.shli %shift_left3A_1789, %mul3A_1787 : vector<16xi32>
      %add3A_1791 = arith.addi %add3A_1776, %shift_left3A_1790 : vector<16xi32>
      %and3A_1792 = arith.constant 119304647 : i32
      %and3A_1793 = vector.broadcast %and3A_1792 : i32 to vector<16xi32>
      %and3A_1794 = arith.andi %add3A_1476, %and3A_1793 : vector<16xi32>
      %add3A_1795 = arith.addi %add3A_1354, %and3A_1794 : vector<16xi32>
      %shift_right_arithmetic3A_1796 = arith.constant 3 : i32
      %shift_right_arithmetic3A_1797 = vector.broadcast %shift_right_arithmetic3A_1796 : i32 to vector<16xi32>
      %shift_right_arithmetic3A_1798 = arith.shrsi %add3A_1476, %shift_right_arithmetic3A_1797 : vector<16xi32>
      %and3A_1799 = arith.constant 119304647 : i32
      %and3A_1800 = vector.broadcast %and3A_1799 : i32 to vector<16xi32>
      %and3A_1801 = arith.andi %shift_right_arithmetic3A_1798, %and3A_1800 : vector<16xi32>
      %add3A_1802 = arith.addi %add3A_1361, %and3A_1801 : vector<16xi32>
      %and3A_1803 = arith.constant 119304647 : i32
      %and3A_1804 = vector.broadcast %and3A_1803 : i32 to vector<16xi32>
      %and3A_1805 = arith.andi %add3A_1581, %and3A_1804 : vector<16xi32>
      %add3A_1806 = arith.addi %add3A_1795, %and3A_1805 : vector<16xi32>
      %shift_right_arithmetic3A_1807 = arith.constant 3 : i32
      %shift_right_arithmetic3A_1808 = vector.broadcast %shift_right_arithmetic3A_1807 : i32 to vector<16xi32>
      %shift_right_arithmetic3A_1809 = arith.shrsi %add3A_1581, %shift_right_arithmetic3A_1808 : vector<16xi32>
      %and3A_1810 = arith.constant 119304647 : i32
      %and3A_1811 = vector.broadcast %and3A_1810 : i32 to vector<16xi32>
      %and3A_1812 = arith.andi %shift_right_arithmetic3A_1809, %and3A_1811 : vector<16xi32>
      %add3A_1813 = arith.addi %add3A_1802, %and3A_1812 : vector<16xi32>
      %and3A_1814 = arith.constant 119304647 : i32
      %and3A_1815 = vector.broadcast %and3A_1814 : i32 to vector<16xi32>
      %and3A_1816 = arith.andi %add3A_1686, %and3A_1815 : vector<16xi32>
      %add3A_1817 = arith.addi %add3A_1806, %and3A_1816 : vector<16xi32>
      %shift_right_arithmetic3A_1818 = arith.constant 3 : i32
      %shift_right_arithmetic3A_1819 = vector.broadcast %shift_right_arithmetic3A_1818 : i32 to vector<16xi32>
      %shift_right_arithmetic3A_1820 = arith.shrsi %add3A_1686, %shift_right_arithmetic3A_1819 : vector<16xi32>
      %and3A_1821 = arith.constant 119304647 : i32
      %and3A_1822 = vector.broadcast %and3A_1821 : i32 to vector<16xi32>
      %and3A_1823 = arith.andi %shift_right_arithmetic3A_1820, %and3A_1822 : vector<16xi32>
      %add3A_1824 = arith.addi %add3A_1813, %and3A_1823 : vector<16xi32>
      %and3A_1825 = arith.constant 119304647 : i32
      %and3A_1826 = vector.broadcast %and3A_1825 : i32 to vector<16xi32>
      %and3A_1827 = arith.andi %add3A_1791, %and3A_1826 : vector<16xi32>
      %add3A_1828 = arith.addi %add3A_1817, %and3A_1827 : vector<16xi32>
      %shift_right_arithmetic3A_1829 = arith.constant 3 : i32
      %shift_right_arithmetic3A_1830 = vector.broadcast %shift_right_arithmetic3A_1829 : i32 to vector<16xi32>
      %shift_right_arithmetic3A_1831 = arith.shrsi %add3A_1791, %shift_right_arithmetic3A_1830 : vector<16xi32>
      %and3A_1832 = arith.constant 119304647 : i32
      %and3A_1833 = vector.broadcast %and3A_1832 : i32 to vector<16xi32>
      %and3A_1834 = arith.andi %shift_right_arithmetic3A_1831, %and3A_1833 : vector<16xi32>
      %add3A_1835 = arith.addi %add3A_1824, %and3A_1834 : vector<16xi32>
      %shift_right_arithmetic3A_1836 = arith.constant 0 : i32
      %shift_right_arithmetic3A_1837 = vector.broadcast %shift_right_arithmetic3A_1836 : i32 to vector<16xi32>
      %shift_right_arithmetic3A_1838 = arith.shrsi %add3A_1828, %shift_right_arithmetic3A_1837 : vector<16xi32>
      %and3A_1839 = arith.constant 63 : i32
      %and3A_1840 = vector.broadcast %and3A_1839 : i32 to vector<16xi32>
      %and3A_1841 = arith.andi %shift_right_arithmetic3A_1838, %and3A_1840 : vector<16xi32>
      %add3A_1842 = arith.addi %scan3A_874, %and3A_1841 : vector<16xi32>
      %shift_right_arithmetic3A_1843 = arith.constant 0 : i32
      %shift_right_arithmetic3A_1844 = vector.broadcast %shift_right_arithmetic3A_1843 : i32 to vector<16xi32>
      %shift_right_arithmetic3A_1845 = arith.shrsi %add3A_1835, %shift_right_arithmetic3A_1844 : vector<16xi32>
      %and3A_1846 = arith.constant 63 : i32
      %and3A_1847 = vector.broadcast %and3A_1846 : i32 to vector<16xi32>
      %and3A_1848 = arith.andi %shift_right_arithmetic3A_1845, %and3A_1847 : vector<16xi32>
      %add3A_1849 = arith.addi %scan3A_875, %and3A_1848 : vector<16xi32>
      %shift_right_arithmetic3A_1850 = arith.constant 6 : i32
      %shift_right_arithmetic3A_1851 = vector.broadcast %shift_right_arithmetic3A_1850 : i32 to vector<16xi32>
      %shift_right_arithmetic3A_1852 = arith.shrsi %add3A_1828, %shift_right_arithmetic3A_1851 : vector<16xi32>
      %and3A_1853 = arith.constant 63 : i32
      %and3A_1854 = vector.broadcast %and3A_1853 : i32 to vector<16xi32>
      %and3A_1855 = arith.andi %shift_right_arithmetic3A_1852, %and3A_1854 : vector<16xi32>
      %add3A_1856 = arith.addi %scan3A_876, %and3A_1855 : vector<16xi32>
      %shift_right_arithmetic3A_1857 = arith.constant 6 : i32
      %shift_right_arithmetic3A_1858 = vector.broadcast %shift_right_arithmetic3A_1857 : i32 to vector<16xi32>
      %shift_right_arithmetic3A_1859 = arith.shrsi %add3A_1835, %shift_right_arithmetic3A_1858 : vector<16xi32>
      %and3A_1860 = arith.constant 63 : i32
      %and3A_1861 = vector.broadcast %and3A_1860 : i32 to vector<16xi32>
      %and3A_1862 = arith.andi %shift_right_arithmetic3A_1859, %and3A_1861 : vector<16xi32>
      %add3A_1863 = arith.addi %scan3A_877, %and3A_1862 : vector<16xi32>
      %shift_right_arithmetic3A_1864 = arith.constant 12 : i32
      %shift_right_arithmetic3A_1865 = vector.broadcast %shift_right_arithmetic3A_1864 : i32 to vector<16xi32>
      %shift_right_arithmetic3A_1866 = arith.shrsi %add3A_1828, %shift_right_arithmetic3A_1865 : vector<16xi32>
      %and3A_1867 = arith.constant 63 : i32
      %and3A_1868 = vector.broadcast %and3A_1867 : i32 to vector<16xi32>
      %and3A_1869 = arith.andi %shift_right_arithmetic3A_1866, %and3A_1868 : vector<16xi32>
      %add3A_1870 = arith.addi %scan3A_878, %and3A_1869 : vector<16xi32>
      %shift_right_arithmetic3A_1871 = arith.constant 12 : i32
      %shift_right_arithmetic3A_1872 = vector.broadcast %shift_right_arithmetic3A_1871 : i32 to vector<16xi32>
      %shift_right_arithmetic3A_1873 = arith.shrsi %add3A_1835, %shift_right_arithmetic3A_1872 : vector<16xi32>
      %and3A_1874 = arith.constant 63 : i32
      %and3A_1875 = vector.broadcast %and3A_1874 : i32 to vector<16xi32>
      %and3A_1876 = arith.andi %shift_right_arithmetic3A_1873, %and3A_1875 : vector<16xi32>
      %add3A_1877 = arith.addi %scan3A_879, %and3A_1876 : vector<16xi32>
      %shift_right_arithmetic3A_1878 = arith.constant 18 : i32
      %shift_right_arithmetic3A_1879 = vector.broadcast %shift_right_arithmetic3A_1878 : i32 to vector<16xi32>
      %shift_right_arithmetic3A_1880 = arith.shrsi %add3A_1828, %shift_right_arithmetic3A_1879 : vector<16xi32>
      %and3A_1881 = arith.constant 63 : i32
      %and3A_1882 = vector.broadcast %and3A_1881 : i32 to vector<16xi32>
      %and3A_1883 = arith.andi %shift_right_arithmetic3A_1880, %and3A_1882 : vector<16xi32>
      %add3A_1884 = arith.addi %scan3A_880, %and3A_1883 : vector<16xi32>
      %shift_right_arithmetic3A_1885 = arith.constant 18 : i32
      %shift_right_arithmetic3A_1886 = vector.broadcast %shift_right_arithmetic3A_1885 : i32 to vector<16xi32>
      %shift_right_arithmetic3A_1887 = arith.shrsi %add3A_1835, %shift_right_arithmetic3A_1886 : vector<16xi32>
      %and3A_1888 = arith.constant 63 : i32
      %and3A_1889 = vector.broadcast %and3A_1888 : i32 to vector<16xi32>
      %and3A_1890 = arith.andi %shift_right_arithmetic3A_1887, %and3A_1889 : vector<16xi32>
      %add3A_1891 = arith.addi %scan3A_881, %and3A_1890 : vector<16xi32>
      %shift_right_arithmetic3A_1892 = arith.constant 24 : i32
      %shift_right_arithmetic3A_1893 = vector.broadcast %shift_right_arithmetic3A_1892 : i32 to vector<16xi32>
      %shift_right_arithmetic3A_1894 = arith.shrsi %add3A_1828, %shift_right_arithmetic3A_1893 : vector<16xi32>
      %and3A_1895 = arith.constant 63 : i32
      %and3A_1896 = vector.broadcast %and3A_1895 : i32 to vector<16xi32>
      %and3A_1897 = arith.andi %shift_right_arithmetic3A_1894, %and3A_1896 : vector<16xi32>
      %add3A_1898 = arith.addi %scan3A_882, %and3A_1897 : vector<16xi32>
      %shift_right_arithmetic3A_1899 = arith.constant 24 : i32
      %shift_right_arithmetic3A_1900 = vector.broadcast %shift_right_arithmetic3A_1899 : i32 to vector<16xi32>
      %shift_right_arithmetic3A_1901 = arith.shrsi %add3A_1835, %shift_right_arithmetic3A_1900 : vector<16xi32>
      %and3A_1902 = arith.constant 63 : i32
      %and3A_1903 = vector.broadcast %and3A_1902 : i32 to vector<16xi32>
      %and3A_1904 = arith.andi %shift_right_arithmetic3A_1901, %and3A_1903 : vector<16xi32>
      %add3A_1905 = arith.addi %scan3A_883, %and3A_1904 : vector<16xi32>
      scf.yield %add3A_1842, %add3A_1849, %add3A_1856, %add3A_1863, %add3A_1870, %add3A_1877, %add3A_1884, %add3A_1891, %add3A_1898, %add3A_1905 : vector<16xi32>, vector<16xi32>, vector<16xi32>, vector<16xi32>, vector<16xi32>, vector<16xi32>, vector<16xi32>, vector<16xi32>, vector<16xi32>, vector<16xi32>
    }
    %scan3A_44 = arith.constant 18 : i32
    %dma_wait3A_45 = arith.constant 16128 : i32
    %dma_wait3A_46 = tpu.memref_slice %arg5[%dma_wait3A_45] : memref<32768xi32, #tpu.memory_space<vmem>> -> memref<16640xi32, #tpu.memory_space<vmem>>
    %dma_wait3A_47 = tpu.memref_slice %arg2[%add3A_9] : memref<1048576xi32, #tpu.memory_space<hbm>> -> memref<16640xi32, #tpu.memory_space<hbm>>
    %dma_wait3A_48 = arith.constant 16128 : i32
    %dma_wait3A_49 = tpu.memref_slice %arg5[%dma_wait3A_48] : memref<32768xi32, #tpu.memory_space<vmem>> -> memref<16640xi32, #tpu.memory_space<vmem>>
    %dma_wait3A_50 = tpu.memref_slice %arg2[%add3A_9] : memref<1048576xi32, #tpu.memory_space<hbm>> -> memref<16640xi32, #tpu.memory_space<hbm>>
    tpu.wait_dma2 semaphore(%arg11 : memref<!tpu.dma_semaphore, #tpu.memory_space<semaphore_mem>>) src(%dma_wait3A_50 : memref<16640xi32, #tpu.memory_space<hbm>>) dst(%dma_wait3A_49 : memref<16640xi32, #tpu.memory_space<vmem>>)
    %scan3A_51 = arith.constant 18 : i32
    %scan3A_52 = arith.constant 18 : i32
    %scan3A_53 = arith.addi %scan3A_51, %scan3A_52 : i32
    %scan3A_54 = arith.constant 1 : i32
    %scan3A_55:10 = scf.for %scan3A_873 = %scan3A_51 to %scan3A_53 step %scan3A_54 iter_args(%scan3A_874 = %scan3A_43#0, %scan3A_875 = %scan3A_43#1, %scan3A_876 = %scan3A_43#2, %scan3A_877 = %scan3A_43#3, %scan3A_878 = %scan3A_43#4, %scan3A_879 = %scan3A_43#5, %scan3A_880 = %scan3A_43#6, %scan3A_881 = %scan3A_43#7, %scan3A_882 = %scan3A_43#8, %scan3A_883 = %scan3A_43#9) -> (vector<16xi32>, vector<16xi32>, vector<16xi32>, vector<16xi32>, vector<16xi32>, vector<16xi32>, vector<16xi32>, vector<16xi32>, vector<16xi32>, vector<16xi32>)  : i32 {
      %broadcast_in_dim3A_884 = arith.constant 0 : i32
      %broadcast_in_dim3A_885 = vector.broadcast %broadcast_in_dim3A_884 : i32 to vector<16xi32>
      %broadcast_in_dim3A_886 = arith.constant 0 : i32
      %broadcast_in_dim3A_887 = vector.broadcast %broadcast_in_dim3A_886 : i32 to vector<16xi32>
      %mul3A_888 = arith.constant 56 : i32
      %mul3A_889 = arith.muli %scan3A_873, %mul3A_888 : i32
      %broadcast_in_dim3A_890 = arith.constant 0 : i32
      %broadcast_in_dim3A_891 = vector.broadcast %broadcast_in_dim3A_890 : i32 to vector<16xi32>
      %broadcast_in_dim3A_892 = arith.constant 0 : i32
      %broadcast_in_dim3A_893 = vector.broadcast %broadcast_in_dim3A_892 : i32 to vector<16xi32>
      %broadcast_in_dim3A_894 = arith.constant 0 : i32
      %broadcast_in_dim3A_895 = vector.broadcast %broadcast_in_dim3A_894 : i32 to vector<16xi32>
      %broadcast_in_dim3A_896 = arith.constant 0 : i32
      %broadcast_in_dim3A_897 = vector.broadcast %broadcast_in_dim3A_896 : i32 to vector<16xi32>
      %add3A_898 = arith.constant 0 : i32
      %add3A_899 = arith.addi %mul3A_889, %add3A_898 : i32
      %add3A_900 = arith.constant 0 : i32
      %add3A_901 = arith.addi %add3A_899, %add3A_900 : i32
      %mul3A_902 = arith.constant 16 : i32
      %mul3A_903 = arith.muli %add3A_901, %mul3A_902 : i32
      %get3A_904 = arith.index_cast %mul3A_903 : i32 to index
      %get3A_905 = tpu.vector_load %arg5[%get3A_904] {strides = array<i32>} : memref<32768xi32, #tpu.memory_space<vmem>>, vector<16xi32>,
      %mul3A_906 = arith.constant 3 : i32
      %mul3A_907 = vector.broadcast %mul3A_906 : i32 to vector<16xi32>
      %mul3A_908 = arith.muli %get3A_905, %mul3A_907 : vector<16xi32>
      %shift_left3A_909 = arith.constant 1 : i32
      %shift_left3A_910 = vector.broadcast %shift_left3A_909 : i32 to vector<16xi32>
      %shift_left3A_911 = arith.shli %shift_left3A_910, %mul3A_908 : vector<16xi32>
      %add3A_912 = arith.addi %broadcast_in_dim3A_891, %shift_left3A_911 : vector<16xi32>
      %add3A_913 = arith.constant 0 : i32
      %add3A_914 = arith.addi %mul3A_889, %add3A_913 : i32
      %add3A_915 = arith.constant 1 : i32
      %add3A_916 = arith.addi %add3A_914, %add3A_915 : i32
      %mul3A_917 = arith.constant 16 : i32
      %mul3A_918 = arith.muli %add3A_916, %mul3A_917 : i32
      %get3A_919 = arith.index_cast %mul3A_918 : i32 to index
      %get3A_920 = tpu.vector_load %arg5[%get3A_919] {strides = array<i32>} : memref<32768xi32, #tpu.memory_space<vmem>>, vector<16xi32>,
      %mul3A_921 = arith.constant 3 : i32
      %mul3A_922 = vector.broadcast %mul3A_921 : i32 to vector<16xi32>
      %mul3A_923 = arith.muli %get3A_920, %mul3A_922 : vector<16xi32>
      %shift_left3A_924 = arith.constant 1 : i32
      %shift_left3A_925 = vector.broadcast %shift_left3A_924 : i32 to vector<16xi32>
      %shift_left3A_926 = arith.shli %shift_left3A_925, %mul3A_923 : vector<16xi32>
      %add3A_927 = arith.addi %add3A_912, %shift_left3A_926 : vector<16xi32>
      %add3A_928 = arith.constant 0 : i32
      %add3A_929 = arith.addi %mul3A_889, %add3A_928 : i32
      %add3A_930 = arith.constant 2 : i32
      %add3A_931 = arith.addi %add3A_929, %add3A_930 : i32
      %mul3A_932 = arith.constant 16 : i32
      %mul3A_933 = arith.muli %add3A_931, %mul3A_932 : i32
      %get3A_934 = arith.index_cast %mul3A_933 : i32 to index
      %get3A_935 = tpu.vector_load %arg5[%get3A_934] {strides = array<i32>} : memref<32768xi32, #tpu.memory_space<vmem>>, vector<16xi32>,
      %mul3A_936 = arith.constant 3 : i32
      %mul3A_937 = vector.broadcast %mul3A_936 : i32 to vector<16xi32>
      %mul3A_938 = arith.muli %get3A_935, %mul3A_937 : vector<16xi32>
      %shift_left3A_939 = arith.constant 1 : i32
      %shift_left3A_940 = vector.broadcast %shift_left3A_939 : i32 to vector<16xi32>
      %shift_left3A_941 = arith.shli %shift_left3A_940, %mul3A_938 : vector<16xi32>
      %add3A_942 = arith.addi %add3A_927, %shift_left3A_941 : vector<16xi32>
      %add3A_943 = arith.constant 0 : i32
      %add3A_944 = arith.addi %mul3A_889, %add3A_943 : i32
      %add3A_945 = arith.constant 3 : i32
      %add3A_946 = arith.addi %add3A_944, %add3A_945 : i32
      %mul3A_947 = arith.constant 16 : i32
      %mul3A_948 = arith.muli %add3A_946, %mul3A_947 : i32
      %get3A_949 = arith.index_cast %mul3A_948 : i32 to index
      %get3A_950 = tpu.vector_load %arg5[%get3A_949] {strides = array<i32>} : memref<32768xi32, #tpu.memory_space<vmem>>, vector<16xi32>,
      %mul3A_951 = arith.constant 3 : i32
      %mul3A_952 = vector.broadcast %mul3A_951 : i32 to vector<16xi32>
      %mul3A_953 = arith.muli %get3A_950, %mul3A_952 : vector<16xi32>
      %shift_left3A_954 = arith.constant 1 : i32
      %shift_left3A_955 = vector.broadcast %shift_left3A_954 : i32 to vector<16xi32>
      %shift_left3A_956 = arith.shli %shift_left3A_955, %mul3A_953 : vector<16xi32>
      %add3A_957 = arith.addi %add3A_942, %shift_left3A_956 : vector<16xi32>
      %add3A_958 = arith.constant 0 : i32
      %add3A_959 = arith.addi %mul3A_889, %add3A_958 : i32
      %add3A_960 = arith.constant 4 : i32
      %add3A_961 = arith.addi %add3A_959, %add3A_960 : i32
      %mul3A_962 = arith.constant 16 : i32
      %mul3A_963 = arith.muli %add3A_961, %mul3A_962 : i32
      %get3A_964 = arith.index_cast %mul3A_963 : i32 to index
      %get3A_965 = tpu.vector_load %arg5[%get3A_964] {strides = array<i32>} : memref<32768xi32, #tpu.memory_space<vmem>>, vector<16xi32>,
      %mul3A_966 = arith.constant 3 : i32
      %mul3A_967 = vector.broadcast %mul3A_966 : i32 to vector<16xi32>
      %mul3A_968 = arith.muli %get3A_965, %mul3A_967 : vector<16xi32>
      %shift_left3A_969 = arith.constant 1 : i32
      %shift_left3A_970 = vector.broadcast %shift_left3A_969 : i32 to vector<16xi32>
      %shift_left3A_971 = arith.shli %shift_left3A_970, %mul3A_968 : vector<16xi32>
      %add3A_972 = arith.addi %add3A_957, %shift_left3A_971 : vector<16xi32>
      %add3A_973 = arith.constant 0 : i32
      %add3A_974 = arith.addi %mul3A_889, %add3A_973 : i32
      %add3A_975 = arith.constant 5 : i32
      %add3A_976 = arith.addi %add3A_974, %add3A_975 : i32
      %mul3A_977 = arith.constant 16 : i32
      %mul3A_978 = arith.muli %add3A_976, %mul3A_977 : i32
      %get3A_979 = arith.index_cast %mul3A_978 : i32 to index
      %get3A_980 = tpu.vector_load %arg5[%get3A_979] {strides = array<i32>} : memref<32768xi32, #tpu.memory_space<vmem>>, vector<16xi32>,
      %mul3A_981 = arith.constant 3 : i32
      %mul3A_982 = vector.broadcast %mul3A_981 : i32 to vector<16xi32>
      %mul3A_983 = arith.muli %get3A_980, %mul3A_982 : vector<16xi32>
      %shift_left3A_984 = arith.constant 1 : i32
      %shift_left3A_985 = vector.broadcast %shift_left3A_984 : i32 to vector<16xi32>
      %shift_left3A_986 = arith.shli %shift_left3A_985, %mul3A_983 : vector<16xi32>
      %add3A_987 = arith.addi %add3A_972, %shift_left3A_986 : vector<16xi32>
      %add3A_988 = arith.constant 0 : i32
      %add3A_989 = arith.addi %mul3A_889, %add3A_988 : i32
      %add3A_990 = arith.constant 6 : i32
      %add3A_991 = arith.addi %add3A_989, %add3A_990 : i32
      %mul3A_992 = arith.constant 16 : i32
      %mul3A_993 = arith.muli %add3A_991, %mul3A_992 : i32
      %get3A_994 = arith.index_cast %mul3A_993 : i32 to index
      %get3A_995 = tpu.vector_load %arg5[%get3A_994] {strides = array<i32>} : memref<32768xi32, #tpu.memory_space<vmem>>, vector<16xi32>,
      %mul3A_996 = arith.constant 3 : i32
      %mul3A_997 = vector.broadcast %mul3A_996 : i32 to vector<16xi32>
      %mul3A_998 = arith.muli %get3A_995, %mul3A_997 : vector<16xi32>
      %shift_left3A_999 = arith.constant 1 : i32
      %shift_left3A_1000 = vector.broadcast %shift_left3A_999 : i32 to vector<16xi32>
      %shift_left3A_1001 = arith.shli %shift_left3A_1000, %mul3A_998 : vector<16xi32>
      %add3A_1002 = arith.addi %add3A_987, %shift_left3A_1001 : vector<16xi32>
      %add3A_1003 = arith.constant 7 : i32
      %add3A_1004 = arith.addi %mul3A_889, %add3A_1003 : i32
      %add3A_1005 = arith.constant 0 : i32
      %add3A_1006 = arith.addi %add3A_1004, %add3A_1005 : i32
      %mul3A_1007 = arith.constant 16 : i32
      %mul3A_1008 = arith.muli %add3A_1006, %mul3A_1007 : i32
      %get3A_1009 = arith.index_cast %mul3A_1008 : i32 to index
      %get3A_1010 = tpu.vector_load %arg5[%get3A_1009] {strides = array<i32>} : memref<32768xi32, #tpu.memory_space<vmem>>, vector<16xi32>,
      %mul3A_1011 = arith.constant 3 : i32
      %mul3A_1012 = vector.broadcast %mul3A_1011 : i32 to vector<16xi32>
      %mul3A_1013 = arith.muli %get3A_1010, %mul3A_1012 : vector<16xi32>
      %shift_left3A_1014 = arith.constant 1 : i32
      %shift_left3A_1015 = vector.broadcast %shift_left3A_1014 : i32 to vector<16xi32>
      %shift_left3A_1016 = arith.shli %shift_left3A_1015, %mul3A_1013 : vector<16xi32>
      %add3A_1017 = arith.addi %broadcast_in_dim3A_893, %shift_left3A_1016 : vector<16xi32>
      %add3A_1018 = arith.constant 7 : i32
      %add3A_1019 = arith.addi %mul3A_889, %add3A_1018 : i32
      %add3A_1020 = arith.constant 1 : i32
      %add3A_1021 = arith.addi %add3A_1019, %add3A_1020 : i32
      %mul3A_1022 = arith.constant 16 : i32
      %mul3A_1023 = arith.muli %add3A_1021, %mul3A_1022 : i32
      %get3A_1024 = arith.index_cast %mul3A_1023 : i32 to index
      %get3A_1025 = tpu.vector_load %arg5[%get3A_1024] {strides = array<i32>} : memref<32768xi32, #tpu.memory_space<vmem>>, vector<16xi32>,
      %mul3A_1026 = arith.constant 3 : i32
      %mul3A_1027 = vector.broadcast %mul3A_1026 : i32 to vector<16xi32>
      %mul3A_1028 = arith.muli %get3A_1025, %mul3A_1027 : vector<16xi32>
      %shift_left3A_1029 = arith.constant 1 : i32
      %shift_left3A_1030 = vector.broadcast %shift_left3A_1029 : i32 to vector<16xi32>
      %shift_left3A_1031 = arith.shli %shift_left3A_1030, %mul3A_1028 : vector<16xi32>
      %add3A_1032 = arith.addi %add3A_1017, %shift_left3A_1031 : vector<16xi32>
      %add3A_1033 = arith.constant 7 : i32
      %add3A_1034 = arith.addi %mul3A_889, %add3A_1033 : i32
      %add3A_1035 = arith.constant 2 : i32
      %add3A_1036 = arith.addi %add3A_1034, %add3A_1035 : i32
      %mul3A_1037 = arith.constant 16 : i32
      %mul3A_1038 = arith.muli %add3A_1036, %mul3A_1037 : i32
      %get3A_1039 = arith.index_cast %mul3A_1038 : i32 to index
      %get3A_1040 = tpu.vector_load %arg5[%get3A_1039] {strides = array<i32>} : memref<32768xi32, #tpu.memory_space<vmem>>, vector<16xi32>,
      %mul3A_1041 = arith.constant 3 : i32
      %mul3A_1042 = vector.broadcast %mul3A_1041 : i32 to vector<16xi32>
      %mul3A_1043 = arith.muli %get3A_1040, %mul3A_1042 : vector<16xi32>
      %shift_left3A_1044 = arith.constant 1 : i32
      %shift_left3A_1045 = vector.broadcast %shift_left3A_1044 : i32 to vector<16xi32>
      %shift_left3A_1046 = arith.shli %shift_left3A_1045, %mul3A_1043 : vector<16xi32>
      %add3A_1047 = arith.addi %add3A_1032, %shift_left3A_1046 : vector<16xi32>
      %add3A_1048 = arith.constant 7 : i32
      %add3A_1049 = arith.addi %mul3A_889, %add3A_1048 : i32
      %add3A_1050 = arith.constant 3 : i32
      %add3A_1051 = arith.addi %add3A_1049, %add3A_1050 : i32
      %mul3A_1052 = arith.constant 16 : i32
      %mul3A_1053 = arith.muli %add3A_1051, %mul3A_1052 : i32
      %get3A_1054 = arith.index_cast %mul3A_1053 : i32 to index
      %get3A_1055 = tpu.vector_load %arg5[%get3A_1054] {strides = array<i32>} : memref<32768xi32, #tpu.memory_space<vmem>>, vector<16xi32>,
      %mul3A_1056 = arith.constant 3 : i32
      %mul3A_1057 = vector.broadcast %mul3A_1056 : i32 to vector<16xi32>
      %mul3A_1058 = arith.muli %get3A_1055, %mul3A_1057 : vector<16xi32>
      %shift_left3A_1059 = arith.constant 1 : i32
      %shift_left3A_1060 = vector.broadcast %shift_left3A_1059 : i32 to vector<16xi32>
      %shift_left3A_1061 = arith.shli %shift_left3A_1060, %mul3A_1058 : vector<16xi32>
      %add3A_1062 = arith.addi %add3A_1047, %shift_left3A_1061 : vector<16xi32>
      %add3A_1063 = arith.constant 7 : i32
      %add3A_1064 = arith.addi %mul3A_889, %add3A_1063 : i32
      %add3A_1065 = arith.constant 4 : i32
      %add3A_1066 = arith.addi %add3A_1064, %add3A_1065 : i32
      %mul3A_1067 = arith.constant 16 : i32
      %mul3A_1068 = arith.muli %add3A_1066, %mul3A_1067 : i32
      %get3A_1069 = arith.index_cast %mul3A_1068 : i32 to index
      %get3A_1070 = tpu.vector_load %arg5[%get3A_1069] {strides = array<i32>} : memref<32768xi32, #tpu.memory_space<vmem>>, vector<16xi32>,
      %mul3A_1071 = arith.constant 3 : i32
      %mul3A_1072 = vector.broadcast %mul3A_1071 : i32 to vector<16xi32>
      %mul3A_1073 = arith.muli %get3A_1070, %mul3A_1072 : vector<16xi32>
      %shift_left3A_1074 = arith.constant 1 : i32
      %shift_left3A_1075 = vector.broadcast %shift_left3A_1074 : i32 to vector<16xi32>
      %shift_left3A_1076 = arith.shli %shift_left3A_1075, %mul3A_1073 : vector<16xi32>
      %add3A_1077 = arith.addi %add3A_1062, %shift_left3A_1076 : vector<16xi32>
      %add3A_1078 = arith.constant 7 : i32
      %add3A_1079 = arith.addi %mul3A_889, %add3A_1078 : i32
      %add3A_1080 = arith.constant 5 : i32
      %add3A_1081 = arith.addi %add3A_1079, %add3A_1080 : i32
      %mul3A_1082 = arith.constant 16 : i32
      %mul3A_1083 = arith.muli %add3A_1081, %mul3A_1082 : i32
      %get3A_1084 = arith.index_cast %mul3A_1083 : i32 to index
      %get3A_1085 = tpu.vector_load %arg5[%get3A_1084] {strides = array<i32>} : memref<32768xi32, #tpu.memory_space<vmem>>, vector<16xi32>,
      %mul3A_1086 = arith.constant 3 : i32
      %mul3A_1087 = vector.broadcast %mul3A_1086 : i32 to vector<16xi32>
      %mul3A_1088 = arith.muli %get3A_1085, %mul3A_1087 : vector<16xi32>
      %shift_left3A_1089 = arith.constant 1 : i32
      %shift_left3A_1090 = vector.broadcast %shift_left3A_1089 : i32 to vector<16xi32>
      %shift_left3A_1091 = arith.shli %shift_left3A_1090, %mul3A_1088 : vector<16xi32>
      %add3A_1092 = arith.addi %add3A_1077, %shift_left3A_1091 : vector<16xi32>
      %add3A_1093 = arith.constant 7 : i32
      %add3A_1094 = arith.addi %mul3A_889, %add3A_1093 : i32
      %add3A_1095 = arith.constant 6 : i32
      %add3A_1096 = arith.addi %add3A_1094, %add3A_1095 : i32
      %mul3A_1097 = arith.constant 16 : i32
      %mul3A_1098 = arith.muli %add3A_1096, %mul3A_1097 : i32
      %get3A_1099 = arith.index_cast %mul3A_1098 : i32 to index
      %get3A_1100 = tpu.vector_load %arg5[%get3A_1099] {strides = array<i32>} : memref<32768xi32, #tpu.memory_space<vmem>>, vector<16xi32>,
      %mul3A_1101 = arith.constant 3 : i32
      %mul3A_1102 = vector.broadcast %mul3A_1101 : i32 to vector<16xi32>
      %mul3A_1103 = arith.muli %get3A_1100, %mul3A_1102 : vector<16xi32>
      %shift_left3A_1104 = arith.constant 1 : i32
      %shift_left3A_1105 = vector.broadcast %shift_left3A_1104 : i32 to vector<16xi32>
      %shift_left3A_1106 = arith.shli %shift_left3A_1105, %mul3A_1103 : vector<16xi32>
      %add3A_1107 = arith.addi %add3A_1092, %shift_left3A_1106 : vector<16xi32>
      %add3A_1108 = arith.constant 14 : i32
      %add3A_1109 = arith.addi %mul3A_889, %add3A_1108 : i32
      %add3A_1110 = arith.constant 0 : i32
      %add3A_1111 = arith.addi %add3A_1109, %add3A_1110 : i32
      %mul3A_1112 = arith.constant 16 : i32
      %mul3A_1113 = arith.muli %add3A_1111, %mul3A_1112 : i32
      %get3A_1114 = arith.index_cast %mul3A_1113 : i32 to index
      %get3A_1115 = tpu.vector_load %arg5[%get3A_1114] {strides = array<i32>} : memref<32768xi32, #tpu.memory_space<vmem>>, vector<16xi32>,
      %mul3A_1116 = arith.constant 3 : i32
      %mul3A_1117 = vector.broadcast %mul3A_1116 : i32 to vector<16xi32>
      %mul3A_1118 = arith.muli %get3A_1115, %mul3A_1117 : vector<16xi32>
      %shift_left3A_1119 = arith.constant 1 : i32
      %shift_left3A_1120 = vector.broadcast %shift_left3A_1119 : i32 to vector<16xi32>
      %shift_left3A_1121 = arith.shli %shift_left3A_1120, %mul3A_1118 : vector<16xi32>
      %add3A_1122 = arith.addi %broadcast_in_dim3A_895, %shift_left3A_1121 : vector<16xi32>
      %add3A_1123 = arith.constant 14 : i32
      %add3A_1124 = arith.addi %mul3A_889, %add3A_1123 : i32
      %add3A_1125 = arith.constant 1 : i32
      %add3A_1126 = arith.addi %add3A_1124, %add3A_1125 : i32
      %mul3A_1127 = arith.constant 16 : i32
      %mul3A_1128 = arith.muli %add3A_1126, %mul3A_1127 : i32
      %get3A_1129 = arith.index_cast %mul3A_1128 : i32 to index
      %get3A_1130 = tpu.vector_load %arg5[%get3A_1129] {strides = array<i32>} : memref<32768xi32, #tpu.memory_space<vmem>>, vector<16xi32>,
      %mul3A_1131 = arith.constant 3 : i32
      %mul3A_1132 = vector.broadcast %mul3A_1131 : i32 to vector<16xi32>
      %mul3A_1133 = arith.muli %get3A_1130, %mul3A_1132 : vector<16xi32>
      %shift_left3A_1134 = arith.constant 1 : i32
      %shift_left3A_1135 = vector.broadcast %shift_left3A_1134 : i32 to vector<16xi32>
      %shift_left3A_1136 = arith.shli %shift_left3A_1135, %mul3A_1133 : vector<16xi32>
      %add3A_1137 = arith.addi %add3A_1122, %shift_left3A_1136 : vector<16xi32>
      %add3A_1138 = arith.constant 14 : i32
      %add3A_1139 = arith.addi %mul3A_889, %add3A_1138 : i32
      %add3A_1140 = arith.constant 2 : i32
      %add3A_1141 = arith.addi %add3A_1139, %add3A_1140 : i32
      %mul3A_1142 = arith.constant 16 : i32
      %mul3A_1143 = arith.muli %add3A_1141, %mul3A_1142 : i32
      %get3A_1144 = arith.index_cast %mul3A_1143 : i32 to index
      %get3A_1145 = tpu.vector_load %arg5[%get3A_1144] {strides = array<i32>} : memref<32768xi32, #tpu.memory_space<vmem>>, vector<16xi32>,
      %mul3A_1146 = arith.constant 3 : i32
      %mul3A_1147 = vector.broadcast %mul3A_1146 : i32 to vector<16xi32>
      %mul3A_1148 = arith.muli %get3A_1145, %mul3A_1147 : vector<16xi32>
      %shift_left3A_1149 = arith.constant 1 : i32
      %shift_left3A_1150 = vector.broadcast %shift_left3A_1149 : i32 to vector<16xi32>
      %shift_left3A_1151 = arith.shli %shift_left3A_1150, %mul3A_1148 : vector<16xi32>
      %add3A_1152 = arith.addi %add3A_1137, %shift_left3A_1151 : vector<16xi32>
      %add3A_1153 = arith.constant 14 : i32
      %add3A_1154 = arith.addi %mul3A_889, %add3A_1153 : i32
      %add3A_1155 = arith.constant 3 : i32
      %add3A_1156 = arith.addi %add3A_1154, %add3A_1155 : i32
      %mul3A_1157 = arith.constant 16 : i32
      %mul3A_1158 = arith.muli %add3A_1156, %mul3A_1157 : i32
      %get3A_1159 = arith.index_cast %mul3A_1158 : i32 to index
      %get3A_1160 = tpu.vector_load %arg5[%get3A_1159] {strides = array<i32>} : memref<32768xi32, #tpu.memory_space<vmem>>, vector<16xi32>,
      %mul3A_1161 = arith.constant 3 : i32
      %mul3A_1162 = vector.broadcast %mul3A_1161 : i32 to vector<16xi32>
      %mul3A_1163 = arith.muli %get3A_1160, %mul3A_1162 : vector<16xi32>
      %shift_left3A_1164 = arith.constant 1 : i32
      %shift_left3A_1165 = vector.broadcast %shift_left3A_1164 : i32 to vector<16xi32>
      %shift_left3A_1166 = arith.shli %shift_left3A_1165, %mul3A_1163 : vector<16xi32>
      %add3A_1167 = arith.addi %add3A_1152, %shift_left3A_1166 : vector<16xi32>
      %add3A_1168 = arith.constant 14 : i32
      %add3A_1169 = arith.addi %mul3A_889, %add3A_1168 : i32
      %add3A_1170 = arith.constant 4 : i32
      %add3A_1171 = arith.addi %add3A_1169, %add3A_1170 : i32
      %mul3A_1172 = arith.constant 16 : i32
      %mul3A_1173 = arith.muli %add3A_1171, %mul3A_1172 : i32
      %get3A_1174 = arith.index_cast %mul3A_1173 : i32 to index
      %get3A_1175 = tpu.vector_load %arg5[%get3A_1174] {strides = array<i32>} : memref<32768xi32, #tpu.memory_space<vmem>>, vector<16xi32>,
      %mul3A_1176 = arith.constant 3 : i32
      %mul3A_1177 = vector.broadcast %mul3A_1176 : i32 to vector<16xi32>
      %mul3A_1178 = arith.muli %get3A_1175, %mul3A_1177 : vector<16xi32>
      %shift_left3A_1179 = arith.constant 1 : i32
      %shift_left3A_1180 = vector.broadcast %shift_left3A_1179 : i32 to vector<16xi32>
      %shift_left3A_1181 = arith.shli %shift_left3A_1180, %mul3A_1178 : vector<16xi32>
      %add3A_1182 = arith.addi %add3A_1167, %shift_left3A_1181 : vector<16xi32>
      %add3A_1183 = arith.constant 14 : i32
      %add3A_1184 = arith.addi %mul3A_889, %add3A_1183 : i32
      %add3A_1185 = arith.constant 5 : i32
      %add3A_1186 = arith.addi %add3A_1184, %add3A_1185 : i32
      %mul3A_1187 = arith.constant 16 : i32
      %mul3A_1188 = arith.muli %add3A_1186, %mul3A_1187 : i32
      %get3A_1189 = arith.index_cast %mul3A_1188 : i32 to index
      %get3A_1190 = tpu.vector_load %arg5[%get3A_1189] {strides = array<i32>} : memref<32768xi32, #tpu.memory_space<vmem>>, vector<16xi32>,
      %mul3A_1191 = arith.constant 3 : i32
      %mul3A_1192 = vector.broadcast %mul3A_1191 : i32 to vector<16xi32>
      %mul3A_1193 = arith.muli %get3A_1190, %mul3A_1192 : vector<16xi32>
      %shift_left3A_1194 = arith.constant 1 : i32
      %shift_left3A_1195 = vector.broadcast %shift_left3A_1194 : i32 to vector<16xi32>
      %shift_left3A_1196 = arith.shli %shift_left3A_1195, %mul3A_1193 : vector<16xi32>
      %add3A_1197 = arith.addi %add3A_1182, %shift_left3A_1196 : vector<16xi32>
      %add3A_1198 = arith.constant 14 : i32
      %add3A_1199 = arith.addi %mul3A_889, %add3A_1198 : i32
      %add3A_1200 = arith.constant 6 : i32
      %add3A_1201 = arith.addi %add3A_1199, %add3A_1200 : i32
      %mul3A_1202 = arith.constant 16 : i32
      %mul3A_1203 = arith.muli %add3A_1201, %mul3A_1202 : i32
      %get3A_1204 = arith.index_cast %mul3A_1203 : i32 to index
      %get3A_1205 = tpu.vector_load %arg5[%get3A_1204] {strides = array<i32>} : memref<32768xi32, #tpu.memory_space<vmem>>, vector<16xi32>,
      %mul3A_1206 = arith.constant 3 : i32
      %mul3A_1207 = vector.broadcast %mul3A_1206 : i32 to vector<16xi32>
      %mul3A_1208 = arith.muli %get3A_1205, %mul3A_1207 : vector<16xi32>
      %shift_left3A_1209 = arith.constant 1 : i32
      %shift_left3A_1210 = vector.broadcast %shift_left3A_1209 : i32 to vector<16xi32>
      %shift_left3A_1211 = arith.shli %shift_left3A_1210, %mul3A_1208 : vector<16xi32>
      %add3A_1212 = arith.addi %add3A_1197, %shift_left3A_1211 : vector<16xi32>
      %add3A_1213 = arith.constant 21 : i32
      %add3A_1214 = arith.addi %mul3A_889, %add3A_1213 : i32
      %add3A_1215 = arith.constant 0 : i32
      %add3A_1216 = arith.addi %add3A_1214, %add3A_1215 : i32
      %mul3A_1217 = arith.constant 16 : i32
      %mul3A_1218 = arith.muli %add3A_1216, %mul3A_1217 : i32
      %get3A_1219 = arith.index_cast %mul3A_1218 : i32 to index
      %get3A_1220 = tpu.vector_load %arg5[%get3A_1219] {strides = array<i32>} : memref<32768xi32, #tpu.memory_space<vmem>>, vector<16xi32>,
      %mul3A_1221 = arith.constant 3 : i32
      %mul3A_1222 = vector.broadcast %mul3A_1221 : i32 to vector<16xi32>
      %mul3A_1223 = arith.muli %get3A_1220, %mul3A_1222 : vector<16xi32>
      %shift_left3A_1224 = arith.constant 1 : i32
      %shift_left3A_1225 = vector.broadcast %shift_left3A_1224 : i32 to vector<16xi32>
      %shift_left3A_1226 = arith.shli %shift_left3A_1225, %mul3A_1223 : vector<16xi32>
      %add3A_1227 = arith.addi %broadcast_in_dim3A_897, %shift_left3A_1226 : vector<16xi32>
      %add3A_1228 = arith.constant 21 : i32
      %add3A_1229 = arith.addi %mul3A_889, %add3A_1228 : i32
      %add3A_1230 = arith.constant 1 : i32
      %add3A_1231 = arith.addi %add3A_1229, %add3A_1230 : i32
      %mul3A_1232 = arith.constant 16 : i32
      %mul3A_1233 = arith.muli %add3A_1231, %mul3A_1232 : i32
      %get3A_1234 = arith.index_cast %mul3A_1233 : i32 to index
      %get3A_1235 = tpu.vector_load %arg5[%get3A_1234] {strides = array<i32>} : memref<32768xi32, #tpu.memory_space<vmem>>, vector<16xi32>,
      %mul3A_1236 = arith.constant 3 : i32
      %mul3A_1237 = vector.broadcast %mul3A_1236 : i32 to vector<16xi32>
      %mul3A_1238 = arith.muli %get3A_1235, %mul3A_1237 : vector<16xi32>
      %shift_left3A_1239 = arith.constant 1 : i32
      %shift_left3A_1240 = vector.broadcast %shift_left3A_1239 : i32 to vector<16xi32>
      %shift_left3A_1241 = arith.shli %shift_left3A_1240, %mul3A_1238 : vector<16xi32>
      %add3A_1242 = arith.addi %add3A_1227, %shift_left3A_1241 : vector<16xi32>
      %add3A_1243 = arith.constant 21 : i32
      %add3A_1244 = arith.addi %mul3A_889, %add3A_1243 : i32
      %add3A_1245 = arith.constant 2 : i32
      %add3A_1246 = arith.addi %add3A_1244, %add3A_1245 : i32
      %mul3A_1247 = arith.constant 16 : i32
      %mul3A_1248 = arith.muli %add3A_1246, %mul3A_1247 : i32
      %get3A_1249 = arith.index_cast %mul3A_1248 : i32 to index
      %get3A_1250 = tpu.vector_load %arg5[%get3A_1249] {strides = array<i32>} : memref<32768xi32, #tpu.memory_space<vmem>>, vector<16xi32>,
      %mul3A_1251 = arith.constant 3 : i32
      %mul3A_1252 = vector.broadcast %mul3A_1251 : i32 to vector<16xi32>
      %mul3A_1253 = arith.muli %get3A_1250, %mul3A_1252 : vector<16xi32>
      %shift_left3A_1254 = arith.constant 1 : i32
      %shift_left3A_1255 = vector.broadcast %shift_left3A_1254 : i32 to vector<16xi32>
      %shift_left3A_1256 = arith.shli %shift_left3A_1255, %mul3A_1253 : vector<16xi32>
      %add3A_1257 = arith.addi %add3A_1242, %shift_left3A_1256 : vector<16xi32>
      %add3A_1258 = arith.constant 21 : i32
      %add3A_1259 = arith.addi %mul3A_889, %add3A_1258 : i32
      %add3A_1260 = arith.constant 3 : i32
      %add3A_1261 = arith.addi %add3A_1259, %add3A_1260 : i32
      %mul3A_1262 = arith.constant 16 : i32
      %mul3A_1263 = arith.muli %add3A_1261, %mul3A_1262 : i32
      %get3A_1264 = arith.index_cast %mul3A_1263 : i32 to index
      %get3A_1265 = tpu.vector_load %arg5[%get3A_1264] {strides = array<i32>} : memref<32768xi32, #tpu.memory_space<vmem>>, vector<16xi32>,
      %mul3A_1266 = arith.constant 3 : i32
      %mul3A_1267 = vector.broadcast %mul3A_1266 : i32 to vector<16xi32>
      %mul3A_1268 = arith.muli %get3A_1265, %mul3A_1267 : vector<16xi32>
      %shift_left3A_1269 = arith.constant 1 : i32
      %shift_left3A_1270 = vector.broadcast %shift_left3A_1269 : i32 to vector<16xi32>
      %shift_left3A_1271 = arith.shli %shift_left3A_1270, %mul3A_1268 : vector<16xi32>
      %add3A_1272 = arith.addi %add3A_1257, %shift_left3A_1271 : vector<16xi32>
      %add3A_1273 = arith.constant 21 : i32
      %add3A_1274 = arith.addi %mul3A_889, %add3A_1273 : i32
      %add3A_1275 = arith.constant 4 : i32
      %add3A_1276 = arith.addi %add3A_1274, %add3A_1275 : i32
      %mul3A_1277 = arith.constant 16 : i32
      %mul3A_1278 = arith.muli %add3A_1276, %mul3A_1277 : i32
      %get3A_1279 = arith.index_cast %mul3A_1278 : i32 to index
      %get3A_1280 = tpu.vector_load %arg5[%get3A_1279] {strides = array<i32>} : memref<32768xi32, #tpu.memory_space<vmem>>, vector<16xi32>,
      %mul3A_1281 = arith.constant 3 : i32
      %mul3A_1282 = vector.broadcast %mul3A_1281 : i32 to vector<16xi32>
      %mul3A_1283 = arith.muli %get3A_1280, %mul3A_1282 : vector<16xi32>
      %shift_left3A_1284 = arith.constant 1 : i32
      %shift_left3A_1285 = vector.broadcast %shift_left3A_1284 : i32 to vector<16xi32>
      %shift_left3A_1286 = arith.shli %shift_left3A_1285, %mul3A_1283 : vector<16xi32>
      %add3A_1287 = arith.addi %add3A_1272, %shift_left3A_1286 : vector<16xi32>
      %add3A_1288 = arith.constant 21 : i32
      %add3A_1289 = arith.addi %mul3A_889, %add3A_1288 : i32
      %add3A_1290 = arith.constant 5 : i32
      %add3A_1291 = arith.addi %add3A_1289, %add3A_1290 : i32
      %mul3A_1292 = arith.constant 16 : i32
      %mul3A_1293 = arith.muli %add3A_1291, %mul3A_1292 : i32
      %get3A_1294 = arith.index_cast %mul3A_1293 : i32 to index
      %get3A_1295 = tpu.vector_load %arg5[%get3A_1294] {strides = array<i32>} : memref<32768xi32, #tpu.memory_space<vmem>>, vector<16xi32>,
      %mul3A_1296 = arith.constant 3 : i32
      %mul3A_1297 = vector.broadcast %mul3A_1296 : i32 to vector<16xi32>
      %mul3A_1298 = arith.muli %get3A_1295, %mul3A_1297 : vector<16xi32>
      %shift_left3A_1299 = arith.constant 1 : i32
      %shift_left3A_1300 = vector.broadcast %shift_left3A_1299 : i32 to vector<16xi32>
      %shift_left3A_1301 = arith.shli %shift_left3A_1300, %mul3A_1298 : vector<16xi32>
      %add3A_1302 = arith.addi %add3A_1287, %shift_left3A_1301 : vector<16xi32>
      %add3A_1303 = arith.constant 21 : i32
      %add3A_1304 = arith.addi %mul3A_889, %add3A_1303 : i32
      %add3A_1305 = arith.constant 6 : i32
      %add3A_1306 = arith.addi %add3A_1304, %add3A_1305 : i32
      %mul3A_1307 = arith.constant 16 : i32
      %mul3A_1308 = arith.muli %add3A_1306, %mul3A_1307 : i32
      %get3A_1309 = arith.index_cast %mul3A_1308 : i32 to index
      %get3A_1310 = tpu.vector_load %arg5[%get3A_1309] {strides = array<i32>} : memref<32768xi32, #tpu.memory_space<vmem>>, vector<16xi32>,
      %mul3A_1311 = arith.constant 3 : i32
      %mul3A_1312 = vector.broadcast %mul3A_1311 : i32 to vector<16xi32>
      %mul3A_1313 = arith.muli %get3A_1310, %mul3A_1312 : vector<16xi32>
      %shift_left3A_1314 = arith.constant 1 : i32
      %shift_left3A_1315 = vector.broadcast %shift_left3A_1314 : i32 to vector<16xi32>
      %shift_left3A_1316 = arith.shli %shift_left3A_1315, %mul3A_1313 : vector<16xi32>
      %add3A_1317 = arith.addi %add3A_1302, %shift_left3A_1316 : vector<16xi32>
      %and3A_1318 = arith.constant 119304647 : i32
      %and3A_1319 = vector.broadcast %and3A_1318 : i32 to vector<16xi32>
      %and3A_1320 = arith.andi %add3A_1002, %and3A_1319 : vector<16xi32>
      %add3A_1321 = arith.addi %broadcast_in_dim3A_885, %and3A_1320 : vector<16xi32>
      %shift_right_arithmetic3A_1322 = arith.constant 3 : i32
      %shift_right_arithmetic3A_1323 = vector.broadcast %shift_right_arithmetic3A_1322 : i32 to vector<16xi32>
      %shift_right_arithmetic3A_1324 = arith.shrsi %add3A_1002, %shift_right_arithmetic3A_1323 : vector<16xi32>
      %and3A_1325 = arith.constant 119304647 : i32
      %and3A_1326 = vector.broadcast %and3A_1325 : i32 to vector<16xi32>
      %and3A_1327 = arith.andi %shift_right_arithmetic3A_1324, %and3A_1326 : vector<16xi32>
      %add3A_1328 = arith.addi %broadcast_in_dim3A_887, %and3A_1327 : vector<16xi32>
      %and3A_1329 = arith.constant 119304647 : i32
      %and3A_1330 = vector.broadcast %and3A_1329 : i32 to vector<16xi32>
      %and3A_1331 = arith.andi %add3A_1107, %and3A_1330 : vector<16xi32>
      %add3A_1332 = arith.addi %add3A_1321, %and3A_1331 : vector<16xi32>
      %shift_right_arithmetic3A_1333 = arith.constant 3 : i32
      %shift_right_arithmetic3A_1334 = vector.broadcast %shift_right_arithmetic3A_1333 : i32 to vector<16xi32>
      %shift_right_arithmetic3A_1335 = arith.shrsi %add3A_1107, %shift_right_arithmetic3A_1334 : vector<16xi32>
      %and3A_1336 = arith.constant 119304647 : i32
      %and3A_1337 = vector.broadcast %and3A_1336 : i32 to vector<16xi32>
      %and3A_1338 = arith.andi %shift_right_arithmetic3A_1335, %and3A_1337 : vector<16xi32>
      %add3A_1339 = arith.addi %add3A_1328, %and3A_1338 : vector<16xi32>
      %and3A_1340 = arith.constant 119304647 : i32
      %and3A_1341 = vector.broadcast %and3A_1340 : i32 to vector<16xi32>
      %and3A_1342 = arith.andi %add3A_1212, %and3A_1341 : vector<16xi32>
      %add3A_1343 = arith.addi %add3A_1332, %and3A_1342 : vector<16xi32>
      %shift_right_arithmetic3A_1344 = arith.constant 3 : i32
      %shift_right_arithmetic3A_1345 = vector.broadcast %shift_right_arithmetic3A_1344 : i32 to vector<16xi32>
      %shift_right_arithmetic3A_1346 = arith.shrsi %add3A_1212, %shift_right_arithmetic3A_1345 : vector<16xi32>
      %and3A_1347 = arith.constant 119304647 : i32
      %and3A_1348 = vector.broadcast %and3A_1347 : i32 to vector<16xi32>
      %and3A_1349 = arith.andi %shift_right_arithmetic3A_1346, %and3A_1348 : vector<16xi32>
      %add3A_1350 = arith.addi %add3A_1339, %and3A_1349 : vector<16xi32>
      %and3A_1351 = arith.constant 119304647 : i32
      %and3A_1352 = vector.broadcast %and3A_1351 : i32 to vector<16xi32>
      %and3A_1353 = arith.andi %add3A_1317, %and3A_1352 : vector<16xi32>
      %add3A_1354 = arith.addi %add3A_1343, %and3A_1353 : vector<16xi32>
      %shift_right_arithmetic3A_1355 = arith.constant 3 : i32
      %shift_right_arithmetic3A_1356 = vector.broadcast %shift_right_arithmetic3A_1355 : i32 to vector<16xi32>
      %shift_right_arithmetic3A_1357 = arith.shrsi %add3A_1317, %shift_right_arithmetic3A_1356 : vector<16xi32>
      %and3A_1358 = arith.constant 119304647 : i32
      %and3A_1359 = vector.broadcast %and3A_1358 : i32 to vector<16xi32>
      %and3A_1360 = arith.andi %shift_right_arithmetic3A_1357, %and3A_1359 : vector<16xi32>
      %add3A_1361 = arith.addi %add3A_1350, %and3A_1360 : vector<16xi32>
      %add3A_1362 = arith.constant 28 : i32
      %add3A_1363 = arith.addi %mul3A_889, %add3A_1362 : i32
      %broadcast_in_dim3A_1364 = arith.constant 0 : i32
      %broadcast_in_dim3A_1365 = vector.broadcast %broadcast_in_dim3A_1364 : i32 to vector<16xi32>
      %broadcast_in_dim3A_1366 = arith.constant 0 : i32
      %broadcast_in_dim3A_1367 = vector.broadcast %broadcast_in_dim3A_1366 : i32 to vector<16xi32>
      %broadcast_in_dim3A_1368 = arith.constant 0 : i32
      %broadcast_in_dim3A_1369 = vector.broadcast %broadcast_in_dim3A_1368 : i32 to vector<16xi32>
      %broadcast_in_dim3A_1370 = arith.constant 0 : i32
      %broadcast_in_dim3A_1371 = vector.broadcast %broadcast_in_dim3A_1370 : i32 to vector<16xi32>
      %add3A_1372 = arith.constant 0 : i32
      %add3A_1373 = arith.addi %add3A_1363, %add3A_1372 : i32
      %add3A_1374 = arith.constant 0 : i32
      %add3A_1375 = arith.addi %add3A_1373, %add3A_1374 : i32
      %mul3A_1376 = arith.constant 16 : i32
      %mul3A_1377 = arith.muli %add3A_1375, %mul3A_1376 : i32
      %get3A_1378 = arith.index_cast %mul3A_1377 : i32 to index
      %get3A_1379 = tpu.vector_load %arg5[%get3A_1378] {strides = array<i32>} : memref<32768xi32, #tpu.memory_space<vmem>>, vector<16xi32>,
      %mul3A_1380 = arith.constant 3 : i32
      %mul3A_1381 = vector.broadcast %mul3A_1380 : i32 to vector<16xi32>
      %mul3A_1382 = arith.muli %get3A_1379, %mul3A_1381 : vector<16xi32>
      %shift_left3A_1383 = arith.constant 1 : i32
      %shift_left3A_1384 = vector.broadcast %shift_left3A_1383 : i32 to vector<16xi32>
      %shift_left3A_1385 = arith.shli %shift_left3A_1384, %mul3A_1382 : vector<16xi32>
      %add3A_1386 = arith.addi %broadcast_in_dim3A_1365, %shift_left3A_1385 : vector<16xi32>
      %add3A_1387 = arith.constant 0 : i32
      %add3A_1388 = arith.addi %add3A_1363, %add3A_1387 : i32
      %add3A_1389 = arith.constant 1 : i32
      %add3A_1390 = arith.addi %add3A_1388, %add3A_1389 : i32
      %mul3A_1391 = arith.constant 16 : i32
      %mul3A_1392 = arith.muli %add3A_1390, %mul3A_1391 : i32
      %get3A_1393 = arith.index_cast %mul3A_1392 : i32 to index
      %get3A_1394 = tpu.vector_load %arg5[%get3A_1393] {strides = array<i32>} : memref<32768xi32, #tpu.memory_space<vmem>>, vector<16xi32>,
      %mul3A_1395 = arith.constant 3 : i32
      %mul3A_1396 = vector.broadcast %mul3A_1395 : i32 to vector<16xi32>
      %mul3A_1397 = arith.muli %get3A_1394, %mul3A_1396 : vector<16xi32>
      %shift_left3A_1398 = arith.constant 1 : i32
      %shift_left3A_1399 = vector.broadcast %shift_left3A_1398 : i32 to vector<16xi32>
      %shift_left3A_1400 = arith.shli %shift_left3A_1399, %mul3A_1397 : vector<16xi32>
      %add3A_1401 = arith.addi %add3A_1386, %shift_left3A_1400 : vector<16xi32>
      %add3A_1402 = arith.constant 0 : i32
      %add3A_1403 = arith.addi %add3A_1363, %add3A_1402 : i32
      %add3A_1404 = arith.constant 2 : i32
      %add3A_1405 = arith.addi %add3A_1403, %add3A_1404 : i32
      %mul3A_1406 = arith.constant 16 : i32
      %mul3A_1407 = arith.muli %add3A_1405, %mul3A_1406 : i32
      %get3A_1408 = arith.index_cast %mul3A_1407 : i32 to index
      %get3A_1409 = tpu.vector_load %arg5[%get3A_1408] {strides = array<i32>} : memref<32768xi32, #tpu.memory_space<vmem>>, vector<16xi32>,
      %mul3A_1410 = arith.constant 3 : i32
      %mul3A_1411 = vector.broadcast %mul3A_1410 : i32 to vector<16xi32>
      %mul3A_1412 = arith.muli %get3A_1409, %mul3A_1411 : vector<16xi32>
      %shift_left3A_1413 = arith.constant 1 : i32
      %shift_left3A_1414 = vector.broadcast %shift_left3A_1413 : i32 to vector<16xi32>
      %shift_left3A_1415 = arith.shli %shift_left3A_1414, %mul3A_1412 : vector<16xi32>
      %add3A_1416 = arith.addi %add3A_1401, %shift_left3A_1415 : vector<16xi32>
      %add3A_1417 = arith.constant 0 : i32
      %add3A_1418 = arith.addi %add3A_1363, %add3A_1417 : i32
      %add3A_1419 = arith.constant 3 : i32
      %add3A_1420 = arith.addi %add3A_1418, %add3A_1419 : i32
      %mul3A_1421 = arith.constant 16 : i32
      %mul3A_1422 = arith.muli %add3A_1420, %mul3A_1421 : i32
      %get3A_1423 = arith.index_cast %mul3A_1422 : i32 to index
      %get3A_1424 = tpu.vector_load %arg5[%get3A_1423] {strides = array<i32>} : memref<32768xi32, #tpu.memory_space<vmem>>, vector<16xi32>,
      %mul3A_1425 = arith.constant 3 : i32
      %mul3A_1426 = vector.broadcast %mul3A_1425 : i32 to vector<16xi32>
      %mul3A_1427 = arith.muli %get3A_1424, %mul3A_1426 : vector<16xi32>
      %shift_left3A_1428 = arith.constant 1 : i32
      %shift_left3A_1429 = vector.broadcast %shift_left3A_1428 : i32 to vector<16xi32>
      %shift_left3A_1430 = arith.shli %shift_left3A_1429, %mul3A_1427 : vector<16xi32>
      %add3A_1431 = arith.addi %add3A_1416, %shift_left3A_1430 : vector<16xi32>
      %add3A_1432 = arith.constant 0 : i32
      %add3A_1433 = arith.addi %add3A_1363, %add3A_1432 : i32
      %add3A_1434 = arith.constant 4 : i32
      %add3A_1435 = arith.addi %add3A_1433, %add3A_1434 : i32
      %mul3A_1436 = arith.constant 16 : i32
      %mul3A_1437 = arith.muli %add3A_1435, %mul3A_1436 : i32
      %get3A_1438 = arith.index_cast %mul3A_1437 : i32 to index
      %get3A_1439 = tpu.vector_load %arg5[%get3A_1438] {strides = array<i32>} : memref<32768xi32, #tpu.memory_space<vmem>>, vector<16xi32>,
      %mul3A_1440 = arith.constant 3 : i32
      %mul3A_1441 = vector.broadcast %mul3A_1440 : i32 to vector<16xi32>
      %mul3A_1442 = arith.muli %get3A_1439, %mul3A_1441 : vector<16xi32>
      %shift_left3A_1443 = arith.constant 1 : i32
      %shift_left3A_1444 = vector.broadcast %shift_left3A_1443 : i32 to vector<16xi32>
      %shift_left3A_1445 = arith.shli %shift_left3A_1444, %mul3A_1442 : vector<16xi32>
      %add3A_1446 = arith.addi %add3A_1431, %shift_left3A_1445 : vector<16xi32>
      %add3A_1447 = arith.constant 0 : i32
      %add3A_1448 = arith.addi %add3A_1363, %add3A_1447 : i32
      %add3A_1449 = arith.constant 5 : i32
      %add3A_1450 = arith.addi %add3A_1448, %add3A_1449 : i32
      %mul3A_1451 = arith.constant 16 : i32
      %mul3A_1452 = arith.muli %add3A_1450, %mul3A_1451 : i32
      %get3A_1453 = arith.index_cast %mul3A_1452 : i32 to index
      %get3A_1454 = tpu.vector_load %arg5[%get3A_1453] {strides = array<i32>} : memref<32768xi32, #tpu.memory_space<vmem>>, vector<16xi32>,
      %mul3A_1455 = arith.constant 3 : i32
      %mul3A_1456 = vector.broadcast %mul3A_1455 : i32 to vector<16xi32>
      %mul3A_1457 = arith.muli %get3A_1454, %mul3A_1456 : vector<16xi32>
      %shift_left3A_1458 = arith.constant 1 : i32
      %shift_left3A_1459 = vector.broadcast %shift_left3A_1458 : i32 to vector<16xi32>
      %shift_left3A_1460 = arith.shli %shift_left3A_1459, %mul3A_1457 : vector<16xi32>
      %add3A_1461 = arith.addi %add3A_1446, %shift_left3A_1460 : vector<16xi32>
      %add3A_1462 = arith.constant 0 : i32
      %add3A_1463 = arith.addi %add3A_1363, %add3A_1462 : i32
      %add3A_1464 = arith.constant 6 : i32
      %add3A_1465 = arith.addi %add3A_1463, %add3A_1464 : i32
      %mul3A_1466 = arith.constant 16 : i32
      %mul3A_1467 = arith.muli %add3A_1465, %mul3A_1466 : i32
      %get3A_1468 = arith.index_cast %mul3A_1467 : i32 to index
      %get3A_1469 = tpu.vector_load %arg5[%get3A_1468] {strides = array<i32>} : memref<32768xi32, #tpu.memory_space<vmem>>, vector<16xi32>,
      %mul3A_1470 = arith.constant 3 : i32
      %mul3A_1471 = vector.broadcast %mul3A_1470 : i32 to vector<16xi32>
      %mul3A_1472 = arith.muli %get3A_1469, %mul3A_1471 : vector<16xi32>
      %shift_left3A_1473 = arith.constant 1 : i32
      %shift_left3A_1474 = vector.broadcast %shift_left3A_1473 : i32 to vector<16xi32>
      %shift_left3A_1475 = arith.shli %shift_left3A_1474, %mul3A_1472 : vector<16xi32>
      %add3A_1476 = arith.addi %add3A_1461, %shift_left3A_1475 : vector<16xi32>
      %add3A_1477 = arith.constant 7 : i32
      %add3A_1478 = arith.addi %add3A_1363, %add3A_1477 : i32
      %add3A_1479 = arith.constant 0 : i32
      %add3A_1480 = arith.addi %add3A_1478, %add3A_1479 : i32
      %mul3A_1481 = arith.constant 16 : i32
      %mul3A_1482 = arith.muli %add3A_1480, %mul3A_1481 : i32
      %get3A_1483 = arith.index_cast %mul3A_1482 : i32 to index
      %get3A_1484 = tpu.vector_load %arg5[%get3A_1483] {strides = array<i32>} : memref<32768xi32, #tpu.memory_space<vmem>>, vector<16xi32>,
      %mul3A_1485 = arith.constant 3 : i32
      %mul3A_1486 = vector.broadcast %mul3A_1485 : i32 to vector<16xi32>
      %mul3A_1487 = arith.muli %get3A_1484, %mul3A_1486 : vector<16xi32>
      %shift_left3A_1488 = arith.constant 1 : i32
      %shift_left3A_1489 = vector.broadcast %shift_left3A_1488 : i32 to vector<16xi32>
      %shift_left3A_1490 = arith.shli %shift_left3A_1489, %mul3A_1487 : vector<16xi32>
      %add3A_1491 = arith.addi %broadcast_in_dim3A_1367, %shift_left3A_1490 : vector<16xi32>
      %add3A_1492 = arith.constant 7 : i32
      %add3A_1493 = arith.addi %add3A_1363, %add3A_1492 : i32
      %add3A_1494 = arith.constant 1 : i32
      %add3A_1495 = arith.addi %add3A_1493, %add3A_1494 : i32
      %mul3A_1496 = arith.constant 16 : i32
      %mul3A_1497 = arith.muli %add3A_1495, %mul3A_1496 : i32
      %get3A_1498 = arith.index_cast %mul3A_1497 : i32 to index
      %get3A_1499 = tpu.vector_load %arg5[%get3A_1498] {strides = array<i32>} : memref<32768xi32, #tpu.memory_space<vmem>>, vector<16xi32>,
      %mul3A_1500 = arith.constant 3 : i32
      %mul3A_1501 = vector.broadcast %mul3A_1500 : i32 to vector<16xi32>
      %mul3A_1502 = arith.muli %get3A_1499, %mul3A_1501 : vector<16xi32>
      %shift_left3A_1503 = arith.constant 1 : i32
      %shift_left3A_1504 = vector.broadcast %shift_left3A_1503 : i32 to vector<16xi32>
      %shift_left3A_1505 = arith.shli %shift_left3A_1504, %mul3A_1502 : vector<16xi32>
      %add3A_1506 = arith.addi %add3A_1491, %shift_left3A_1505 : vector<16xi32>
      %add3A_1507 = arith.constant 7 : i32
      %add3A_1508 = arith.addi %add3A_1363, %add3A_1507 : i32
      %add3A_1509 = arith.constant 2 : i32
      %add3A_1510 = arith.addi %add3A_1508, %add3A_1509 : i32
      %mul3A_1511 = arith.constant 16 : i32
      %mul3A_1512 = arith.muli %add3A_1510, %mul3A_1511 : i32
      %get3A_1513 = arith.index_cast %mul3A_1512 : i32 to index
      %get3A_1514 = tpu.vector_load %arg5[%get3A_1513] {strides = array<i32>} : memref<32768xi32, #tpu.memory_space<vmem>>, vector<16xi32>,
      %mul3A_1515 = arith.constant 3 : i32
      %mul3A_1516 = vector.broadcast %mul3A_1515 : i32 to vector<16xi32>
      %mul3A_1517 = arith.muli %get3A_1514, %mul3A_1516 : vector<16xi32>
      %shift_left3A_1518 = arith.constant 1 : i32
      %shift_left3A_1519 = vector.broadcast %shift_left3A_1518 : i32 to vector<16xi32>
      %shift_left3A_1520 = arith.shli %shift_left3A_1519, %mul3A_1517 : vector<16xi32>
      %add3A_1521 = arith.addi %add3A_1506, %shift_left3A_1520 : vector<16xi32>
      %add3A_1522 = arith.constant 7 : i32
      %add3A_1523 = arith.addi %add3A_1363, %add3A_1522 : i32
      %add3A_1524 = arith.constant 3 : i32
      %add3A_1525 = arith.addi %add3A_1523, %add3A_1524 : i32
      %mul3A_1526 = arith.constant 16 : i32
      %mul3A_1527 = arith.muli %add3A_1525, %mul3A_1526 : i32
      %get3A_1528 = arith.index_cast %mul3A_1527 : i32 to index
      %get3A_1529 = tpu.vector_load %arg5[%get3A_1528] {strides = array<i32>} : memref<32768xi32, #tpu.memory_space<vmem>>, vector<16xi32>,
      %mul3A_1530 = arith.constant 3 : i32
      %mul3A_1531 = vector.broadcast %mul3A_1530 : i32 to vector<16xi32>
      %mul3A_1532 = arith.muli %get3A_1529, %mul3A_1531 : vector<16xi32>
      %shift_left3A_1533 = arith.constant 1 : i32
      %shift_left3A_1534 = vector.broadcast %shift_left3A_1533 : i32 to vector<16xi32>
      %shift_left3A_1535 = arith.shli %shift_left3A_1534, %mul3A_1532 : vector<16xi32>
      %add3A_1536 = arith.addi %add3A_1521, %shift_left3A_1535 : vector<16xi32>
      %add3A_1537 = arith.constant 7 : i32
      %add3A_1538 = arith.addi %add3A_1363, %add3A_1537 : i32
      %add3A_1539 = arith.constant 4 : i32
      %add3A_1540 = arith.addi %add3A_1538, %add3A_1539 : i32
      %mul3A_1541 = arith.constant 16 : i32
      %mul3A_1542 = arith.muli %add3A_1540, %mul3A_1541 : i32
      %get3A_1543 = arith.index_cast %mul3A_1542 : i32 to index
      %get3A_1544 = tpu.vector_load %arg5[%get3A_1543] {strides = array<i32>} : memref<32768xi32, #tpu.memory_space<vmem>>, vector<16xi32>,
      %mul3A_1545 = arith.constant 3 : i32
      %mul3A_1546 = vector.broadcast %mul3A_1545 : i32 to vector<16xi32>
      %mul3A_1547 = arith.muli %get3A_1544, %mul3A_1546 : vector<16xi32>
      %shift_left3A_1548 = arith.constant 1 : i32
      %shift_left3A_1549 = vector.broadcast %shift_left3A_1548 : i32 to vector<16xi32>
      %shift_left3A_1550 = arith.shli %shift_left3A_1549, %mul3A_1547 : vector<16xi32>
      %add3A_1551 = arith.addi %add3A_1536, %shift_left3A_1550 : vector<16xi32>
      %add3A_1552 = arith.constant 7 : i32
      %add3A_1553 = arith.addi %add3A_1363, %add3A_1552 : i32
      %add3A_1554 = arith.constant 5 : i32
      %add3A_1555 = arith.addi %add3A_1553, %add3A_1554 : i32
      %mul3A_1556 = arith.constant 16 : i32
      %mul3A_1557 = arith.muli %add3A_1555, %mul3A_1556 : i32
      %get3A_1558 = arith.index_cast %mul3A_1557 : i32 to index
      %get3A_1559 = tpu.vector_load %arg5[%get3A_1558] {strides = array<i32>} : memref<32768xi32, #tpu.memory_space<vmem>>, vector<16xi32>,
      %mul3A_1560 = arith.constant 3 : i32
      %mul3A_1561 = vector.broadcast %mul3A_1560 : i32 to vector<16xi32>
      %mul3A_1562 = arith.muli %get3A_1559, %mul3A_1561 : vector<16xi32>
      %shift_left3A_1563 = arith.constant 1 : i32
      %shift_left3A_1564 = vector.broadcast %shift_left3A_1563 : i32 to vector<16xi32>
      %shift_left3A_1565 = arith.shli %shift_left3A_1564, %mul3A_1562 : vector<16xi32>
      %add3A_1566 = arith.addi %add3A_1551, %shift_left3A_1565 : vector<16xi32>
      %add3A_1567 = arith.constant 7 : i32
      %add3A_1568 = arith.addi %add3A_1363, %add3A_1567 : i32
      %add3A_1569 = arith.constant 6 : i32
      %add3A_1570 = arith.addi %add3A_1568, %add3A_1569 : i32
      %mul3A_1571 = arith.constant 16 : i32
      %mul3A_1572 = arith.muli %add3A_1570, %mul3A_1571 : i32
      %get3A_1573 = arith.index_cast %mul3A_1572 : i32 to index
      %get3A_1574 = tpu.vector_load %arg5[%get3A_1573] {strides = array<i32>} : memref<32768xi32, #tpu.memory_space<vmem>>, vector<16xi32>,
      %mul3A_1575 = arith.constant 3 : i32
      %mul3A_1576 = vector.broadcast %mul3A_1575 : i32 to vector<16xi32>
      %mul3A_1577 = arith.muli %get3A_1574, %mul3A_1576 : vector<16xi32>
      %shift_left3A_1578 = arith.constant 1 : i32
      %shift_left3A_1579 = vector.broadcast %shift_left3A_1578 : i32 to vector<16xi32>
      %shift_left3A_1580 = arith.shli %shift_left3A_1579, %mul3A_1577 : vector<16xi32>
      %add3A_1581 = arith.addi %add3A_1566, %shift_left3A_1580 : vector<16xi32>
      %add3A_1582 = arith.constant 14 : i32
      %add3A_1583 = arith.addi %add3A_1363, %add3A_1582 : i32
      %add3A_1584 = arith.constant 0 : i32
      %add3A_1585 = arith.addi %add3A_1583, %add3A_1584 : i32
      %mul3A_1586 = arith.constant 16 : i32
      %mul3A_1587 = arith.muli %add3A_1585, %mul3A_1586 : i32
      %get3A_1588 = arith.index_cast %mul3A_1587 : i32 to index
      %get3A_1589 = tpu.vector_load %arg5[%get3A_1588] {strides = array<i32>} : memref<32768xi32, #tpu.memory_space<vmem>>, vector<16xi32>,
      %mul3A_1590 = arith.constant 3 : i32
      %mul3A_1591 = vector.broadcast %mul3A_1590 : i32 to vector<16xi32>
      %mul3A_1592 = arith.muli %get3A_1589, %mul3A_1591 : vector<16xi32>
      %shift_left3A_1593 = arith.constant 1 : i32
      %shift_left3A_1594 = vector.broadcast %shift_left3A_1593 : i32 to vector<16xi32>
      %shift_left3A_1595 = arith.shli %shift_left3A_1594, %mul3A_1592 : vector<16xi32>
      %add3A_1596 = arith.addi %broadcast_in_dim3A_1369, %shift_left3A_1595 : vector<16xi32>
      %add3A_1597 = arith.constant 14 : i32
      %add3A_1598 = arith.addi %add3A_1363, %add3A_1597 : i32
      %add3A_1599 = arith.constant 1 : i32
      %add3A_1600 = arith.addi %add3A_1598, %add3A_1599 : i32
      %mul3A_1601 = arith.constant 16 : i32
      %mul3A_1602 = arith.muli %add3A_1600, %mul3A_1601 : i32
      %get3A_1603 = arith.index_cast %mul3A_1602 : i32 to index
      %get3A_1604 = tpu.vector_load %arg5[%get3A_1603] {strides = array<i32>} : memref<32768xi32, #tpu.memory_space<vmem>>, vector<16xi32>,
      %mul3A_1605 = arith.constant 3 : i32
      %mul3A_1606 = vector.broadcast %mul3A_1605 : i32 to vector<16xi32>
      %mul3A_1607 = arith.muli %get3A_1604, %mul3A_1606 : vector<16xi32>
      %shift_left3A_1608 = arith.constant 1 : i32
      %shift_left3A_1609 = vector.broadcast %shift_left3A_1608 : i32 to vector<16xi32>
      %shift_left3A_1610 = arith.shli %shift_left3A_1609, %mul3A_1607 : vector<16xi32>
      %add3A_1611 = arith.addi %add3A_1596, %shift_left3A_1610 : vector<16xi32>
      %add3A_1612 = arith.constant 14 : i32
      %add3A_1613 = arith.addi %add3A_1363, %add3A_1612 : i32
      %add3A_1614 = arith.constant 2 : i32
      %add3A_1615 = arith.addi %add3A_1613, %add3A_1614 : i32
      %mul3A_1616 = arith.constant 16 : i32
      %mul3A_1617 = arith.muli %add3A_1615, %mul3A_1616 : i32
      %get3A_1618 = arith.index_cast %mul3A_1617 : i32 to index
      %get3A_1619 = tpu.vector_load %arg5[%get3A_1618] {strides = array<i32>} : memref<32768xi32, #tpu.memory_space<vmem>>, vector<16xi32>,
      %mul3A_1620 = arith.constant 3 : i32
      %mul3A_1621 = vector.broadcast %mul3A_1620 : i32 to vector<16xi32>
      %mul3A_1622 = arith.muli %get3A_1619, %mul3A_1621 : vector<16xi32>
      %shift_left3A_1623 = arith.constant 1 : i32
      %shift_left3A_1624 = vector.broadcast %shift_left3A_1623 : i32 to vector<16xi32>
      %shift_left3A_1625 = arith.shli %shift_left3A_1624, %mul3A_1622 : vector<16xi32>
      %add3A_1626 = arith.addi %add3A_1611, %shift_left3A_1625 : vector<16xi32>
      %add3A_1627 = arith.constant 14 : i32
      %add3A_1628 = arith.addi %add3A_1363, %add3A_1627 : i32
      %add3A_1629 = arith.constant 3 : i32
      %add3A_1630 = arith.addi %add3A_1628, %add3A_1629 : i32
      %mul3A_1631 = arith.constant 16 : i32
      %mul3A_1632 = arith.muli %add3A_1630, %mul3A_1631 : i32
      %get3A_1633 = arith.index_cast %mul3A_1632 : i32 to index
      %get3A_1634 = tpu.vector_load %arg5[%get3A_1633] {strides = array<i32>} : memref<32768xi32, #tpu.memory_space<vmem>>, vector<16xi32>,
      %mul3A_1635 = arith.constant 3 : i32
      %mul3A_1636 = vector.broadcast %mul3A_1635 : i32 to vector<16xi32>
      %mul3A_1637 = arith.muli %get3A_1634, %mul3A_1636 : vector<16xi32>
      %shift_left3A_1638 = arith.constant 1 : i32
      %shift_left3A_1639 = vector.broadcast %shift_left3A_1638 : i32 to vector<16xi32>
      %shift_left3A_1640 = arith.shli %shift_left3A_1639, %mul3A_1637 : vector<16xi32>
      %add3A_1641 = arith.addi %add3A_1626, %shift_left3A_1640 : vector<16xi32>
      %add3A_1642 = arith.constant 14 : i32
      %add3A_1643 = arith.addi %add3A_1363, %add3A_1642 : i32
      %add3A_1644 = arith.constant 4 : i32
      %add3A_1645 = arith.addi %add3A_1643, %add3A_1644 : i32
      %mul3A_1646 = arith.constant 16 : i32
      %mul3A_1647 = arith.muli %add3A_1645, %mul3A_1646 : i32
      %get3A_1648 = arith.index_cast %mul3A_1647 : i32 to index
      %get3A_1649 = tpu.vector_load %arg5[%get3A_1648] {strides = array<i32>} : memref<32768xi32, #tpu.memory_space<vmem>>, vector<16xi32>,
      %mul3A_1650 = arith.constant 3 : i32
      %mul3A_1651 = vector.broadcast %mul3A_1650 : i32 to vector<16xi32>
      %mul3A_1652 = arith.muli %get3A_1649, %mul3A_1651 : vector<16xi32>
      %shift_left3A_1653 = arith.constant 1 : i32
      %shift_left3A_1654 = vector.broadcast %shift_left3A_1653 : i32 to vector<16xi32>
      %shift_left3A_1655 = arith.shli %shift_left3A_1654, %mul3A_1652 : vector<16xi32>
      %add3A_1656 = arith.addi %add3A_1641, %shift_left3A_1655 : vector<16xi32>
      %add3A_1657 = arith.constant 14 : i32
      %add3A_1658 = arith.addi %add3A_1363, %add3A_1657 : i32
      %add3A_1659 = arith.constant 5 : i32
      %add3A_1660 = arith.addi %add3A_1658, %add3A_1659 : i32
      %mul3A_1661 = arith.constant 16 : i32
      %mul3A_1662 = arith.muli %add3A_1660, %mul3A_1661 : i32
      %get3A_1663 = arith.index_cast %mul3A_1662 : i32 to index
      %get3A_1664 = tpu.vector_load %arg5[%get3A_1663] {strides = array<i32>} : memref<32768xi32, #tpu.memory_space<vmem>>, vector<16xi32>,
      %mul3A_1665 = arith.constant 3 : i32
      %mul3A_1666 = vector.broadcast %mul3A_1665 : i32 to vector<16xi32>
      %mul3A_1667 = arith.muli %get3A_1664, %mul3A_1666 : vector<16xi32>
      %shift_left3A_1668 = arith.constant 1 : i32
      %shift_left3A_1669 = vector.broadcast %shift_left3A_1668 : i32 to vector<16xi32>
      %shift_left3A_1670 = arith.shli %shift_left3A_1669, %mul3A_1667 : vector<16xi32>
      %add3A_1671 = arith.addi %add3A_1656, %shift_left3A_1670 : vector<16xi32>
      %add3A_1672 = arith.constant 14 : i32
      %add3A_1673 = arith.addi %add3A_1363, %add3A_1672 : i32
      %add3A_1674 = arith.constant 6 : i32
      %add3A_1675 = arith.addi %add3A_1673, %add3A_1674 : i32
      %mul3A_1676 = arith.constant 16 : i32
      %mul3A_1677 = arith.muli %add3A_1675, %mul3A_1676 : i32
      %get3A_1678 = arith.index_cast %mul3A_1677 : i32 to index
      %get3A_1679 = tpu.vector_load %arg5[%get3A_1678] {strides = array<i32>} : memref<32768xi32, #tpu.memory_space<vmem>>, vector<16xi32>,
      %mul3A_1680 = arith.constant 3 : i32
      %mul3A_1681 = vector.broadcast %mul3A_1680 : i32 to vector<16xi32>
      %mul3A_1682 = arith.muli %get3A_1679, %mul3A_1681 : vector<16xi32>
      %shift_left3A_1683 = arith.constant 1 : i32
      %shift_left3A_1684 = vector.broadcast %shift_left3A_1683 : i32 to vector<16xi32>
      %shift_left3A_1685 = arith.shli %shift_left3A_1684, %mul3A_1682 : vector<16xi32>
      %add3A_1686 = arith.addi %add3A_1671, %shift_left3A_1685 : vector<16xi32>
      %add3A_1687 = arith.constant 21 : i32
      %add3A_1688 = arith.addi %add3A_1363, %add3A_1687 : i32
      %add3A_1689 = arith.constant 0 : i32
      %add3A_1690 = arith.addi %add3A_1688, %add3A_1689 : i32
      %mul3A_1691 = arith.constant 16 : i32
      %mul3A_1692 = arith.muli %add3A_1690, %mul3A_1691 : i32
      %get3A_1693 = arith.index_cast %mul3A_1692 : i32 to index
      %get3A_1694 = tpu.vector_load %arg5[%get3A_1693] {strides = array<i32>} : memref<32768xi32, #tpu.memory_space<vmem>>, vector<16xi32>,
      %mul3A_1695 = arith.constant 3 : i32
      %mul3A_1696 = vector.broadcast %mul3A_1695 : i32 to vector<16xi32>
      %mul3A_1697 = arith.muli %get3A_1694, %mul3A_1696 : vector<16xi32>
      %shift_left3A_1698 = arith.constant 1 : i32
      %shift_left3A_1699 = vector.broadcast %shift_left3A_1698 : i32 to vector<16xi32>
      %shift_left3A_1700 = arith.shli %shift_left3A_1699, %mul3A_1697 : vector<16xi32>
      %add3A_1701 = arith.addi %broadcast_in_dim3A_1371, %shift_left3A_1700 : vector<16xi32>
      %add3A_1702 = arith.constant 21 : i32
      %add3A_1703 = arith.addi %add3A_1363, %add3A_1702 : i32
      %add3A_1704 = arith.constant 1 : i32
      %add3A_1705 = arith.addi %add3A_1703, %add3A_1704 : i32
      %mul3A_1706 = arith.constant 16 : i32
      %mul3A_1707 = arith.muli %add3A_1705, %mul3A_1706 : i32
      %get3A_1708 = arith.index_cast %mul3A_1707 : i32 to index
      %get3A_1709 = tpu.vector_load %arg5[%get3A_1708] {strides = array<i32>} : memref<32768xi32, #tpu.memory_space<vmem>>, vector<16xi32>,
      %mul3A_1710 = arith.constant 3 : i32
      %mul3A_1711 = vector.broadcast %mul3A_1710 : i32 to vector<16xi32>
      %mul3A_1712 = arith.muli %get3A_1709, %mul3A_1711 : vector<16xi32>
      %shift_left3A_1713 = arith.constant 1 : i32
      %shift_left3A_1714 = vector.broadcast %shift_left3A_1713 : i32 to vector<16xi32>
      %shift_left3A_1715 = arith.shli %shift_left3A_1714, %mul3A_1712 : vector<16xi32>
      %add3A_1716 = arith.addi %add3A_1701, %shift_left3A_1715 : vector<16xi32>
      %add3A_1717 = arith.constant 21 : i32
      %add3A_1718 = arith.addi %add3A_1363, %add3A_1717 : i32
      %add3A_1719 = arith.constant 2 : i32
      %add3A_1720 = arith.addi %add3A_1718, %add3A_1719 : i32
      %mul3A_1721 = arith.constant 16 : i32
      %mul3A_1722 = arith.muli %add3A_1720, %mul3A_1721 : i32
      %get3A_1723 = arith.index_cast %mul3A_1722 : i32 to index
      %get3A_1724 = tpu.vector_load %arg5[%get3A_1723] {strides = array<i32>} : memref<32768xi32, #tpu.memory_space<vmem>>, vector<16xi32>,
      %mul3A_1725 = arith.constant 3 : i32
      %mul3A_1726 = vector.broadcast %mul3A_1725 : i32 to vector<16xi32>
      %mul3A_1727 = arith.muli %get3A_1724, %mul3A_1726 : vector<16xi32>
      %shift_left3A_1728 = arith.constant 1 : i32
      %shift_left3A_1729 = vector.broadcast %shift_left3A_1728 : i32 to vector<16xi32>
      %shift_left3A_1730 = arith.shli %shift_left3A_1729, %mul3A_1727 : vector<16xi32>
      %add3A_1731 = arith.addi %add3A_1716, %shift_left3A_1730 : vector<16xi32>
      %add3A_1732 = arith.constant 21 : i32
      %add3A_1733 = arith.addi %add3A_1363, %add3A_1732 : i32
      %add3A_1734 = arith.constant 3 : i32
      %add3A_1735 = arith.addi %add3A_1733, %add3A_1734 : i32
      %mul3A_1736 = arith.constant 16 : i32
      %mul3A_1737 = arith.muli %add3A_1735, %mul3A_1736 : i32
      %get3A_1738 = arith.index_cast %mul3A_1737 : i32 to index
      %get3A_1739 = tpu.vector_load %arg5[%get3A_1738] {strides = array<i32>} : memref<32768xi32, #tpu.memory_space<vmem>>, vector<16xi32>,
      %mul3A_1740 = arith.constant 3 : i32
      %mul3A_1741 = vector.broadcast %mul3A_1740 : i32 to vector<16xi32>
      %mul3A_1742 = arith.muli %get3A_1739, %mul3A_1741 : vector<16xi32>
      %shift_left3A_1743 = arith.constant 1 : i32
      %shift_left3A_1744 = vector.broadcast %shift_left3A_1743 : i32 to vector<16xi32>
      %shift_left3A_1745 = arith.shli %shift_left3A_1744, %mul3A_1742 : vector<16xi32>
      %add3A_1746 = arith.addi %add3A_1731, %shift_left3A_1745 : vector<16xi32>
      %add3A_1747 = arith.constant 21 : i32
      %add3A_1748 = arith.addi %add3A_1363, %add3A_1747 : i32
      %add3A_1749 = arith.constant 4 : i32
      %add3A_1750 = arith.addi %add3A_1748, %add3A_1749 : i32
      %mul3A_1751 = arith.constant 16 : i32
      %mul3A_1752 = arith.muli %add3A_1750, %mul3A_1751 : i32
      %get3A_1753 = arith.index_cast %mul3A_1752 : i32 to index
      %get3A_1754 = tpu.vector_load %arg5[%get3A_1753] {strides = array<i32>} : memref<32768xi32, #tpu.memory_space<vmem>>, vector<16xi32>,
      %mul3A_1755 = arith.constant 3 : i32
      %mul3A_1756 = vector.broadcast %mul3A_1755 : i32 to vector<16xi32>
      %mul3A_1757 = arith.muli %get3A_1754, %mul3A_1756 : vector<16xi32>
      %shift_left3A_1758 = arith.constant 1 : i32
      %shift_left3A_1759 = vector.broadcast %shift_left3A_1758 : i32 to vector<16xi32>
      %shift_left3A_1760 = arith.shli %shift_left3A_1759, %mul3A_1757 : vector<16xi32>
      %add3A_1761 = arith.addi %add3A_1746, %shift_left3A_1760 : vector<16xi32>
      %add3A_1762 = arith.constant 21 : i32
      %add3A_1763 = arith.addi %add3A_1363, %add3A_1762 : i32
      %add3A_1764 = arith.constant 5 : i32
      %add3A_1765 = arith.addi %add3A_1763, %add3A_1764 : i32
      %mul3A_1766 = arith.constant 16 : i32
      %mul3A_1767 = arith.muli %add3A_1765, %mul3A_1766 : i32
      %get3A_1768 = arith.index_cast %mul3A_1767 : i32 to index
      %get3A_1769 = tpu.vector_load %arg5[%get3A_1768] {strides = array<i32>} : memref<32768xi32, #tpu.memory_space<vmem>>, vector<16xi32>,
      %mul3A_1770 = arith.constant 3 : i32
      %mul3A_1771 = vector.broadcast %mul3A_1770 : i32 to vector<16xi32>
      %mul3A_1772 = arith.muli %get3A_1769, %mul3A_1771 : vector<16xi32>
      %shift_left3A_1773 = arith.constant 1 : i32
      %shift_left3A_1774 = vector.broadcast %shift_left3A_1773 : i32 to vector<16xi32>
      %shift_left3A_1775 = arith.shli %shift_left3A_1774, %mul3A_1772 : vector<16xi32>
      %add3A_1776 = arith.addi %add3A_1761, %shift_left3A_1775 : vector<16xi32>
      %add3A_1777 = arith.constant 21 : i32
      %add3A_1778 = arith.addi %add3A_1363, %add3A_1777 : i32
      %add3A_1779 = arith.constant 6 : i32
      %add3A_1780 = arith.addi %add3A_1778, %add3A_1779 : i32
      %mul3A_1781 = arith.constant 16 : i32
      %mul3A_1782 = arith.muli %add3A_1780, %mul3A_1781 : i32
      %get3A_1783 = arith.index_cast %mul3A_1782 : i32 to index
      %get3A_1784 = tpu.vector_load %arg5[%get3A_1783] {strides = array<i32>} : memref<32768xi32, #tpu.memory_space<vmem>>, vector<16xi32>,
      %mul3A_1785 = arith.constant 3 : i32
      %mul3A_1786 = vector.broadcast %mul3A_1785 : i32 to vector<16xi32>
      %mul3A_1787 = arith.muli %get3A_1784, %mul3A_1786 : vector<16xi32>
      %shift_left3A_1788 = arith.constant 1 : i32
      %shift_left3A_1789 = vector.broadcast %shift_left3A_1788 : i32 to vector<16xi32>
      %shift_left3A_1790 = arith.shli %shift_left3A_1789, %mul3A_1787 : vector<16xi32>
      %add3A_1791 = arith.addi %add3A_1776, %shift_left3A_1790 : vector<16xi32>
      %and3A_1792 = arith.constant 119304647 : i32
      %and3A_1793 = vector.broadcast %and3A_1792 : i32 to vector<16xi32>
      %and3A_1794 = arith.andi %add3A_1476, %and3A_1793 : vector<16xi32>
      %add3A_1795 = arith.addi %add3A_1354, %and3A_1794 : vector<16xi32>
      %shift_right_arithmetic3A_1796 = arith.constant 3 : i32
      %shift_right_arithmetic3A_1797 = vector.broadcast %shift_right_arithmetic3A_1796 : i32 to vector<16xi32>
      %shift_right_arithmetic3A_1798 = arith.shrsi %add3A_1476, %shift_right_arithmetic3A_1797 : vector<16xi32>
      %and3A_1799 = arith.constant 119304647 : i32
      %and3A_1800 = vector.broadcast %and3A_1799 : i32 to vector<16xi32>
      %and3A_1801 = arith.andi %shift_right_arithmetic3A_1798, %and3A_1800 : vector<16xi32>
      %add3A_1802 = arith.addi %add3A_1361, %and3A_1801 : vector<16xi32>
      %and3A_1803 = arith.constant 119304647 : i32
      %and3A_1804 = vector.broadcast %and3A_1803 : i32 to vector<16xi32>
      %and3A_1805 = arith.andi %add3A_1581, %and3A_1804 : vector<16xi32>
      %add3A_1806 = arith.addi %add3A_1795, %and3A_1805 : vector<16xi32>
      %shift_right_arithmetic3A_1807 = arith.constant 3 : i32
      %shift_right_arithmetic3A_1808 = vector.broadcast %shift_right_arithmetic3A_1807 : i32 to vector<16xi32>
      %shift_right_arithmetic3A_1809 = arith.shrsi %add3A_1581, %shift_right_arithmetic3A_1808 : vector<16xi32>
      %and3A_1810 = arith.constant 119304647 : i32
      %and3A_1811 = vector.broadcast %and3A_1810 : i32 to vector<16xi32>
      %and3A_1812 = arith.andi %shift_right_arithmetic3A_1809, %and3A_1811 : vector<16xi32>
      %add3A_1813 = arith.addi %add3A_1802, %and3A_1812 : vector<16xi32>
      %and3A_1814 = arith.constant 119304647 : i32
      %and3A_1815 = vector.broadcast %and3A_1814 : i32 to vector<16xi32>
      %and3A_1816 = arith.andi %add3A_1686, %and3A_1815 : vector<16xi32>
      %add3A_1817 = arith.addi %add3A_1806, %and3A_1816 : vector<16xi32>
      %shift_right_arithmetic3A_1818 = arith.constant 3 : i32
      %shift_right_arithmetic3A_1819 = vector.broadcast %shift_right_arithmetic3A_1818 : i32 to vector<16xi32>
      %shift_right_arithmetic3A_1820 = arith.shrsi %add3A_1686, %shift_right_arithmetic3A_1819 : vector<16xi32>
      %and3A_1821 = arith.constant 119304647 : i32
      %and3A_1822 = vector.broadcast %and3A_1821 : i32 to vector<16xi32>
      %and3A_1823 = arith.andi %shift_right_arithmetic3A_1820, %and3A_1822 : vector<16xi32>
      %add3A_1824 = arith.addi %add3A_1813, %and3A_1823 : vector<16xi32>
      %and3A_1825 = arith.constant 119304647 : i32
      %and3A_1826 = vector.broadcast %and3A_1825 : i32 to vector<16xi32>
      %and3A_1827 = arith.andi %add3A_1791, %and3A_1826 : vector<16xi32>
      %add3A_1828 = arith.addi %add3A_1817, %and3A_1827 : vector<16xi32>
      %shift_right_arithmetic3A_1829 = arith.constant 3 : i32
      %shift_right_arithmetic3A_1830 = vector.broadcast %shift_right_arithmetic3A_1829 : i32 to vector<16xi32>
      %shift_right_arithmetic3A_1831 = arith.shrsi %add3A_1791, %shift_right_arithmetic3A_1830 : vector<16xi32>
      %and3A_1832 = arith.constant 119304647 : i32
      %and3A_1833 = vector.broadcast %and3A_1832 : i32 to vector<16xi32>
      %and3A_1834 = arith.andi %shift_right_arithmetic3A_1831, %and3A_1833 : vector<16xi32>
      %add3A_1835 = arith.addi %add3A_1824, %and3A_1834 : vector<16xi32>
      %shift_right_arithmetic3A_1836 = arith.constant 0 : i32
      %shift_right_arithmetic3A_1837 = vector.broadcast %shift_right_arithmetic3A_1836 : i32 to vector<16xi32>
      %shift_right_arithmetic3A_1838 = arith.shrsi %add3A_1828, %shift_right_arithmetic3A_1837 : vector<16xi32>
      %and3A_1839 = arith.constant 63 : i32
      %and3A_1840 = vector.broadcast %and3A_1839 : i32 to vector<16xi32>
      %and3A_1841 = arith.andi %shift_right_arithmetic3A_1838, %and3A_1840 : vector<16xi32>
      %add3A_1842 = arith.addi %scan3A_874, %and3A_1841 : vector<16xi32>
      %shift_right_arithmetic3A_1843 = arith.constant 0 : i32
      %shift_right_arithmetic3A_1844 = vector.broadcast %shift_right_arithmetic3A_1843 : i32 to vector<16xi32>
      %shift_right_arithmetic3A_1845 = arith.shrsi %add3A_1835, %shift_right_arithmetic3A_1844 : vector<16xi32>
      %and3A_1846 = arith.constant 63 : i32
      %and3A_1847 = vector.broadcast %and3A_1846 : i32 to vector<16xi32>
      %and3A_1848 = arith.andi %shift_right_arithmetic3A_1845, %and3A_1847 : vector<16xi32>
      %add3A_1849 = arith.addi %scan3A_875, %and3A_1848 : vector<16xi32>
      %shift_right_arithmetic3A_1850 = arith.constant 6 : i32
      %shift_right_arithmetic3A_1851 = vector.broadcast %shift_right_arithmetic3A_1850 : i32 to vector<16xi32>
      %shift_right_arithmetic3A_1852 = arith.shrsi %add3A_1828, %shift_right_arithmetic3A_1851 : vector<16xi32>
      %and3A_1853 = arith.constant 63 : i32
      %and3A_1854 = vector.broadcast %and3A_1853 : i32 to vector<16xi32>
      %and3A_1855 = arith.andi %shift_right_arithmetic3A_1852, %and3A_1854 : vector<16xi32>
      %add3A_1856 = arith.addi %scan3A_876, %and3A_1855 : vector<16xi32>
      %shift_right_arithmetic3A_1857 = arith.constant 6 : i32
      %shift_right_arithmetic3A_1858 = vector.broadcast %shift_right_arithmetic3A_1857 : i32 to vector<16xi32>
      %shift_right_arithmetic3A_1859 = arith.shrsi %add3A_1835, %shift_right_arithmetic3A_1858 : vector<16xi32>
      %and3A_1860 = arith.constant 63 : i32
      %and3A_1861 = vector.broadcast %and3A_1860 : i32 to vector<16xi32>
      %and3A_1862 = arith.andi %shift_right_arithmetic3A_1859, %and3A_1861 : vector<16xi32>
      %add3A_1863 = arith.addi %scan3A_877, %and3A_1862 : vector<16xi32>
      %shift_right_arithmetic3A_1864 = arith.constant 12 : i32
      %shift_right_arithmetic3A_1865 = vector.broadcast %shift_right_arithmetic3A_1864 : i32 to vector<16xi32>
      %shift_right_arithmetic3A_1866 = arith.shrsi %add3A_1828, %shift_right_arithmetic3A_1865 : vector<16xi32>
      %and3A_1867 = arith.constant 63 : i32
      %and3A_1868 = vector.broadcast %and3A_1867 : i32 to vector<16xi32>
      %and3A_1869 = arith.andi %shift_right_arithmetic3A_1866, %and3A_1868 : vector<16xi32>
      %add3A_1870 = arith.addi %scan3A_878, %and3A_1869 : vector<16xi32>
      %shift_right_arithmetic3A_1871 = arith.constant 12 : i32
      %shift_right_arithmetic3A_1872 = vector.broadcast %shift_right_arithmetic3A_1871 : i32 to vector<16xi32>
      %shift_right_arithmetic3A_1873 = arith.shrsi %add3A_1835, %shift_right_arithmetic3A_1872 : vector<16xi32>
      %and3A_1874 = arith.constant 63 : i32
      %and3A_1875 = vector.broadcast %and3A_1874 : i32 to vector<16xi32>
      %and3A_1876 = arith.andi %shift_right_arithmetic3A_1873, %and3A_1875 : vector<16xi32>
      %add3A_1877 = arith.addi %scan3A_879, %and3A_1876 : vector<16xi32>
      %shift_right_arithmetic3A_1878 = arith.constant 18 : i32
      %shift_right_arithmetic3A_1879 = vector.broadcast %shift_right_arithmetic3A_1878 : i32 to vector<16xi32>
      %shift_right_arithmetic3A_1880 = arith.shrsi %add3A_1828, %shift_right_arithmetic3A_1879 : vector<16xi32>
      %and3A_1881 = arith.constant 63 : i32
      %and3A_1882 = vector.broadcast %and3A_1881 : i32 to vector<16xi32>
      %and3A_1883 = arith.andi %shift_right_arithmetic3A_1880, %and3A_1882 : vector<16xi32>
      %add3A_1884 = arith.addi %scan3A_880, %and3A_1883 : vector<16xi32>
      %shift_right_arithmetic3A_1885 = arith.constant 18 : i32
      %shift_right_arithmetic3A_1886 = vector.broadcast %shift_right_arithmetic3A_1885 : i32 to vector<16xi32>
      %shift_right_arithmetic3A_1887 = arith.shrsi %add3A_1835, %shift_right_arithmetic3A_1886 : vector<16xi32>
      %and3A_1888 = arith.constant 63 : i32
      %and3A_1889 = vector.broadcast %and3A_1888 : i32 to vector<16xi32>
      %and3A_1890 = arith.andi %shift_right_arithmetic3A_1887, %and3A_1889 : vector<16xi32>
      %add3A_1891 = arith.addi %scan3A_881, %and3A_1890 : vector<16xi32>
      %shift_right_arithmetic3A_1892 = arith.constant 24 : i32
      %shift_right_arithmetic3A_1893 = vector.broadcast %shift_right_arithmetic3A_1892 : i32 to vector<16xi32>
      %shift_right_arithmetic3A_1894 = arith.shrsi %add3A_1828, %shift_right_arithmetic3A_1893 : vector<16xi32>
      %and3A_1895 = arith.constant 63 : i32
      %and3A_1896 = vector.broadcast %and3A_1895 : i32 to vector<16xi32>
      %and3A_1897 = arith.andi %shift_right_arithmetic3A_1894, %and3A_1896 : vector<16xi32>
      %add3A_1898 = arith.addi %scan3A_882, %and3A_1897 : vector<16xi32>
      %shift_right_arithmetic3A_1899 = arith.constant 24 : i32
      %shift_right_arithmetic3A_1900 = vector.broadcast %shift_right_arithmetic3A_1899 : i32 to vector<16xi32>
      %shift_right_arithmetic3A_1901 = arith.shrsi %add3A_1835, %shift_right_arithmetic3A_1900 : vector<16xi32>
      %and3A_1902 = arith.constant 63 : i32
      %and3A_1903 = vector.broadcast %and3A_1902 : i32 to vector<16xi32>
      %and3A_1904 = arith.andi %shift_right_arithmetic3A_1901, %and3A_1903 : vector<16xi32>
      %add3A_1905 = arith.addi %scan3A_883, %and3A_1904 : vector<16xi32>
      scf.yield %add3A_1842, %add3A_1849, %add3A_1856, %add3A_1863, %add3A_1870, %add3A_1877, %add3A_1884, %add3A_1891, %add3A_1898, %add3A_1905 : vector<16xi32>, vector<16xi32>, vector<16xi32>, vector<16xi32>, vector<16xi32>, vector<16xi32>, vector<16xi32>, vector<16xi32>, vector<16xi32>, vector<16xi32>
    }
    %scan3A_56 = arith.constant 18 : i32
    %broadcast_in_dim3A_57 = arith.constant 0 : i32
    %broadcast_in_dim3A_58 = vector.broadcast %broadcast_in_dim3A_57 : i32 to vector<16xi32>
    %broadcast_in_dim3A_59 = arith.constant 0 : i32
    %broadcast_in_dim3A_60 = vector.broadcast %broadcast_in_dim3A_59 : i32 to vector<16xi32>
    %broadcast_in_dim3A_61 = arith.constant 0 : i32
    %broadcast_in_dim3A_62 = vector.broadcast %broadcast_in_dim3A_61 : i32 to vector<16xi32>
    %broadcast_in_dim3A_63 = arith.constant 0 : i32
    %broadcast_in_dim3A_64 = vector.broadcast %broadcast_in_dim3A_63 : i32 to vector<16xi32>
    %broadcast_in_dim3A_65 = arith.constant 0 : i32
    %broadcast_in_dim3A_66 = vector.broadcast %broadcast_in_dim3A_65 : i32 to vector<16xi32>
    %broadcast_in_dim3A_67 = arith.constant 0 : i32
    %broadcast_in_dim3A_68 = vector.broadcast %broadcast_in_dim3A_67 : i32 to vector<16xi32>
    %get3A = arith.constant 32256 : index
    %get3A_69 = tpu.vector_load %arg5[%get3A] {strides = array<i32>} : memref<32768xi32, #tpu.memory_space<vmem>>, vector<16xi32>,
    %mul3A_70 = arith.constant 3 : i32
    %mul3A_71 = vector.broadcast %mul3A_70 : i32 to vector<16xi32>
    %mul3A_72 = arith.muli %get3A_69, %mul3A_71 : vector<16xi32>
    %shift_left3A = arith.constant 1 : i32
    %shift_left3A_73 = vector.broadcast %shift_left3A : i32 to vector<16xi32>
    %shift_left3A_74 = arith.shli %shift_left3A_73, %mul3A_72 : vector<16xi32>
    %add3A_75 = arith.addi %broadcast_in_dim3A_62, %shift_left3A_74 : vector<16xi32>
    %get3A_76 = arith.constant 32272 : index
    %get3A_77 = tpu.vector_load %arg5[%get3A_76] {strides = array<i32>} : memref<32768xi32, #tpu.memory_space<vmem>>, vector<16xi32>,
    %mul3A_78 = arith.constant 3 : i32
    %mul3A_79 = vector.broadcast %mul3A_78 : i32 to vector<16xi32>
    %mul3A_80 = arith.muli %get3A_77, %mul3A_79 : vector<16xi32>
    %shift_left3A_81 = arith.constant 1 : i32
    %shift_left3A_82 = vector.broadcast %shift_left3A_81 : i32 to vector<16xi32>
    %shift_left3A_83 = arith.shli %shift_left3A_82, %mul3A_80 : vector<16xi32>
    %add3A_84 = arith.addi %add3A_75, %shift_left3A_83 : vector<16xi32>
    %get3A_85 = arith.constant 32288 : index
    %get3A_86 = tpu.vector_load %arg5[%get3A_85] {strides = array<i32>} : memref<32768xi32, #tpu.memory_space<vmem>>, vector<16xi32>,
    %mul3A_87 = arith.constant 3 : i32
    %mul3A_88 = vector.broadcast %mul3A_87 : i32 to vector<16xi32>
    %mul3A_89 = arith.muli %get3A_86, %mul3A_88 : vector<16xi32>
    %shift_left3A_90 = arith.constant 1 : i32
    %shift_left3A_91 = vector.broadcast %shift_left3A_90 : i32 to vector<16xi32>
    %shift_left3A_92 = arith.shli %shift_left3A_91, %mul3A_89 : vector<16xi32>
    %add3A_93 = arith.addi %add3A_84, %shift_left3A_92 : vector<16xi32>
    %get3A_94 = arith.constant 32304 : index
    %get3A_95 = tpu.vector_load %arg5[%get3A_94] {strides = array<i32>} : memref<32768xi32, #tpu.memory_space<vmem>>, vector<16xi32>,
    %mul3A_96 = arith.constant 3 : i32
    %mul3A_97 = vector.broadcast %mul3A_96 : i32 to vector<16xi32>
    %mul3A_98 = arith.muli %get3A_95, %mul3A_97 : vector<16xi32>
    %shift_left3A_99 = arith.constant 1 : i32
    %shift_left3A_100 = vector.broadcast %shift_left3A_99 : i32 to vector<16xi32>
    %shift_left3A_101 = arith.shli %shift_left3A_100, %mul3A_98 : vector<16xi32>
    %add3A_102 = arith.addi %add3A_93, %shift_left3A_101 : vector<16xi32>
    %get3A_103 = arith.constant 32320 : index
    %get3A_104 = tpu.vector_load %arg5[%get3A_103] {strides = array<i32>} : memref<32768xi32, #tpu.memory_space<vmem>>, vector<16xi32>,
    %mul3A_105 = arith.constant 3 : i32
    %mul3A_106 = vector.broadcast %mul3A_105 : i32 to vector<16xi32>
    %mul3A_107 = arith.muli %get3A_104, %mul3A_106 : vector<16xi32>
    %shift_left3A_108 = arith.constant 1 : i32
    %shift_left3A_109 = vector.broadcast %shift_left3A_108 : i32 to vector<16xi32>
    %shift_left3A_110 = arith.shli %shift_left3A_109, %mul3A_107 : vector<16xi32>
    %add3A_111 = arith.addi %add3A_102, %shift_left3A_110 : vector<16xi32>
    %get3A_112 = arith.constant 32336 : index
    %get3A_113 = tpu.vector_load %arg5[%get3A_112] {strides = array<i32>} : memref<32768xi32, #tpu.memory_space<vmem>>, vector<16xi32>,
    %mul3A_114 = arith.constant 3 : i32
    %mul3A_115 = vector.broadcast %mul3A_114 : i32 to vector<16xi32>
    %mul3A_116 = arith.muli %get3A_113, %mul3A_115 : vector<16xi32>
    %shift_left3A_117 = arith.constant 1 : i32
    %shift_left3A_118 = vector.broadcast %shift_left3A_117 : i32 to vector<16xi32>
    %shift_left3A_119 = arith.shli %shift_left3A_118, %mul3A_116 : vector<16xi32>
    %add3A_120 = arith.addi %add3A_111, %shift_left3A_119 : vector<16xi32>
    %get3A_121 = arith.constant 32352 : index
    %get3A_122 = tpu.vector_load %arg5[%get3A_121] {strides = array<i32>} : memref<32768xi32, #tpu.memory_space<vmem>>, vector<16xi32>,
    %mul3A_123 = arith.constant 3 : i32
    %mul3A_124 = vector.broadcast %mul3A_123 : i32 to vector<16xi32>
    %mul3A_125 = arith.muli %get3A_122, %mul3A_124 : vector<16xi32>
    %shift_left3A_126 = arith.constant 1 : i32
    %shift_left3A_127 = vector.broadcast %shift_left3A_126 : i32 to vector<16xi32>
    %shift_left3A_128 = arith.shli %shift_left3A_127, %mul3A_125 : vector<16xi32>
    %add3A_129 = arith.addi %add3A_120, %shift_left3A_128 : vector<16xi32>
    %get3A_130 = arith.constant 32368 : index
    %get3A_131 = tpu.vector_load %arg5[%get3A_130] {strides = array<i32>} : memref<32768xi32, #tpu.memory_space<vmem>>, vector<16xi32>,
    %mul3A_132 = arith.constant 3 : i32
    %mul3A_133 = vector.broadcast %mul3A_132 : i32 to vector<16xi32>
    %mul3A_134 = arith.muli %get3A_131, %mul3A_133 : vector<16xi32>
    %shift_left3A_135 = arith.constant 1 : i32
    %shift_left3A_136 = vector.broadcast %shift_left3A_135 : i32 to vector<16xi32>
    %shift_left3A_137 = arith.shli %shift_left3A_136, %mul3A_134 : vector<16xi32>
    %add3A_138 = arith.addi %broadcast_in_dim3A_64, %shift_left3A_137 : vector<16xi32>
    %get3A_139 = arith.constant 32384 : index
    %get3A_140 = tpu.vector_load %arg5[%get3A_139] {strides = array<i32>} : memref<32768xi32, #tpu.memory_space<vmem>>, vector<16xi32>,
    %mul3A_141 = arith.constant 3 : i32
    %mul3A_142 = vector.broadcast %mul3A_141 : i32 to vector<16xi32>
    %mul3A_143 = arith.muli %get3A_140, %mul3A_142 : vector<16xi32>
    %shift_left3A_144 = arith.constant 1 : i32
    %shift_left3A_145 = vector.broadcast %shift_left3A_144 : i32 to vector<16xi32>
    %shift_left3A_146 = arith.shli %shift_left3A_145, %mul3A_143 : vector<16xi32>
    %add3A_147 = arith.addi %add3A_138, %shift_left3A_146 : vector<16xi32>
    %get3A_148 = arith.constant 32400 : index
    %get3A_149 = tpu.vector_load %arg5[%get3A_148] {strides = array<i32>} : memref<32768xi32, #tpu.memory_space<vmem>>, vector<16xi32>,
    %mul3A_150 = arith.constant 3 : i32
    %mul3A_151 = vector.broadcast %mul3A_150 : i32 to vector<16xi32>
    %mul3A_152 = arith.muli %get3A_149, %mul3A_151 : vector<16xi32>
    %shift_left3A_153 = arith.constant 1 : i32
    %shift_left3A_154 = vector.broadcast %shift_left3A_153 : i32 to vector<16xi32>
    %shift_left3A_155 = arith.shli %shift_left3A_154, %mul3A_152 : vector<16xi32>
    %add3A_156 = arith.addi %add3A_147, %shift_left3A_155 : vector<16xi32>
    %get3A_157 = arith.constant 32416 : index
    %get3A_158 = tpu.vector_load %arg5[%get3A_157] {strides = array<i32>} : memref<32768xi32, #tpu.memory_space<vmem>>, vector<16xi32>,
    %mul3A_159 = arith.constant 3 : i32
    %mul3A_160 = vector.broadcast %mul3A_159 : i32 to vector<16xi32>
    %mul3A_161 = arith.muli %get3A_158, %mul3A_160 : vector<16xi32>
    %shift_left3A_162 = arith.constant 1 : i32
    %shift_left3A_163 = vector.broadcast %shift_left3A_162 : i32 to vector<16xi32>
    %shift_left3A_164 = arith.shli %shift_left3A_163, %mul3A_161 : vector<16xi32>
    %add3A_165 = arith.addi %add3A_156, %shift_left3A_164 : vector<16xi32>
    %get3A_166 = arith.constant 32432 : index
    %get3A_167 = tpu.vector_load %arg5[%get3A_166] {strides = array<i32>} : memref<32768xi32, #tpu.memory_space<vmem>>, vector<16xi32>,
    %mul3A_168 = arith.constant 3 : i32
    %mul3A_169 = vector.broadcast %mul3A_168 : i32 to vector<16xi32>
    %mul3A_170 = arith.muli %get3A_167, %mul3A_169 : vector<16xi32>
    %shift_left3A_171 = arith.constant 1 : i32
    %shift_left3A_172 = vector.broadcast %shift_left3A_171 : i32 to vector<16xi32>
    %shift_left3A_173 = arith.shli %shift_left3A_172, %mul3A_170 : vector<16xi32>
    %add3A_174 = arith.addi %add3A_165, %shift_left3A_173 : vector<16xi32>
    %get3A_175 = arith.constant 32448 : index
    %get3A_176 = tpu.vector_load %arg5[%get3A_175] {strides = array<i32>} : memref<32768xi32, #tpu.memory_space<vmem>>, vector<16xi32>,
    %mul3A_177 = arith.constant 3 : i32
    %mul3A_178 = vector.broadcast %mul3A_177 : i32 to vector<16xi32>
    %mul3A_179 = arith.muli %get3A_176, %mul3A_178 : vector<16xi32>
    %shift_left3A_180 = arith.constant 1 : i32
    %shift_left3A_181 = vector.broadcast %shift_left3A_180 : i32 to vector<16xi32>
    %shift_left3A_182 = arith.shli %shift_left3A_181, %mul3A_179 : vector<16xi32>
    %add3A_183 = arith.addi %add3A_174, %shift_left3A_182 : vector<16xi32>
    %get3A_184 = arith.constant 32464 : index
    %get3A_185 = tpu.vector_load %arg5[%get3A_184] {strides = array<i32>} : memref<32768xi32, #tpu.memory_space<vmem>>, vector<16xi32>,
    %mul3A_186 = arith.constant 3 : i32
    %mul3A_187 = vector.broadcast %mul3A_186 : i32 to vector<16xi32>
    %mul3A_188 = arith.muli %get3A_185, %mul3A_187 : vector<16xi32>
    %shift_left3A_189 = arith.constant 1 : i32
    %shift_left3A_190 = vector.broadcast %shift_left3A_189 : i32 to vector<16xi32>
    %shift_left3A_191 = arith.shli %shift_left3A_190, %mul3A_188 : vector<16xi32>
    %add3A_192 = arith.addi %add3A_183, %shift_left3A_191 : vector<16xi32>
    %get3A_193 = arith.constant 32480 : index
    %get3A_194 = tpu.vector_load %arg5[%get3A_193] {strides = array<i32>} : memref<32768xi32, #tpu.memory_space<vmem>>, vector<16xi32>,
    %mul3A_195 = arith.constant 3 : i32
    %mul3A_196 = vector.broadcast %mul3A_195 : i32 to vector<16xi32>
    %mul3A_197 = arith.muli %get3A_194, %mul3A_196 : vector<16xi32>
    %shift_left3A_198 = arith.constant 1 : i32
    %shift_left3A_199 = vector.broadcast %shift_left3A_198 : i32 to vector<16xi32>
    %shift_left3A_200 = arith.shli %shift_left3A_199, %mul3A_197 : vector<16xi32>
    %add3A_201 = arith.addi %broadcast_in_dim3A_66, %shift_left3A_200 : vector<16xi32>
    %get3A_202 = arith.constant 32496 : index
    %get3A_203 = tpu.vector_load %arg5[%get3A_202] {strides = array<i32>} : memref<32768xi32, #tpu.memory_space<vmem>>, vector<16xi32>,
    %mul3A_204 = arith.constant 3 : i32
    %mul3A_205 = vector.broadcast %mul3A_204 : i32 to vector<16xi32>
    %mul3A_206 = arith.muli %get3A_203, %mul3A_205 : vector<16xi32>
    %shift_left3A_207 = arith.constant 1 : i32
    %shift_left3A_208 = vector.broadcast %shift_left3A_207 : i32 to vector<16xi32>
    %shift_left3A_209 = arith.shli %shift_left3A_208, %mul3A_206 : vector<16xi32>
    %add3A_210 = arith.addi %add3A_201, %shift_left3A_209 : vector<16xi32>
    %get3A_211 = arith.constant 32512 : index
    %get3A_212 = tpu.vector_load %arg5[%get3A_211] {strides = array<i32>} : memref<32768xi32, #tpu.memory_space<vmem>>, vector<16xi32>,
    %mul3A_213 = arith.constant 3 : i32
    %mul3A_214 = vector.broadcast %mul3A_213 : i32 to vector<16xi32>
    %mul3A_215 = arith.muli %get3A_212, %mul3A_214 : vector<16xi32>
    %shift_left3A_216 = arith.constant 1 : i32
    %shift_left3A_217 = vector.broadcast %shift_left3A_216 : i32 to vector<16xi32>
    %shift_left3A_218 = arith.shli %shift_left3A_217, %mul3A_215 : vector<16xi32>
    %add3A_219 = arith.addi %add3A_210, %shift_left3A_218 : vector<16xi32>
    %get3A_220 = arith.constant 32528 : index
    %get3A_221 = tpu.vector_load %arg5[%get3A_220] {strides = array<i32>} : memref<32768xi32, #tpu.memory_space<vmem>>, vector<16xi32>,
    %mul3A_222 = arith.constant 3 : i32
    %mul3A_223 = vector.broadcast %mul3A_222 : i32 to vector<16xi32>
    %mul3A_224 = arith.muli %get3A_221, %mul3A_223 : vector<16xi32>
    %shift_left3A_225 = arith.constant 1 : i32
    %shift_left3A_226 = vector.broadcast %shift_left3A_225 : i32 to vector<16xi32>
    %shift_left3A_227 = arith.shli %shift_left3A_226, %mul3A_224 : vector<16xi32>
    %add3A_228 = arith.addi %add3A_219, %shift_left3A_227 : vector<16xi32>
    %get3A_229 = arith.constant 32544 : index
    %get3A_230 = tpu.vector_load %arg5[%get3A_229] {strides = array<i32>} : memref<32768xi32, #tpu.memory_space<vmem>>, vector<16xi32>,
    %mul3A_231 = arith.constant 3 : i32
    %mul3A_232 = vector.broadcast %mul3A_231 : i32 to vector<16xi32>
    %mul3A_233 = arith.muli %get3A_230, %mul3A_232 : vector<16xi32>
    %shift_left3A_234 = arith.constant 1 : i32
    %shift_left3A_235 = vector.broadcast %shift_left3A_234 : i32 to vector<16xi32>
    %shift_left3A_236 = arith.shli %shift_left3A_235, %mul3A_233 : vector<16xi32>
    %add3A_237 = arith.addi %add3A_228, %shift_left3A_236 : vector<16xi32>
    %get3A_238 = arith.constant 32560 : index
    %get3A_239 = tpu.vector_load %arg5[%get3A_238] {strides = array<i32>} : memref<32768xi32, #tpu.memory_space<vmem>>, vector<16xi32>,
    %mul3A_240 = arith.constant 3 : i32
    %mul3A_241 = vector.broadcast %mul3A_240 : i32 to vector<16xi32>
    %mul3A_242 = arith.muli %get3A_239, %mul3A_241 : vector<16xi32>
    %shift_left3A_243 = arith.constant 1 : i32
    %shift_left3A_244 = vector.broadcast %shift_left3A_243 : i32 to vector<16xi32>
    %shift_left3A_245 = arith.shli %shift_left3A_244, %mul3A_242 : vector<16xi32>
    %add3A_246 = arith.addi %add3A_237, %shift_left3A_245 : vector<16xi32>
    %get3A_247 = arith.constant 32576 : index
    %get3A_248 = tpu.vector_load %arg5[%get3A_247] {strides = array<i32>} : memref<32768xi32, #tpu.memory_space<vmem>>, vector<16xi32>,
    %mul3A_249 = arith.constant 3 : i32
    %mul3A_250 = vector.broadcast %mul3A_249 : i32 to vector<16xi32>
    %mul3A_251 = arith.muli %get3A_248, %mul3A_250 : vector<16xi32>
    %shift_left3A_252 = arith.constant 1 : i32
    %shift_left3A_253 = vector.broadcast %shift_left3A_252 : i32 to vector<16xi32>
    %shift_left3A_254 = arith.shli %shift_left3A_253, %mul3A_251 : vector<16xi32>
    %add3A_255 = arith.addi %add3A_246, %shift_left3A_254 : vector<16xi32>
    %get3A_256 = arith.constant 32592 : index
    %get3A_257 = tpu.vector_load %arg5[%get3A_256] {strides = array<i32>} : memref<32768xi32, #tpu.memory_space<vmem>>, vector<16xi32>,
    %mul3A_258 = arith.constant 3 : i32
    %mul3A_259 = vector.broadcast %mul3A_258 : i32 to vector<16xi32>
    %mul3A_260 = arith.muli %get3A_257, %mul3A_259 : vector<16xi32>
    %shift_left3A_261 = arith.constant 1 : i32
    %shift_left3A_262 = vector.broadcast %shift_left3A_261 : i32 to vector<16xi32>
    %shift_left3A_263 = arith.shli %shift_left3A_262, %mul3A_260 : vector<16xi32>
    %add3A_264 = arith.addi %broadcast_in_dim3A_68, %shift_left3A_263 : vector<16xi32>
    %get3A_265 = arith.constant 32608 : index
    %get3A_266 = tpu.vector_load %arg5[%get3A_265] {strides = array<i32>} : memref<32768xi32, #tpu.memory_space<vmem>>, vector<16xi32>,
    %mul3A_267 = arith.constant 3 : i32
    %mul3A_268 = vector.broadcast %mul3A_267 : i32 to vector<16xi32>
    %mul3A_269 = arith.muli %get3A_266, %mul3A_268 : vector<16xi32>
    %shift_left3A_270 = arith.constant 1 : i32
    %shift_left3A_271 = vector.broadcast %shift_left3A_270 : i32 to vector<16xi32>
    %shift_left3A_272 = arith.shli %shift_left3A_271, %mul3A_269 : vector<16xi32>
    %add3A_273 = arith.addi %add3A_264, %shift_left3A_272 : vector<16xi32>
    %get3A_274 = arith.constant 32624 : index
    %get3A_275 = tpu.vector_load %arg5[%get3A_274] {strides = array<i32>} : memref<32768xi32, #tpu.memory_space<vmem>>, vector<16xi32>,
    %mul3A_276 = arith.constant 3 : i32
    %mul3A_277 = vector.broadcast %mul3A_276 : i32 to vector<16xi32>
    %mul3A_278 = arith.muli %get3A_275, %mul3A_277 : vector<16xi32>
    %shift_left3A_279 = arith.constant 1 : i32
    %shift_left3A_280 = vector.broadcast %shift_left3A_279 : i32 to vector<16xi32>
    %shift_left3A_281 = arith.shli %shift_left3A_280, %mul3A_278 : vector<16xi32>
    %add3A_282 = arith.addi %add3A_273, %shift_left3A_281 : vector<16xi32>
    %get3A_283 = arith.constant 32640 : index
    %get3A_284 = tpu.vector_load %arg5[%get3A_283] {strides = array<i32>} : memref<32768xi32, #tpu.memory_space<vmem>>, vector<16xi32>,
    %mul3A_285 = arith.constant 3 : i32
    %mul3A_286 = vector.broadcast %mul3A_285 : i32 to vector<16xi32>
    %mul3A_287 = arith.muli %get3A_284, %mul3A_286 : vector<16xi32>
    %shift_left3A_288 = arith.constant 1 : i32
    %shift_left3A_289 = vector.broadcast %shift_left3A_288 : i32 to vector<16xi32>
    %shift_left3A_290 = arith.shli %shift_left3A_289, %mul3A_287 : vector<16xi32>
    %add3A_291 = arith.addi %add3A_282, %shift_left3A_290 : vector<16xi32>
    %get3A_292 = arith.constant 32656 : index
    %get3A_293 = tpu.vector_load %arg5[%get3A_292] {strides = array<i32>} : memref<32768xi32, #tpu.memory_space<vmem>>, vector<16xi32>,
    %mul3A_294 = arith.constant 3 : i32
    %mul3A_295 = vector.broadcast %mul3A_294 : i32 to vector<16xi32>
    %mul3A_296 = arith.muli %get3A_293, %mul3A_295 : vector<16xi32>
    %shift_left3A_297 = arith.constant 1 : i32
    %shift_left3A_298 = vector.broadcast %shift_left3A_297 : i32 to vector<16xi32>
    %shift_left3A_299 = arith.shli %shift_left3A_298, %mul3A_296 : vector<16xi32>
    %add3A_300 = arith.addi %add3A_291, %shift_left3A_299 : vector<16xi32>
    %get3A_301 = arith.constant 32672 : index
    %get3A_302 = tpu.vector_load %arg5[%get3A_301] {strides = array<i32>} : memref<32768xi32, #tpu.memory_space<vmem>>, vector<16xi32>,
    %mul3A_303 = arith.constant 3 : i32
    %mul3A_304 = vector.broadcast %mul3A_303 : i32 to vector<16xi32>
    %mul3A_305 = arith.muli %get3A_302, %mul3A_304 : vector<16xi32>
    %shift_left3A_306 = arith.constant 1 : i32
    %shift_left3A_307 = vector.broadcast %shift_left3A_306 : i32 to vector<16xi32>
    %shift_left3A_308 = arith.shli %shift_left3A_307, %mul3A_305 : vector<16xi32>
    %add3A_309 = arith.addi %add3A_300, %shift_left3A_308 : vector<16xi32>
    %get3A_310 = arith.constant 32688 : index
    %get3A_311 = tpu.vector_load %arg5[%get3A_310] {strides = array<i32>} : memref<32768xi32, #tpu.memory_space<vmem>>, vector<16xi32>,
    %mul3A_312 = arith.constant 3 : i32
    %mul3A_313 = vector.broadcast %mul3A_312 : i32 to vector<16xi32>
    %mul3A_314 = arith.muli %get3A_311, %mul3A_313 : vector<16xi32>
    %shift_left3A_315 = arith.constant 1 : i32
    %shift_left3A_316 = vector.broadcast %shift_left3A_315 : i32 to vector<16xi32>
    %shift_left3A_317 = arith.shli %shift_left3A_316, %mul3A_314 : vector<16xi32>
    %add3A_318 = arith.addi %add3A_309, %shift_left3A_317 : vector<16xi32>
    %and3A = arith.constant 119304647 : i32
    %and3A_319 = vector.broadcast %and3A : i32 to vector<16xi32>
    %and3A_320 = arith.andi %add3A_129, %and3A_319 : vector<16xi32>
    %add3A_321 = arith.addi %broadcast_in_dim3A_58, %and3A_320 : vector<16xi32>
    %shift_right_arithmetic3A = arith.constant 3 : i32
    %shift_right_arithmetic3A_322 = vector.broadcast %shift_right_arithmetic3A : i32 to vector<16xi32>
    %shift_right_arithmetic3A_323 = arith.shrsi %add3A_129, %shift_right_arithmetic3A_322 : vector<16xi32>
    %and3A_324 = arith.constant 119304647 : i32
    %and3A_325 = vector.broadcast %and3A_324 : i32 to vector<16xi32>
    %and3A_326 = arith.andi %shift_right_arithmetic3A_323, %and3A_325 : vector<16xi32>
    %add3A_327 = arith.addi %broadcast_in_dim3A_60, %and3A_326 : vector<16xi32>
    %and3A_328 = arith.constant 119304647 : i32
    %and3A_329 = vector.broadcast %and3A_328 : i32 to vector<16xi32>
    %and3A_330 = arith.andi %add3A_192, %and3A_329 : vector<16xi32>
    %add3A_331 = arith.addi %add3A_321, %and3A_330 : vector<16xi32>
    %shift_right_arithmetic3A_332 = arith.constant 3 : i32
    %shift_right_arithmetic3A_333 = vector.broadcast %shift_right_arithmetic3A_332 : i32 to vector<16xi32>
    %shift_right_arithmetic3A_334 = arith.shrsi %add3A_192, %shift_right_arithmetic3A_333 : vector<16xi32>
    %and3A_335 = arith.constant 119304647 : i32
    %and3A_336 = vector.broadcast %and3A_335 : i32 to vector<16xi32>
    %and3A_337 = arith.andi %shift_right_arithmetic3A_334, %and3A_336 : vector<16xi32>
    %add3A_338 = arith.addi %add3A_327, %and3A_337 : vector<16xi32>
    %and3A_339 = arith.constant 119304647 : i32
    %and3A_340 = vector.broadcast %and3A_339 : i32 to vector<16xi32>
    %and3A_341 = arith.andi %add3A_255, %and3A_340 : vector<16xi32>
    %add3A_342 = arith.addi %add3A_331, %and3A_341 : vector<16xi32>
    %shift_right_arithmetic3A_343 = arith.constant 3 : i32
    %shift_right_arithmetic3A_344 = vector.broadcast %shift_right_arithmetic3A_343 : i32 to vector<16xi32>
    %shift_right_arithmetic3A_345 = arith.shrsi %add3A_255, %shift_right_arithmetic3A_344 : vector<16xi32>
    %and3A_346 = arith.constant 119304647 : i32
    %and3A_347 = vector.broadcast %and3A_346 : i32 to vector<16xi32>
    %and3A_348 = arith.andi %shift_right_arithmetic3A_345, %and3A_347 : vector<16xi32>
    %add3A_349 = arith.addi %add3A_338, %and3A_348 : vector<16xi32>
    %and3A_350 = arith.constant 119304647 : i32
    %and3A_351 = vector.broadcast %and3A_350 : i32 to vector<16xi32>
    %and3A_352 = arith.andi %add3A_318, %and3A_351 : vector<16xi32>
    %add3A_353 = arith.addi %add3A_342, %and3A_352 : vector<16xi32>
    %shift_right_arithmetic3A_354 = arith.constant 3 : i32
    %shift_right_arithmetic3A_355 = vector.broadcast %shift_right_arithmetic3A_354 : i32 to vector<16xi32>
    %shift_right_arithmetic3A_356 = arith.shrsi %add3A_318, %shift_right_arithmetic3A_355 : vector<16xi32>
    %and3A_357 = arith.constant 119304647 : i32
    %and3A_358 = vector.broadcast %and3A_357 : i32 to vector<16xi32>
    %and3A_359 = arith.andi %shift_right_arithmetic3A_356, %and3A_358 : vector<16xi32>
    %add3A_360 = arith.addi %add3A_349, %and3A_359 : vector<16xi32>
    %broadcast_in_dim3A_361 = arith.constant 0 : i32
    %broadcast_in_dim3A_362 = vector.broadcast %broadcast_in_dim3A_361 : i32 to vector<16xi32>
    %broadcast_in_dim3A_363 = arith.constant 0 : i32
    %broadcast_in_dim3A_364 = vector.broadcast %broadcast_in_dim3A_363 : i32 to vector<16xi32>
    %broadcast_in_dim3A_365 = arith.constant 0 : i32
    %broadcast_in_dim3A_366 = vector.broadcast %broadcast_in_dim3A_365 : i32 to vector<16xi32>
    %broadcast_in_dim3A_367 = arith.constant 0 : i32
    %broadcast_in_dim3A_368 = vector.broadcast %broadcast_in_dim3A_367 : i32 to vector<16xi32>
    %get3A_369 = arith.constant 32704 : index
    %get3A_370 = tpu.vector_load %arg5[%get3A_369] {strides = array<i32>} : memref<32768xi32, #tpu.memory_space<vmem>>, vector<16xi32>,
    %mul3A_371 = arith.constant 3 : i32
    %mul3A_372 = vector.broadcast %mul3A_371 : i32 to vector<16xi32>
    %mul3A_373 = arith.muli %get3A_370, %mul3A_372 : vector<16xi32>
    %shift_left3A_374 = arith.constant 1 : i32
    %shift_left3A_375 = vector.broadcast %shift_left3A_374 : i32 to vector<16xi32>
    %shift_left3A_376 = arith.shli %shift_left3A_375, %mul3A_373 : vector<16xi32>
    %add3A_377 = arith.addi %broadcast_in_dim3A_362, %shift_left3A_376 : vector<16xi32>
    %get3A_378 = arith.constant 32720 : index
    %get3A_379 = tpu.vector_load %arg5[%get3A_378] {strides = array<i32>} : memref<32768xi32, #tpu.memory_space<vmem>>, vector<16xi32>,
    %mul3A_380 = arith.constant 3 : i32
    %mul3A_381 = vector.broadcast %mul3A_380 : i32 to vector<16xi32>
    %mul3A_382 = arith.muli %get3A_379, %mul3A_381 : vector<16xi32>
    %shift_left3A_383 = arith.constant 1 : i32
    %shift_left3A_384 = vector.broadcast %shift_left3A_383 : i32 to vector<16xi32>
    %shift_left3A_385 = arith.shli %shift_left3A_384, %mul3A_382 : vector<16xi32>
    %add3A_386 = arith.addi %broadcast_in_dim3A_364, %shift_left3A_385 : vector<16xi32>
    %get3A_387 = arith.constant 32736 : index
    %get3A_388 = tpu.vector_load %arg5[%get3A_387] {strides = array<i32>} : memref<32768xi32, #tpu.memory_space<vmem>>, vector<16xi32>,
    %mul3A_389 = arith.constant 3 : i32
    %mul3A_390 = vector.broadcast %mul3A_389 : i32 to vector<16xi32>
    %mul3A_391 = arith.muli %get3A_388, %mul3A_390 : vector<16xi32>
    %shift_left3A_392 = arith.constant 1 : i32
    %shift_left3A_393 = vector.broadcast %shift_left3A_392 : i32 to vector<16xi32>
    %shift_left3A_394 = arith.shli %shift_left3A_393, %mul3A_391 : vector<16xi32>
    %add3A_395 = arith.addi %broadcast_in_dim3A_366, %shift_left3A_394 : vector<16xi32>
    %get3A_396 = arith.constant 32752 : index
    %get3A_397 = tpu.vector_load %arg5[%get3A_396] {strides = array<i32>} : memref<32768xi32, #tpu.memory_space<vmem>>, vector<16xi32>,
    %mul3A_398 = arith.constant 3 : i32
    %mul3A_399 = vector.broadcast %mul3A_398 : i32 to vector<16xi32>
    %mul3A_400 = arith.muli %get3A_397, %mul3A_399 : vector<16xi32>
    %shift_left3A_401 = arith.constant 1 : i32
    %shift_left3A_402 = vector.broadcast %shift_left3A_401 : i32 to vector<16xi32>
    %shift_left3A_403 = arith.shli %shift_left3A_402, %mul3A_400 : vector<16xi32>
    %add3A_404 = arith.addi %broadcast_in_dim3A_368, %shift_left3A_403 : vector<16xi32>
    %and3A_405 = arith.constant 119304647 : i32
    %and3A_406 = vector.broadcast %and3A_405 : i32 to vector<16xi32>
    %and3A_407 = arith.andi %add3A_377, %and3A_406 : vector<16xi32>
    %add3A_408 = arith.addi %add3A_353, %and3A_407 : vector<16xi32>
    %shift_right_arithmetic3A_409 = arith.constant 3 : i32
    %shift_right_arithmetic3A_410 = vector.broadcast %shift_right_arithmetic3A_409 : i32 to vector<16xi32>
    %shift_right_arithmetic3A_411 = arith.shrsi %add3A_377, %shift_right_arithmetic3A_410 : vector<16xi32>
    %and3A_412 = arith.constant 119304647 : i32
    %and3A_413 = vector.broadcast %and3A_412 : i32 to vector<16xi32>
    %and3A_414 = arith.andi %shift_right_arithmetic3A_411, %and3A_413 : vector<16xi32>
    %add3A_415 = arith.addi %add3A_360, %and3A_414 : vector<16xi32>
    %and3A_416 = arith.constant 119304647 : i32
    %and3A_417 = vector.broadcast %and3A_416 : i32 to vector<16xi32>
    %and3A_418 = arith.andi %add3A_386, %and3A_417 : vector<16xi32>
    %add3A_419 = arith.addi %add3A_408, %and3A_418 : vector<16xi32>
    %shift_right_arithmetic3A_420 = arith.constant 3 : i32
    %shift_right_arithmetic3A_421 = vector.broadcast %shift_right_arithmetic3A_420 : i32 to vector<16xi32>
    %shift_right_arithmetic3A_422 = arith.shrsi %add3A_386, %shift_right_arithmetic3A_421 : vector<16xi32>
    %and3A_423 = arith.constant 119304647 : i32
    %and3A_424 = vector.broadcast %and3A_423 : i32 to vector<16xi32>
    %and3A_425 = arith.andi %shift_right_arithmetic3A_422, %and3A_424 : vector<16xi32>
    %add3A_426 = arith.addi %add3A_415, %and3A_425 : vector<16xi32>
    %and3A_427 = arith.constant 119304647 : i32
    %and3A_428 = vector.broadcast %and3A_427 : i32 to vector<16xi32>
    %and3A_429 = arith.andi %add3A_395, %and3A_428 : vector<16xi32>
    %add3A_430 = arith.addi %add3A_419, %and3A_429 : vector<16xi32>
    %shift_right_arithmetic3A_431 = arith.constant 3 : i32
    %shift_right_arithmetic3A_432 = vector.broadcast %shift_right_arithmetic3A_431 : i32 to vector<16xi32>
    %shift_right_arithmetic3A_433 = arith.shrsi %add3A_395, %shift_right_arithmetic3A_432 : vector<16xi32>
    %and3A_434 = arith.constant 119304647 : i32
    %and3A_435 = vector.broadcast %and3A_434 : i32 to vector<16xi32>
    %and3A_436 = arith.andi %shift_right_arithmetic3A_433, %and3A_435 : vector<16xi32>
    %add3A_437 = arith.addi %add3A_426, %and3A_436 : vector<16xi32>
    %and3A_438 = arith.constant 119304647 : i32
    %and3A_439 = vector.broadcast %and3A_438 : i32 to vector<16xi32>
    %and3A_440 = arith.andi %add3A_404, %and3A_439 : vector<16xi32>
    %add3A_441 = arith.addi %add3A_430, %and3A_440 : vector<16xi32>
    %shift_right_arithmetic3A_442 = arith.constant 3 : i32
    %shift_right_arithmetic3A_443 = vector.broadcast %shift_right_arithmetic3A_442 : i32 to vector<16xi32>
    %shift_right_arithmetic3A_444 = arith.shrsi %add3A_404, %shift_right_arithmetic3A_443 : vector<16xi32>
    %and3A_445 = arith.constant 119304647 : i32
    %and3A_446 = vector.broadcast %and3A_445 : i32 to vector<16xi32>
    %and3A_447 = arith.andi %shift_right_arithmetic3A_444, %and3A_446 : vector<16xi32>
    %add3A_448 = arith.addi %add3A_437, %and3A_447 : vector<16xi32>
    %shift_right_arithmetic3A_449 = arith.constant 0 : i32
    %shift_right_arithmetic3A_450 = vector.broadcast %shift_right_arithmetic3A_449 : i32 to vector<16xi32>
    %shift_right_arithmetic3A_451 = arith.shrsi %add3A_441, %shift_right_arithmetic3A_450 : vector<16xi32>
    %and3A_452 = arith.constant 63 : i32
    %and3A_453 = vector.broadcast %and3A_452 : i32 to vector<16xi32>
    %and3A_454 = arith.andi %shift_right_arithmetic3A_451, %and3A_453 : vector<16xi32>
    %add3A_455 = arith.addi %scan3A_55#0, %and3A_454 : vector<16xi32>
    %shift_right_arithmetic3A_456 = arith.constant 0 : i32
    %shift_right_arithmetic3A_457 = vector.broadcast %shift_right_arithmetic3A_456 : i32 to vector<16xi32>
    %shift_right_arithmetic3A_458 = arith.shrsi %add3A_448, %shift_right_arithmetic3A_457 : vector<16xi32>
    %and3A_459 = arith.constant 63 : i32
    %and3A_460 = vector.broadcast %and3A_459 : i32 to vector<16xi32>
    %and3A_461 = arith.andi %shift_right_arithmetic3A_458, %and3A_460 : vector<16xi32>
    %add3A_462 = arith.addi %scan3A_55#1, %and3A_461 : vector<16xi32>
    %shift_right_arithmetic3A_463 = arith.constant 6 : i32
    %shift_right_arithmetic3A_464 = vector.broadcast %shift_right_arithmetic3A_463 : i32 to vector<16xi32>
    %shift_right_arithmetic3A_465 = arith.shrsi %add3A_441, %shift_right_arithmetic3A_464 : vector<16xi32>
    %and3A_466 = arith.constant 63 : i32
    %and3A_467 = vector.broadcast %and3A_466 : i32 to vector<16xi32>
    %and3A_468 = arith.andi %shift_right_arithmetic3A_465, %and3A_467 : vector<16xi32>
    %add3A_469 = arith.addi %scan3A_55#2, %and3A_468 : vector<16xi32>
    %shift_right_arithmetic3A_470 = arith.constant 6 : i32
    %shift_right_arithmetic3A_471 = vector.broadcast %shift_right_arithmetic3A_470 : i32 to vector<16xi32>
    %shift_right_arithmetic3A_472 = arith.shrsi %add3A_448, %shift_right_arithmetic3A_471 : vector<16xi32>
    %and3A_473 = arith.constant 63 : i32
    %and3A_474 = vector.broadcast %and3A_473 : i32 to vector<16xi32>
    %and3A_475 = arith.andi %shift_right_arithmetic3A_472, %and3A_474 : vector<16xi32>
    %add3A_476 = arith.addi %scan3A_55#3, %and3A_475 : vector<16xi32>
    %shift_right_arithmetic3A_477 = arith.constant 12 : i32
    %shift_right_arithmetic3A_478 = vector.broadcast %shift_right_arithmetic3A_477 : i32 to vector<16xi32>
    %shift_right_arithmetic3A_479 = arith.shrsi %add3A_441, %shift_right_arithmetic3A_478 : vector<16xi32>
    %and3A_480 = arith.constant 63 : i32
    %and3A_481 = vector.broadcast %and3A_480 : i32 to vector<16xi32>
    %and3A_482 = arith.andi %shift_right_arithmetic3A_479, %and3A_481 : vector<16xi32>
    %add3A_483 = arith.addi %scan3A_55#4, %and3A_482 : vector<16xi32>
    %shift_right_arithmetic3A_484 = arith.constant 12 : i32
    %shift_right_arithmetic3A_485 = vector.broadcast %shift_right_arithmetic3A_484 : i32 to vector<16xi32>
    %shift_right_arithmetic3A_486 = arith.shrsi %add3A_448, %shift_right_arithmetic3A_485 : vector<16xi32>
    %and3A_487 = arith.constant 63 : i32
    %and3A_488 = vector.broadcast %and3A_487 : i32 to vector<16xi32>
    %and3A_489 = arith.andi %shift_right_arithmetic3A_486, %and3A_488 : vector<16xi32>
    %add3A_490 = arith.addi %scan3A_55#5, %and3A_489 : vector<16xi32>
    %shift_right_arithmetic3A_491 = arith.constant 18 : i32
    %shift_right_arithmetic3A_492 = vector.broadcast %shift_right_arithmetic3A_491 : i32 to vector<16xi32>
    %shift_right_arithmetic3A_493 = arith.shrsi %add3A_441, %shift_right_arithmetic3A_492 : vector<16xi32>
    %and3A_494 = arith.constant 63 : i32
    %and3A_495 = vector.broadcast %and3A_494 : i32 to vector<16xi32>
    %and3A_496 = arith.andi %shift_right_arithmetic3A_493, %and3A_495 : vector<16xi32>
    %add3A_497 = arith.addi %scan3A_55#6, %and3A_496 : vector<16xi32>
    %shift_right_arithmetic3A_498 = arith.constant 18 : i32
    %shift_right_arithmetic3A_499 = vector.broadcast %shift_right_arithmetic3A_498 : i32 to vector<16xi32>
    %shift_right_arithmetic3A_500 = arith.shrsi %add3A_448, %shift_right_arithmetic3A_499 : vector<16xi32>
    %and3A_501 = arith.constant 63 : i32
    %and3A_502 = vector.broadcast %and3A_501 : i32 to vector<16xi32>
    %and3A_503 = arith.andi %shift_right_arithmetic3A_500, %and3A_502 : vector<16xi32>
    %add3A_504 = arith.addi %scan3A_55#7, %and3A_503 : vector<16xi32>
    %shift_right_arithmetic3A_505 = arith.constant 24 : i32
    %shift_right_arithmetic3A_506 = vector.broadcast %shift_right_arithmetic3A_505 : i32 to vector<16xi32>
    %shift_right_arithmetic3A_507 = arith.shrsi %add3A_441, %shift_right_arithmetic3A_506 : vector<16xi32>
    %and3A_508 = arith.constant 63 : i32
    %and3A_509 = vector.broadcast %and3A_508 : i32 to vector<16xi32>
    %and3A_510 = arith.andi %shift_right_arithmetic3A_507, %and3A_509 : vector<16xi32>
    %add3A_511 = arith.addi %scan3A_55#8, %and3A_510 : vector<16xi32>
    %shift_right_arithmetic3A_512 = arith.constant 24 : i32
    %shift_right_arithmetic3A_513 = vector.broadcast %shift_right_arithmetic3A_512 : i32 to vector<16xi32>
    %shift_right_arithmetic3A_514 = arith.shrsi %add3A_448, %shift_right_arithmetic3A_513 : vector<16xi32>
    %and3A_515 = arith.constant 63 : i32
    %and3A_516 = vector.broadcast %and3A_515 : i32 to vector<16xi32>
    %and3A_517 = arith.andi %shift_right_arithmetic3A_514, %and3A_516 : vector<16xi32>
    %add3A_518 = arith.addi %scan3A_55#9, %and3A_517 : vector<16xi32>
    %swap3A = arith.constant 0 : index
    %swap3A_519 = tpu.vector_load %arg8[%swap3A] {strides = array<i32>} : memref<256xi32, #tpu.memory_space<vmem>>, vector<16xi32>,
    tpu.vector_store %arg8[%swap3A], %add3A_455 {strides = array<i32>} : memref<256xi32, #tpu.memory_space<vmem>>, vector<16xi32>,
    %swap3A_520 = arith.constant 16 : index
    %swap3A_521 = tpu.vector_load %arg8[%swap3A_520] {strides = array<i32>} : memref<256xi32, #tpu.memory_space<vmem>>, vector<16xi32>,
    tpu.vector_store %arg8[%swap3A_520], %add3A_462 {strides = array<i32>} : memref<256xi32, #tpu.memory_space<vmem>>, vector<16xi32>,
    %swap3A_522 = arith.constant 32 : index
    %swap3A_523 = tpu.vector_load %arg8[%swap3A_522] {strides = array<i32>} : memref<256xi32, #tpu.memory_space<vmem>>, vector<16xi32>,
    tpu.vector_store %arg8[%swap3A_522], %add3A_469 {strides = array<i32>} : memref<256xi32, #tpu.memory_space<vmem>>, vector<16xi32>,
    %swap3A_524 = arith.constant 48 : index
    %swap3A_525 = tpu.vector_load %arg8[%swap3A_524] {strides = array<i32>} : memref<256xi32, #tpu.memory_space<vmem>>, vector<16xi32>,
    tpu.vector_store %arg8[%swap3A_524], %add3A_476 {strides = array<i32>} : memref<256xi32, #tpu.memory_space<vmem>>, vector<16xi32>,
    %swap3A_526 = arith.constant 64 : index
    %swap3A_527 = tpu.vector_load %arg8[%swap3A_526] {strides = array<i32>} : memref<256xi32, #tpu.memory_space<vmem>>, vector<16xi32>,
    tpu.vector_store %arg8[%swap3A_526], %add3A_483 {strides = array<i32>} : memref<256xi32, #tpu.memory_space<vmem>>, vector<16xi32>,
    %swap3A_528 = arith.constant 80 : index
    %swap3A_529 = tpu.vector_load %arg8[%swap3A_528] {strides = array<i32>} : memref<256xi32, #tpu.memory_space<vmem>>, vector<16xi32>,
    tpu.vector_store %arg8[%swap3A_528], %add3A_490 {strides = array<i32>} : memref<256xi32, #tpu.memory_space<vmem>>, vector<16xi32>,
    %swap3A_530 = arith.constant 96 : index
    %swap3A_531 = tpu.vector_load %arg8[%swap3A_530] {strides = array<i32>} : memref<256xi32, #tpu.memory_space<vmem>>, vector<16xi32>,
    tpu.vector_store %arg8[%swap3A_530], %add3A_497 {strides = array<i32>} : memref<256xi32, #tpu.memory_space<vmem>>, vector<16xi32>,
    %swap3A_532 = arith.constant 112 : index
    %swap3A_533 = tpu.vector_load %arg8[%swap3A_532] {strides = array<i32>} : memref<256xi32, #tpu.memory_space<vmem>>, vector<16xi32>,
    tpu.vector_store %arg8[%swap3A_532], %add3A_504 {strides = array<i32>} : memref<256xi32, #tpu.memory_space<vmem>>, vector<16xi32>,
    %swap3A_534 = arith.constant 128 : index
    %swap3A_535 = tpu.vector_load %arg8[%swap3A_534] {strides = array<i32>} : memref<256xi32, #tpu.memory_space<vmem>>, vector<16xi32>,
    tpu.vector_store %arg8[%swap3A_534], %add3A_511 {strides = array<i32>} : memref<256xi32, #tpu.memory_space<vmem>>, vector<16xi32>,
    %swap3A_536 = arith.constant 144 : index
    %swap3A_537 = tpu.vector_load %arg8[%swap3A_536] {strides = array<i32>} : memref<256xi32, #tpu.memory_space<vmem>>, vector<16xi32>,
    tpu.vector_store %arg8[%swap3A_536], %add3A_518 {strides = array<i32>} : memref<256xi32, #tpu.memory_space<vmem>>, vector<16xi32>,
    %broadcast_in_dim3A_538 = arith.constant 0 : i32
    %broadcast_in_dim3A_539 = vector.broadcast %broadcast_in_dim3A_538 : i32 to vector<16xi32>
    %swap3A_540 = arith.constant 160 : index
    %swap3A_541 = tpu.vector_load %arg8[%swap3A_540] {strides = array<i32>} : memref<256xi32, #tpu.memory_space<vmem>>, vector<16xi32>,
    tpu.vector_store %arg8[%swap3A_540], %broadcast_in_dim3A_539 {strides = array<i32>} : memref<256xi32, #tpu.memory_space<vmem>>, vector<16xi32>,
    %swap3A_542 = arith.constant 176 : index
    %swap3A_543 = tpu.vector_load %arg8[%swap3A_542] {strides = array<i32>} : memref<256xi32, #tpu.memory_space<vmem>>, vector<16xi32>,
    tpu.vector_store %arg8[%swap3A_542], %broadcast_in_dim3A_539 {strides = array<i32>} : memref<256xi32, #tpu.memory_space<vmem>>, vector<16xi32>,
    %swap3A_544 = arith.constant 192 : index
    %swap3A_545 = tpu.vector_load %arg8[%swap3A_544] {strides = array<i32>} : memref<256xi32, #tpu.memory_space<vmem>>, vector<16xi32>,
    tpu.vector_store %arg8[%swap3A_544], %broadcast_in_dim3A_539 {strides = array<i32>} : memref<256xi32, #tpu.memory_space<vmem>>, vector<16xi32>,
    %swap3A_546 = arith.constant 208 : index
    %swap3A_547 = tpu.vector_load %arg8[%swap3A_546] {strides = array<i32>} : memref<256xi32, #tpu.memory_space<vmem>>, vector<16xi32>,
    tpu.vector_store %arg8[%swap3A_546], %broadcast_in_dim3A_539 {strides = array<i32>} : memref<256xi32, #tpu.memory_space<vmem>>, vector<16xi32>,
    %swap3A_548 = arith.constant 224 : index
    %swap3A_549 = tpu.vector_load %arg8[%swap3A_548] {strides = array<i32>} : memref<256xi32, #tpu.memory_space<vmem>>, vector<16xi32>,
    tpu.vector_store %arg8[%swap3A_548], %broadcast_in_dim3A_539 {strides = array<i32>} : memref<256xi32, #tpu.memory_space<vmem>>, vector<16xi32>,
    %swap3A_550 = arith.constant 240 : index
    %swap3A_551 = tpu.vector_load %arg8[%swap3A_550] {strides = array<i32>} : memref<256xi32, #tpu.memory_space<vmem>>, vector<16xi32>,
    tpu.vector_store %arg8[%swap3A_550], %broadcast_in_dim3A_539 {strides = array<i32>} : memref<256xi32, #tpu.memory_space<vmem>>, vector<16xi32>,
    %iota3A = tpu.iota {dimensions = array<i32: 0>} : vector<16xi32>
    %broadcast_in_dim3A_552 = arith.constant 0 : i32
    %broadcast_in_dim3A_553 = vector.broadcast %broadcast_in_dim3A_552 : i32 to vector<16xi32>
    %mul3A_554 = arith.constant 16 : i32
    %mul3A_555 = vector.broadcast %mul3A_554 : i32 to vector<16xi32>
    %mul3A_556 = arith.muli %iota3A, %mul3A_555 : vector<16xi32>
    %add3A_557 = arith.constant 0 : i32
    %add3A_558 = vector.broadcast %add3A_557 : i32 to vector<16xi32>
    %add3A_559 = arith.addi %mul3A_556, %add3A_558 : vector<16xi32>
    %gather3A = tpu.vector_load_idx %arg8[%add3A_559] : memref<256xi32, #tpu.memory_space<vmem>>[vector<16xi32>], vector<16xi32>,
    %add3A_560 = arith.addi %broadcast_in_dim3A_553, %gather3A : vector<16xi32>
    %mul3A_561 = arith.constant 16 : i32
    %mul3A_562 = vector.broadcast %mul3A_561 : i32 to vector<16xi32>
    %mul3A_563 = arith.muli %iota3A, %mul3A_562 : vector<16xi32>
    %add3A_564 = arith.constant 1 : i32
    %add3A_565 = vector.broadcast %add3A_564 : i32 to vector<16xi32>
    %add3A_566 = arith.addi %mul3A_563, %add3A_565 : vector<16xi32>
    %gather3A_567 = tpu.vector_load_idx %arg8[%add3A_566] : memref<256xi32, #tpu.memory_space<vmem>>[vector<16xi32>], vector<16xi32>,
    %add3A_568 = arith.addi %add3A_560, %gather3A_567 : vector<16xi32>
    %mul3A_569 = arith.constant 16 : i32
    %mul3A_570 = vector.broadcast %mul3A_569 : i32 to vector<16xi32>
    %mul3A_571 = arith.muli %iota3A, %mul3A_570 : vector<16xi32>
    %add3A_572 = arith.constant 2 : i32
    %add3A_573 = vector.broadcast %add3A_572 : i32 to vector<16xi32>
    %add3A_574 = arith.addi %mul3A_571, %add3A_573 : vector<16xi32>
    %gather3A_575 = tpu.vector_load_idx %arg8[%add3A_574] : memref<256xi32, #tpu.memory_space<vmem>>[vector<16xi32>], vector<16xi32>,
    %add3A_576 = arith.addi %add3A_568, %gather3A_575 : vector<16xi32>
    %mul3A_577 = arith.constant 16 : i32
    %mul3A_578 = vector.broadcast %mul3A_577 : i32 to vector<16xi32>
    %mul3A_579 = arith.muli %iota3A, %mul3A_578 : vector<16xi32>
    %add3A_580 = arith.constant 3 : i32
    %add3A_581 = vector.broadcast %add3A_580 : i32 to vector<16xi32>
    %add3A_582 = arith.addi %mul3A_579, %add3A_581 : vector<16xi32>
    %gather3A_583 = tpu.vector_load_idx %arg8[%add3A_582] : memref<256xi32, #tpu.memory_space<vmem>>[vector<16xi32>], vector<16xi32>,
    %add3A_584 = arith.addi %add3A_576, %gather3A_583 : vector<16xi32>
    %mul3A_585 = arith.constant 16 : i32
    %mul3A_586 = vector.broadcast %mul3A_585 : i32 to vector<16xi32>
    %mul3A_587 = arith.muli %iota3A, %mul3A_586 : vector<16xi32>
    %add3A_588 = arith.constant 4 : i32
    %add3A_589 = vector.broadcast %add3A_588 : i32 to vector<16xi32>
    %add3A_590 = arith.addi %mul3A_587, %add3A_589 : vector<16xi32>
    %gather3A_591 = tpu.vector_load_idx %arg8[%add3A_590] : memref<256xi32, #tpu.memory_space<vmem>>[vector<16xi32>], vector<16xi32>,
    %add3A_592 = arith.addi %add3A_584, %gather3A_591 : vector<16xi32>
    %mul3A_593 = arith.constant 16 : i32
    %mul3A_594 = vector.broadcast %mul3A_593 : i32 to vector<16xi32>
    %mul3A_595 = arith.muli %iota3A, %mul3A_594 : vector<16xi32>
    %add3A_596 = arith.constant 5 : i32
    %add3A_597 = vector.broadcast %add3A_596 : i32 to vector<16xi32>
    %add3A_598 = arith.addi %mul3A_595, %add3A_597 : vector<16xi32>
    %gather3A_599 = tpu.vector_load_idx %arg8[%add3A_598] : memref<256xi32, #tpu.memory_space<vmem>>[vector<16xi32>], vector<16xi32>,
    %add3A_600 = arith.addi %add3A_592, %gather3A_599 : vector<16xi32>
    %mul3A_601 = arith.constant 16 : i32
    %mul3A_602 = vector.broadcast %mul3A_601 : i32 to vector<16xi32>
    %mul3A_603 = arith.muli %iota3A, %mul3A_602 : vector<16xi32>
    %add3A_604 = arith.constant 6 : i32
    %add3A_605 = vector.broadcast %add3A_604 : i32 to vector<16xi32>
    %add3A_606 = arith.addi %mul3A_603, %add3A_605 : vector<16xi32>
    %gather3A_607 = tpu.vector_load_idx %arg8[%add3A_606] : memref<256xi32, #tpu.memory_space<vmem>>[vector<16xi32>], vector<16xi32>,
    %add3A_608 = arith.addi %add3A_600, %gather3A_607 : vector<16xi32>
    %mul3A_609 = arith.constant 16 : i32
    %mul3A_610 = vector.broadcast %mul3A_609 : i32 to vector<16xi32>
    %mul3A_611 = arith.muli %iota3A, %mul3A_610 : vector<16xi32>
    %add3A_612 = arith.constant 7 : i32
    %add3A_613 = vector.broadcast %add3A_612 : i32 to vector<16xi32>
    %add3A_614 = arith.addi %mul3A_611, %add3A_613 : vector<16xi32>
    %gather3A_615 = tpu.vector_load_idx %arg8[%add3A_614] : memref<256xi32, #tpu.memory_space<vmem>>[vector<16xi32>], vector<16xi32>,
    %add3A_616 = arith.addi %add3A_608, %gather3A_615 : vector<16xi32>
    %mul3A_617 = arith.constant 16 : i32
    %mul3A_618 = vector.broadcast %mul3A_617 : i32 to vector<16xi32>
    %mul3A_619 = arith.muli %iota3A, %mul3A_618 : vector<16xi32>
    %add3A_620 = arith.constant 8 : i32
    %add3A_621 = vector.broadcast %add3A_620 : i32 to vector<16xi32>
    %add3A_622 = arith.addi %mul3A_619, %add3A_621 : vector<16xi32>
    %gather3A_623 = tpu.vector_load_idx %arg8[%add3A_622] : memref<256xi32, #tpu.memory_space<vmem>>[vector<16xi32>], vector<16xi32>,
    %add3A_624 = arith.addi %add3A_616, %gather3A_623 : vector<16xi32>
    %mul3A_625 = arith.constant 16 : i32
    %mul3A_626 = vector.broadcast %mul3A_625 : i32 to vector<16xi32>
    %mul3A_627 = arith.muli %iota3A, %mul3A_626 : vector<16xi32>
    %add3A_628 = arith.constant 9 : i32
    %add3A_629 = vector.broadcast %add3A_628 : i32 to vector<16xi32>
    %add3A_630 = arith.addi %mul3A_627, %add3A_629 : vector<16xi32>
    %gather3A_631 = tpu.vector_load_idx %arg8[%add3A_630] : memref<256xi32, #tpu.memory_space<vmem>>[vector<16xi32>], vector<16xi32>,
    %add3A_632 = arith.addi %add3A_624, %gather3A_631 : vector<16xi32>
    %mul3A_633 = arith.constant 16 : i32
    %mul3A_634 = vector.broadcast %mul3A_633 : i32 to vector<16xi32>
    %mul3A_635 = arith.muli %iota3A, %mul3A_634 : vector<16xi32>
    %add3A_636 = arith.constant 10 : i32
    %add3A_637 = vector.broadcast %add3A_636 : i32 to vector<16xi32>
    %add3A_638 = arith.addi %mul3A_635, %add3A_637 : vector<16xi32>
    %gather3A_639 = tpu.vector_load_idx %arg8[%add3A_638] : memref<256xi32, #tpu.memory_space<vmem>>[vector<16xi32>], vector<16xi32>,
    %add3A_640 = arith.addi %add3A_632, %gather3A_639 : vector<16xi32>
    %mul3A_641 = arith.constant 16 : i32
    %mul3A_642 = vector.broadcast %mul3A_641 : i32 to vector<16xi32>
    %mul3A_643 = arith.muli %iota3A, %mul3A_642 : vector<16xi32>
    %add3A_644 = arith.constant 11 : i32
    %add3A_645 = vector.broadcast %add3A_644 : i32 to vector<16xi32>
    %add3A_646 = arith.addi %mul3A_643, %add3A_645 : vector<16xi32>
    %gather3A_647 = tpu.vector_load_idx %arg8[%add3A_646] : memref<256xi32, #tpu.memory_space<vmem>>[vector<16xi32>], vector<16xi32>,
    %add3A_648 = arith.addi %add3A_640, %gather3A_647 : vector<16xi32>
    %mul3A_649 = arith.constant 16 : i32
    %mul3A_650 = vector.broadcast %mul3A_649 : i32 to vector<16xi32>
    %mul3A_651 = arith.muli %iota3A, %mul3A_650 : vector<16xi32>
    %add3A_652 = arith.constant 12 : i32
    %add3A_653 = vector.broadcast %add3A_652 : i32 to vector<16xi32>
    %add3A_654 = arith.addi %mul3A_651, %add3A_653 : vector<16xi32>
    %gather3A_655 = tpu.vector_load_idx %arg8[%add3A_654] : memref<256xi32, #tpu.memory_space<vmem>>[vector<16xi32>], vector<16xi32>,
    %add3A_656 = arith.addi %add3A_648, %gather3A_655 : vector<16xi32>
    %mul3A_657 = arith.constant 16 : i32
    %mul3A_658 = vector.broadcast %mul3A_657 : i32 to vector<16xi32>
    %mul3A_659 = arith.muli %iota3A, %mul3A_658 : vector<16xi32>
    %add3A_660 = arith.constant 13 : i32
    %add3A_661 = vector.broadcast %add3A_660 : i32 to vector<16xi32>
    %add3A_662 = arith.addi %mul3A_659, %add3A_661 : vector<16xi32>
    %gather3A_663 = tpu.vector_load_idx %arg8[%add3A_662] : memref<256xi32, #tpu.memory_space<vmem>>[vector<16xi32>], vector<16xi32>,
    %add3A_664 = arith.addi %add3A_656, %gather3A_663 : vector<16xi32>
    %mul3A_665 = arith.constant 16 : i32
    %mul3A_666 = vector.broadcast %mul3A_665 : i32 to vector<16xi32>
    %mul3A_667 = arith.muli %iota3A, %mul3A_666 : vector<16xi32>
    %add3A_668 = arith.constant 14 : i32
    %add3A_669 = vector.broadcast %add3A_668 : i32 to vector<16xi32>
    %add3A_670 = arith.addi %mul3A_667, %add3A_669 : vector<16xi32>
    %gather3A_671 = tpu.vector_load_idx %arg8[%add3A_670] : memref<256xi32, #tpu.memory_space<vmem>>[vector<16xi32>], vector<16xi32>,
    %add3A_672 = arith.addi %add3A_664, %gather3A_671 : vector<16xi32>
    %mul3A_673 = arith.constant 16 : i32
    %mul3A_674 = vector.broadcast %mul3A_673 : i32 to vector<16xi32>
    %mul3A_675 = arith.muli %iota3A, %mul3A_674 : vector<16xi32>
    %add3A_676 = arith.constant 15 : i32
    %add3A_677 = vector.broadcast %add3A_676 : i32 to vector<16xi32>
    %add3A_678 = arith.addi %mul3A_675, %add3A_677 : vector<16xi32>
    %gather3A_679 = tpu.vector_load_idx %arg8[%add3A_678] : memref<256xi32, #tpu.memory_space<vmem>>[vector<16xi32>], vector<16xi32>,
    %add3A_680 = arith.addi %add3A_672, %gather3A_679 : vector<16xi32>
    %mul3A_681 = arith.constant 16 : i32
    %mul3A_682 = vector.broadcast %mul3A_681 : i32 to vector<16xi32>
    %mul3A_683 = arith.muli %iota3A, %mul3A_682 : vector<16xi32>
    %add3A_684 = arith.constant 0 : i32
    %add3A_685 = vector.broadcast %add3A_684 : i32 to vector<16xi32>
    %add3A_686 = arith.addi %mul3A_683, %add3A_685 : vector<16xi32>
    tpu.vector_store_idx %arg9[%add3A_686], %add3A_680 : memref<256xi32, #tpu.memory_space<vmem>>[vector<16xi32>], vector<16xi32>,
    %mul3A_687 = arith.constant 16 : i32
    %mul3A_688 = vector.broadcast %mul3A_687 : i32 to vector<16xi32>
    %mul3A_689 = arith.muli %iota3A, %mul3A_688 : vector<16xi32>
    %add3A_690 = arith.constant 1 : i32
    %add3A_691 = vector.broadcast %add3A_690 : i32 to vector<16xi32>
    %add3A_692 = arith.addi %mul3A_689, %add3A_691 : vector<16xi32>
    tpu.vector_store_idx %arg9[%add3A_692], %add3A_680 : memref<256xi32, #tpu.memory_space<vmem>>[vector<16xi32>], vector<16xi32>,
    %mul3A_693 = arith.constant 16 : i32
    %mul3A_694 = vector.broadcast %mul3A_693 : i32 to vector<16xi32>
    %mul3A_695 = arith.muli %iota3A, %mul3A_694 : vector<16xi32>
    %add3A_696 = arith.constant 2 : i32
    %add3A_697 = vector.broadcast %add3A_696 : i32 to vector<16xi32>
    %add3A_698 = arith.addi %mul3A_695, %add3A_697 : vector<16xi32>
    tpu.vector_store_idx %arg9[%add3A_698], %add3A_680 : memref<256xi32, #tpu.memory_space<vmem>>[vector<16xi32>], vector<16xi32>,
    %mul3A_699 = arith.constant 16 : i32
    %mul3A_700 = vector.broadcast %mul3A_699 : i32 to vector<16xi32>
    %mul3A_701 = arith.muli %iota3A, %mul3A_700 : vector<16xi32>
    %add3A_702 = arith.constant 3 : i32
    %add3A_703 = vector.broadcast %add3A_702 : i32 to vector<16xi32>
    %add3A_704 = arith.addi %mul3A_701, %add3A_703 : vector<16xi32>
    tpu.vector_store_idx %arg9[%add3A_704], %add3A_680 : memref<256xi32, #tpu.memory_space<vmem>>[vector<16xi32>], vector<16xi32>,
    %mul3A_705 = arith.constant 16 : i32
    %mul3A_706 = vector.broadcast %mul3A_705 : i32 to vector<16xi32>
    %mul3A_707 = arith.muli %iota3A, %mul3A_706 : vector<16xi32>
    %add3A_708 = arith.constant 4 : i32
    %add3A_709 = vector.broadcast %add3A_708 : i32 to vector<16xi32>
    %add3A_710 = arith.addi %mul3A_707, %add3A_709 : vector<16xi32>
    tpu.vector_store_idx %arg9[%add3A_710], %add3A_680 : memref<256xi32, #tpu.memory_space<vmem>>[vector<16xi32>], vector<16xi32>,
    %mul3A_711 = arith.constant 16 : i32
    %mul3A_712 = vector.broadcast %mul3A_711 : i32 to vector<16xi32>
    %mul3A_713 = arith.muli %iota3A, %mul3A_712 : vector<16xi32>
    %add3A_714 = arith.constant 5 : i32
    %add3A_715 = vector.broadcast %add3A_714 : i32 to vector<16xi32>
    %add3A_716 = arith.addi %mul3A_713, %add3A_715 : vector<16xi32>
    tpu.vector_store_idx %arg9[%add3A_716], %add3A_680 : memref<256xi32, #tpu.memory_space<vmem>>[vector<16xi32>], vector<16xi32>,
    %mul3A_717 = arith.constant 16 : i32
    %mul3A_718 = vector.broadcast %mul3A_717 : i32 to vector<16xi32>
    %mul3A_719 = arith.muli %iota3A, %mul3A_718 : vector<16xi32>
    %add3A_720 = arith.constant 6 : i32
    %add3A_721 = vector.broadcast %add3A_720 : i32 to vector<16xi32>
    %add3A_722 = arith.addi %mul3A_719, %add3A_721 : vector<16xi32>
    tpu.vector_store_idx %arg9[%add3A_722], %add3A_680 : memref<256xi32, #tpu.memory_space<vmem>>[vector<16xi32>], vector<16xi32>,
    %mul3A_723 = arith.constant 16 : i32
    %mul3A_724 = vector.broadcast %mul3A_723 : i32 to vector<16xi32>
    %mul3A_725 = arith.muli %iota3A, %mul3A_724 : vector<16xi32>
    %add3A_726 = arith.constant 7 : i32
    %add3A_727 = vector.broadcast %add3A_726 : i32 to vector<16xi32>
    %add3A_728 = arith.addi %mul3A_725, %add3A_727 : vector<16xi32>
    tpu.vector_store_idx %arg9[%add3A_728], %add3A_680 : memref<256xi32, #tpu.memory_space<vmem>>[vector<16xi32>], vector<16xi32>,
    %mul3A_729 = arith.constant 16 : i32
    %mul3A_730 = vector.broadcast %mul3A_729 : i32 to vector<16xi32>
    %mul3A_731 = arith.muli %iota3A, %mul3A_730 : vector<16xi32>
    %add3A_732 = arith.constant 8 : i32
    %add3A_733 = vector.broadcast %add3A_732 : i32 to vector<16xi32>
    %add3A_734 = arith.addi %mul3A_731, %add3A_733 : vector<16xi32>
    tpu.vector_store_idx %arg9[%add3A_734], %add3A_680 : memref<256xi32, #tpu.memory_space<vmem>>[vector<16xi32>], vector<16xi32>,
    %mul3A_735 = arith.constant 16 : i32
    %mul3A_736 = vector.broadcast %mul3A_735 : i32 to vector<16xi32>
    %mul3A_737 = arith.muli %iota3A, %mul3A_736 : vector<16xi32>
    %add3A_738 = arith.constant 9 : i32
    %add3A_739 = vector.broadcast %add3A_738 : i32 to vector<16xi32>
    %add3A_740 = arith.addi %mul3A_737, %add3A_739 : vector<16xi32>
    tpu.vector_store_idx %arg9[%add3A_740], %add3A_680 : memref<256xi32, #tpu.memory_space<vmem>>[vector<16xi32>], vector<16xi32>,
    %mul3A_741 = arith.constant 16 : i32
    %mul3A_742 = vector.broadcast %mul3A_741 : i32 to vector<16xi32>
    %mul3A_743 = arith.muli %iota3A, %mul3A_742 : vector<16xi32>
    %add3A_744 = arith.constant 10 : i32
    %add3A_745 = vector.broadcast %add3A_744 : i32 to vector<16xi32>
    %add3A_746 = arith.addi %mul3A_743, %add3A_745 : vector<16xi32>
    tpu.vector_store_idx %arg9[%add3A_746], %add3A_680 : memref<256xi32, #tpu.memory_space<vmem>>[vector<16xi32>], vector<16xi32>,
    %mul3A_747 = arith.constant 16 : i32
    %mul3A_748 = vector.broadcast %mul3A_747 : i32 to vector<16xi32>
    %mul3A_749 = arith.muli %iota3A, %mul3A_748 : vector<16xi32>
    %add3A_750 = arith.constant 11 : i32
    %add3A_751 = vector.broadcast %add3A_750 : i32 to vector<16xi32>
    %add3A_752 = arith.addi %mul3A_749, %add3A_751 : vector<16xi32>
    tpu.vector_store_idx %arg9[%add3A_752], %add3A_680 : memref<256xi32, #tpu.memory_space<vmem>>[vector<16xi32>], vector<16xi32>,
    %mul3A_753 = arith.constant 16 : i32
    %mul3A_754 = vector.broadcast %mul3A_753 : i32 to vector<16xi32>
    %mul3A_755 = arith.muli %iota3A, %mul3A_754 : vector<16xi32>
    %add3A_756 = arith.constant 12 : i32
    %add3A_757 = vector.broadcast %add3A_756 : i32 to vector<16xi32>
    %add3A_758 = arith.addi %mul3A_755, %add3A_757 : vector<16xi32>
    tpu.vector_store_idx %arg9[%add3A_758], %add3A_680 : memref<256xi32, #tpu.memory_space<vmem>>[vector<16xi32>], vector<16xi32>,
    %mul3A_759 = arith.constant 16 : i32
    %mul3A_760 = vector.broadcast %mul3A_759 : i32 to vector<16xi32>
    %mul3A_761 = arith.muli %iota3A, %mul3A_760 : vector<16xi32>
    %add3A_762 = arith.constant 13 : i32
    %add3A_763 = vector.broadcast %add3A_762 : i32 to vector<16xi32>
    %add3A_764 = arith.addi %mul3A_761, %add3A_763 : vector<16xi32>
    tpu.vector_store_idx %arg9[%add3A_764], %add3A_680 : memref<256xi32, #tpu.memory_space<vmem>>[vector<16xi32>], vector<16xi32>,
    %mul3A_765 = arith.constant 16 : i32
    %mul3A_766 = vector.broadcast %mul3A_765 : i32 to vector<16xi32>
    %mul3A_767 = arith.muli %iota3A, %mul3A_766 : vector<16xi32>
    %add3A_768 = arith.constant 14 : i32
    %add3A_769 = vector.broadcast %add3A_768 : i32 to vector<16xi32>
    %add3A_770 = arith.addi %mul3A_767, %add3A_769 : vector<16xi32>
    tpu.vector_store_idx %arg9[%add3A_770], %add3A_680 : memref<256xi32, #tpu.memory_space<vmem>>[vector<16xi32>], vector<16xi32>,
    %mul3A_771 = arith.constant 16 : i32
    %mul3A_772 = vector.broadcast %mul3A_771 : i32 to vector<16xi32>
    %mul3A_773 = arith.muli %iota3A, %mul3A_772 : vector<16xi32>
    %add3A_774 = arith.constant 15 : i32
    %add3A_775 = vector.broadcast %add3A_774 : i32 to vector<16xi32>
    %add3A_776 = arith.addi %mul3A_773, %add3A_775 : vector<16xi32>
    tpu.vector_store_idx %arg9[%add3A_776], %add3A_680 : memref<256xi32, #tpu.memory_space<vmem>>[vector<16xi32>], vector<16xi32>,
    %broadcast_in_dim3A_777 = arith.constant 0.000000e+00 : f32
    %broadcast_in_dim3A_778 = vector.broadcast %broadcast_in_dim3A_777 : f32 to vector<16xf32>
    %get3A_779 = arith.constant 0 : index
    %get3A_780 = tpu.vector_load %arg9[%get3A_779] {strides = array<i32>} : memref<256xi32, #tpu.memory_space<vmem>>, vector<16xi32>,
    %convert_element_type3A = arith.sitofp %get3A_780 : vector<16xi32> to vector<16xf32>
    %get3A_781 = arith.constant 0 : i32
    %get3A_782 = arith.index_cast %get3A_781 : i32 to index
    %get3A_783 = arith.constant 0 : index
    %get3A_784 = tpu.vector_load %arg6[%get3A_782, %get3A_783] {strides = array<i32>} : memref<10x16xf32, #tpu.memory_space<vmem>>, vector<16xf32>,
    %mul3A_785 = arith.mulf %convert_element_type3A, %get3A_784 : vector<16xf32>
    %add3A_786 = arith.addf %broadcast_in_dim3A_778, %mul3A_785 : vector<16xf32>
    %get3A_787 = arith.constant 16 : index
    %get3A_788 = tpu.vector_load %arg9[%get3A_787] {strides = array<i32>} : memref<256xi32, #tpu.memory_space<vmem>>, vector<16xi32>,
    %convert_element_type3A_789 = arith.sitofp %get3A_788 : vector<16xi32> to vector<16xf32>
    %get3A_790 = arith.constant 1 : i32
    %get3A_791 = arith.index_cast %get3A_790 : i32 to index
    %get3A_792 = arith.constant 0 : index
    %get3A_793 = tpu.vector_load %arg6[%get3A_791, %get3A_792] {strides = array<i32>} : memref<10x16xf32, #tpu.memory_space<vmem>>, vector<16xf32>,
    %mul3A_794 = arith.mulf %convert_element_type3A_789, %get3A_793 : vector<16xf32>
    %add3A_795 = arith.addf %add3A_786, %mul3A_794 : vector<16xf32>
    %get3A_796 = arith.constant 32 : index
    %get3A_797 = tpu.vector_load %arg9[%get3A_796] {strides = array<i32>} : memref<256xi32, #tpu.memory_space<vmem>>, vector<16xi32>,
    %convert_element_type3A_798 = arith.sitofp %get3A_797 : vector<16xi32> to vector<16xf32>
    %get3A_799 = arith.constant 2 : i32
    %get3A_800 = arith.index_cast %get3A_799 : i32 to index
    %get3A_801 = arith.constant 0 : index
    %get3A_802 = tpu.vector_load %arg6[%get3A_800, %get3A_801] {strides = array<i32>} : memref<10x16xf32, #tpu.memory_space<vmem>>, vector<16xf32>,
    %mul3A_803 = arith.mulf %convert_element_type3A_798, %get3A_802 : vector<16xf32>
    %add3A_804 = arith.addf %add3A_795, %mul3A_803 : vector<16xf32>
    %get3A_805 = arith.constant 48 : index
    %get3A_806 = tpu.vector_load %arg9[%get3A_805] {strides = array<i32>} : memref<256xi32, #tpu.memory_space<vmem>>, vector<16xi32>,
    %convert_element_type3A_807 = arith.sitofp %get3A_806 : vector<16xi32> to vector<16xf32>
    %get3A_808 = arith.constant 3 : i32
    %get3A_809 = arith.index_cast %get3A_808 : i32 to index
    %get3A_810 = arith.constant 0 : index
    %get3A_811 = tpu.vector_load %arg6[%get3A_809, %get3A_810] {strides = array<i32>} : memref<10x16xf32, #tpu.memory_space<vmem>>, vector<16xf32>,
    %mul3A_812 = arith.mulf %convert_element_type3A_807, %get3A_811 : vector<16xf32>
    %add3A_813 = arith.addf %add3A_804, %mul3A_812 : vector<16xf32>
    %get3A_814 = arith.constant 64 : index
    %get3A_815 = tpu.vector_load %arg9[%get3A_814] {strides = array<i32>} : memref<256xi32, #tpu.memory_space<vmem>>, vector<16xi32>,
    %convert_element_type3A_816 = arith.sitofp %get3A_815 : vector<16xi32> to vector<16xf32>
    %get3A_817 = arith.constant 4 : i32
    %get3A_818 = arith.index_cast %get3A_817 : i32 to index
    %get3A_819 = arith.constant 0 : index
    %get3A_820 = tpu.vector_load %arg6[%get3A_818, %get3A_819] {strides = array<i32>} : memref<10x16xf32, #tpu.memory_space<vmem>>, vector<16xf32>,
    %mul3A_821 = arith.mulf %convert_element_type3A_816, %get3A_820 : vector<16xf32>
    %add3A_822 = arith.addf %add3A_813, %mul3A_821 : vector<16xf32>
    %get3A_823 = arith.constant 80 : index
    %get3A_824 = tpu.vector_load %arg9[%get3A_823] {strides = array<i32>} : memref<256xi32, #tpu.memory_space<vmem>>, vector<16xi32>,
    %convert_element_type3A_825 = arith.sitofp %get3A_824 : vector<16xi32> to vector<16xf32>
    %get3A_826 = arith.constant 5 : i32
    %get3A_827 = arith.index_cast %get3A_826 : i32 to index
    %get3A_828 = arith.constant 0 : index
    %get3A_829 = tpu.vector_load %arg6[%get3A_827, %get3A_828] {strides = array<i32>} : memref<10x16xf32, #tpu.memory_space<vmem>>, vector<16xf32>,
    %mul3A_830 = arith.mulf %convert_element_type3A_825, %get3A_829 : vector<16xf32>
    %add3A_831 = arith.addf %add3A_822, %mul3A_830 : vector<16xf32>
    %get3A_832 = arith.constant 96 : index
    %get3A_833 = tpu.vector_load %arg9[%get3A_832] {strides = array<i32>} : memref<256xi32, #tpu.memory_space<vmem>>, vector<16xi32>,
    %convert_element_type3A_834 = arith.sitofp %get3A_833 : vector<16xi32> to vector<16xf32>
    %get3A_835 = arith.constant 6 : i32
    %get3A_836 = arith.index_cast %get3A_835 : i32 to index
    %get3A_837 = arith.constant 0 : index
    %get3A_838 = tpu.vector_load %arg6[%get3A_836, %get3A_837] {strides = array<i32>} : memref<10x16xf32, #tpu.memory_space<vmem>>, vector<16xf32>,
    %mul3A_839 = arith.mulf %convert_element_type3A_834, %get3A_838 : vector<16xf32>
    %add3A_840 = arith.addf %add3A_831, %mul3A_839 : vector<16xf32>
    %get3A_841 = arith.constant 112 : index
    %get3A_842 = tpu.vector_load %arg9[%get3A_841] {strides = array<i32>} : memref<256xi32, #tpu.memory_space<vmem>>, vector<16xi32>,
    %convert_element_type3A_843 = arith.sitofp %get3A_842 : vector<16xi32> to vector<16xf32>
    %get3A_844 = arith.constant 7 : i32
    %get3A_845 = arith.index_cast %get3A_844 : i32 to index
    %get3A_846 = arith.constant 0 : index
    %get3A_847 = tpu.vector_load %arg6[%get3A_845, %get3A_846] {strides = array<i32>} : memref<10x16xf32, #tpu.memory_space<vmem>>, vector<16xf32>,
    %mul3A_848 = arith.mulf %convert_element_type3A_843, %get3A_847 : vector<16xf32>
    %add3A_849 = arith.addf %add3A_840, %mul3A_848 : vector<16xf32>
    %get3A_850 = arith.constant 128 : index
    %get3A_851 = tpu.vector_load %arg9[%get3A_850] {strides = array<i32>} : memref<256xi32, #tpu.memory_space<vmem>>, vector<16xi32>,
    %convert_element_type3A_852 = arith.sitofp %get3A_851 : vector<16xi32> to vector<16xf32>
    %get3A_853 = arith.constant 8 : i32
    %get3A_854 = arith.index_cast %get3A_853 : i32 to index
    %get3A_855 = arith.constant 0 : index
    %get3A_856 = tpu.vector_load %arg6[%get3A_854, %get3A_855] {strides = array<i32>} : memref<10x16xf32, #tpu.memory_space<vmem>>, vector<16xf32>,
    %mul3A_857 = arith.mulf %convert_element_type3A_852, %get3A_856 : vector<16xf32>
    %add3A_858 = arith.addf %add3A_849, %mul3A_857 : vector<16xf32>
    %get3A_859 = arith.constant 144 : index
    %get3A_860 = tpu.vector_load %arg9[%get3A_859] {strides = array<i32>} : memref<256xi32, #tpu.memory_space<vmem>>, vector<16xi32>,
    %convert_element_type3A_861 = arith.sitofp %get3A_860 : vector<16xi32> to vector<16xf32>
    %get3A_862 = arith.constant 9 : i32
    %get3A_863 = arith.index_cast %get3A_862 : i32 to index
    %get3A_864 = arith.constant 0 : index
    %get3A_865 = tpu.vector_load %arg6[%get3A_863, %get3A_864] {strides = array<i32>} : memref<10x16xf32, #tpu.memory_space<vmem>>, vector<16xf32>,
    %mul3A_866 = arith.mulf %convert_element_type3A_861, %get3A_865 : vector<16xf32>
    %add3A_867 = arith.addf %add3A_858, %mul3A_866 : vector<16xf32>
    %mul3A_868 = arith.constant 9.53674316E-7 : f32
    %mul3A_869 = vector.broadcast %mul3A_868 : f32 to vector<16xf32>
    %mul3A_870 = arith.mulf %add3A_867, %mul3A_869 : vector<16xf32>
    %swap3A_871 = arith.constant 0 : index
    %swap3A_872 = tpu.vector_load %arg7[%swap3A_871] {strides = array<i32>} : memref<16xf32, #tpu.memory_space<vmem>>, vector<16xf32>,
    tpu.vector_store %arg7[%swap3A_871], %mul3A_870 {strides = array<i32>} : memref<16xf32, #tpu.memory_space<vmem>>, vector<16xf32>,
    "tpu.region"() ({
      %run_scoped3A = tpu.sem_alloc : memref<!tpu.dma_semaphore, #tpu.memory_space<semaphore_mem>>
      %dma_start3A_873 = arith.constant 0 : i32
      %dma_start3A_874 = tpu.memref_slice %arg4[%add3A, %dma_start3A_873] : memref<32x16xf32, #tpu.memory_space<hbm>> -> memref<1x16xf32, #tpu.memory_space<hbm>>
      %dma_start3A_875 = tpu.memref_squeeze %dma_start3A_874 : memref<1x16xf32, #tpu.memory_space<hbm>> -> memref<16xf32, #tpu.memory_space<hbm>>
      %dma_start3A_876 = arith.constant 0 : i32
      %dma_start3A_877 = tpu.memref_slice %arg4[%add3A, %dma_start3A_876] : memref<32x16xf32, #tpu.memory_space<hbm>> -> memref<1x16xf32, #tpu.memory_space<hbm>>
      %dma_start3A_878 = tpu.memref_squeeze %dma_start3A_877 : memref<1x16xf32, #tpu.memory_space<hbm>> -> memref<16xf32, #tpu.memory_space<hbm>>
      tpu.enqueue_dma source(%arg7 : memref<16xf32, #tpu.memory_space<vmem>>) target(%dma_start3A_878 : memref<16xf32, #tpu.memory_space<hbm>>) target_semaphore(%run_scoped3A : memref<!tpu.dma_semaphore, #tpu.memory_space<semaphore_mem>>)
      %dma_wait3A_879 = arith.constant 0 : i32
      %dma_wait3A_880 = tpu.memref_slice %arg4[%add3A, %dma_wait3A_879] : memref<32x16xf32, #tpu.memory_space<hbm>> -> memref<1x16xf32, #tpu.memory_space<hbm>>
      %dma_wait3A_881 = tpu.memref_squeeze %dma_wait3A_880 : memref<1x16xf32, #tpu.memory_space<hbm>> -> memref<16xf32, #tpu.memory_space<hbm>>
      %dma_wait3A_882 = arith.constant 0 : i32
      %dma_wait3A_883 = tpu.memref_slice %arg4[%add3A, %dma_wait3A_882] : memref<32x16xf32, #tpu.memory_space<hbm>> -> memref<1x16xf32, #tpu.memory_space<hbm>>
      %dma_wait3A_884 = tpu.memref_squeeze %dma_wait3A_883 : memref<1x16xf32, #tpu.memory_space<hbm>> -> memref<16xf32, #tpu.memory_space<hbm>>
      tpu.wait_dma2 semaphore(%run_scoped3A : memref<!tpu.dma_semaphore, #tpu.memory_space<semaphore_mem>>) src(%arg7 : memref<16xf32, #tpu.memory_space<vmem>>) dst(%dma_wait3A_884 : memref<16xf32, #tpu.memory_space<hbm>>)
      tpu.yield
    }) : () -> ()
    return
  }
}

module attributes {stable_mosaic.version = 14 : i64} {
  func.func @fold_body(%arg0: memref<32x16xf32, #tpu.memory_space<vmem>>, %arg1: memref<1x16xf32, #tpu.memory_space<vmem>>) attributes {dimension_semantics = [], scalar_prefetch = 0 : i64, scratch_operands = 0 : i64, tpu.core_type = #tpu.core_type<tc>} {
    %get3A = arith.constant 0 : index
    %get3A_0 = arith.constant 0 : index
    %get3A_1 = vector.load %arg0[%get3A, %get3A_0] : memref<32x16xf32, #tpu.memory_space<vmem>>, vector<32x16xf32>
    %reduce_sum3A = arith.constant dense<0.000000e+00> : vector<16xf32>
    %reduce_sum3A_2 = vector.multi_reduction <add>, %get3A_1, %reduce_sum3A [0] : vector<32x16xf32> to vector<16xf32>
    %broadcast_in_dim3A = vector.shape_cast %reduce_sum3A_2 : vector<16xf32> to vector<1x16xf32>
    %swap3A = arith.constant 0 : index
    %swap3A_3 = arith.constant 0 : index
    %swap3A_4 = vector.load %arg1[%swap3A, %swap3A_3] : memref<1x16xf32, #tpu.memory_space<vmem>>, vector<1x16xf32>
    tpu.vector_store %arg1[%swap3A, %swap3A_3], %broadcast_in_dim3A {strides = array<i32>} : memref<1x16xf32, #tpu.memory_space<vmem>>, vector<1x16xf32>,
    return
  }
}

</mosaic_0001>

<sc_bundles>
// kernel: kernel.4.cloned.1.call-start
scs
__scs_entry_jumppad:
0x0: {  	(pc) =	sbr.rel $0x88, $3  }
0x1: {  	(tag) =	ssettag $0x0;
	lr =	simm.s32 $0x1  }
0x2: {  	[smem:$0x3F9F] =	sst lr;
	_ =	strace $0xD0000000  }
0x3: {  	_ = 	snop  }
0x4: {  	_ = 	snop  }
0x5: {  	_ = 	snop  }
0x6: {  	_ = 	snop  }
0x7: {  	_ = 	snop  }
__scs_overlays_trampoline_lowered:
0x8: {  	[smem:$0x3FAE] =	sst s0  }
0x9: {  	[smem:$0x3FAF] =	sst s1  }
0xa: {  	[smem:$0x3FB0] =	sst s2  }
0xb: {  	[smem:$0x3FB1] =	sst s3  }
0xc: {  	[smem:$0x3FB2] =	sst s4  }
0xd: {  	[smem:$0x3FB3] =	sst s5  }
0xe: {  	[smem:$0x3FB4] =	sst s6  }
0xf: {  	[smem:$0x3FB5] =	sst s7  }
0x10: {  	[smem:$0x3FB6] =	sst s8  }
0x11: {  	[smem:$0x3FB7] =	sst s9;
	s0 =	simm.s32 @!p0 $0x0  }
0x12: {  	s1 =	sld [smem:$0x3F9D];
	s0 =	simm.s32 @p0 $0x1  }
0x13: {  	[smem:$0x3FB8] =	sst s0;
	s0 =	simm.s32 @!p1 $0x0  }
0x14: {  	s2 =	sld [smem:$0x3F9C];
	s0 =	simm.s32 @p1 $0x1  }
0x15: {  	[smem:$0x3FB9] =	sst s0;
	s0 =	simm.s32 @!p2 $0x0  }
0x16: {  	s3 =	sld [smem:$0x3FDB];
	s0 =	simm.s32 @p2 $0x1  }
0x17: {  	s4 =	simm.s32 $0x1BF5;
	[smem:$0x3FBB] =	sst s0  }
0x18: {  	s0 =	sld [smem:$0x3F9E];
	_ =	swait.ge [sflag:s4], $0x0  }
0x19: {  	s7 =	sld [smem:$0x3F9F]  }
0x1a: {  	s8 =	sadd.s32 $0xFFFFE003, lr  }
0x1b: {  	s9 =	sadd.s32 $0xFFFFFEF7, lr;
	s5 =	simm.s32 $0xFFFFFFFF;
	p2 =	slt.u32 s8, $0xFFFFF086  }
0x1c: {  	p1 =	slt.u32 s9, $0xF7A;
	s5 =	simm.s32 @!p2 $0x0  }
0x1d: {  	s5 =	simm.s32 @p1 $0x1;
	p0 =	seq.s32 s7, s2  }
0x1e: {  	s7 =	smul.u32 @!p0 $0xF7A, s2;
	p2 =	seq.s32 @!p0 s5, $0x0  }
0x1f: {  	s9 =	smul.u32 $0xF7A, s1;
	s8 =	simm.s32 @!p0 $0x1BF5;
	p2 =	por !p2, p0  }
0x20: {  	[sflag:s8] =	ssyncset.s32 @!p0 $0xFFFFF086;
	s6 =	sadd.s32 @!p0 s3, s7;
	s7 =	simm.s32 @!p0 $0x108  }
0x21: {  	s3 =	sadd.s32 s3, s9;
	s6 =	sadd.s32 @!p0 $0x88, s6;
	s7 =	simm.s32 @p2 $0x1082  }
0x22: {  	[simem:s7], [sflag:s8] =	dma.local @!p0 [hbm:s6], $0xF7A  }
0x23: {  	s9 =	sor.u32 $0xD0000000, s2;
	s6 =	simm.s32 $0x108;
	_ =	swait.ge @!p0 [sflag:s8], $0x0  }
0x24: {  	s3 =	sadd.s32 $0x88, s3;
	s6 =	simm.s32 @!p1 $0x1082;
	[sflag:s4] =	ssyncset.s32 $0xFFFFF086  }
0x25: {  	[simem:s6], [sflag:s4] =	dma.local [hbm:s3], $0xF7A  }
0x26: {  	[smem:$0x3F9F] =	sst s1;
	(tag) =	ssettag s2;
	_ =	strace s9  }
0x27: {  	s1 =	sld [smem:$0x3FAF]  }
0x28: {  	s2 =	sld [smem:$0x3FB0]  }
0x29: {  	s4 =	sld [smem:$0x3FB2]  }
0x2a: {  	p0 =	seq.s32 s5, $0x0;
	s5 =	sld [smem:$0x3FB3]  }
0x2b: {  	s6 =	sld [smem:$0x3FB4]  }
0x2c: {  	s7 =	sld [smem:$0x3FB5]  }
0x2d: {  	s3 =	simm.s32 $0x108;
	s8 =	sld [smem:$0x3FB6]  }
0x2e: {  	s3 =	simm.s32 @!p0 $0x1082;
	s9 =	sld [smem:$0x3FB7]  }
0x2f: {  	lr =	sadd.s32 s0, s3;
	s0 =	sld [smem:$0x3FAE]  }
0x30: {  	s3 =	sld [smem:$0x3FB1]  }
0x31: {  	[smem:$0x3FBA] =	sst s10  }
0x32: {  	s10 =	sld [smem:$0x3FB8];
	_ =	sdelay $0x3  }
0x33: {  	p0 =	seq.s32 s10, $0x1;
	s10 =	sld [smem:$0x3FBA];
	_ =	sdelay $0x3  }
0x34: {  	[smem:$0x3FBA] =	sst s10  }
0x35: {  	s10 =	sld [smem:$0x3FB9];
	_ =	sdelay $0x3  }
0x36: {  	p1 =	seq.s32 s10, $0x1;
	s10 =	sld [smem:$0x3FBA];
	_ =	sdelay $0x3  }
0x37: {  	[smem:$0x3FBA] =	sst s10  }
0x38: {  	s10 =	sld [smem:$0x3FBB]  }
0x39: {  	_ = 	snop;
	(pc) =	sbr.ind lr, $3  }
0x3a: {  	_ = 	snop  }
0x3b: {  	_ = 	snop  }
0x3c: {  	p2 =	seq.s32 s10, $0x1;
	s10 =	sld [smem:$0x3FBA]  }
0x3d: {  	_ =	shalt  }
0x3e: {  	_ =	shalt  }
0x3f: {  	_ =	shalt  }
0x40: {  	_ =	shalt  }
0x41: {  	_ =	shalt  }
0x42: {  	_ =	shalt  }
0x43: {  	_ =	shalt  }
0x44: {  	_ =	shalt  }
0x45: {  	_ =	shalt  }
0x46: {  	_ =	shalt  }
0x47: {  	_ =	shalt  }
0x48: {  	_ =	shalt  }
0x49: {  	_ =	shalt  }
0x4a: {  	_ =	shalt  }
0x4b: {  	_ =	shalt  }
0x4c: {  	_ =	shalt  }
0x4d: {  	_ =	shalt  }
0x4e: {  	_ =	shalt  }
0x4f: {  	_ =	shalt  }
0x50: {  	_ =	shalt  }
0x51: {  	_ =	shalt  }
0x52: {  	_ =	shalt  }
0x53: {  	_ =	shalt  }
0x54: {  	_ =	shalt  }
0x55: {  	_ =	shalt  }
0x56: {  	_ =	shalt  }
0x57: {  	_ =	shalt  }
0x58: {  	_ =	shalt  }
0x59: {  	_ =	shalt  }
0x5a: {  	_ =	shalt  }
0x5b: {  	_ =	shalt  }
0x5c: {  	_ =	shalt  }
0x5d: {  	_ =	shalt  }
0x5e: {  	_ =	shalt  }
0x5f: {  	_ =	shalt  }
0x60: {  	_ =	shalt  }
0x61: {  	_ =	shalt  }
0x62: {  	_ =	shalt  }
0x63: {  	_ =	shalt  }
0x64: {  	_ =	shalt  }
0x65: {  	_ =	shalt  }
0x66: {  	_ =	shalt  }
0x67: {  	_ =	shalt  }
0x68: {  	_ =	shalt  }
0x69: {  	_ =	shalt  }
0x6a: {  	_ =	shalt  }
0x6b: {  	_ =	shalt  }
0x6c: {  	_ =	shalt  }
0x6d: {  	_ =	shalt  }
0x6e: {  	_ =	shalt  }
0x6f: {  	_ =	shalt  }
0x70: {  	_ =	shalt  }
0x71: {  	_ =	shalt  }
0x72: {  	_ =	shalt  }
0x73: {  	_ =	shalt  }
0x74: {  	_ =	shalt  }
0x75: {  	_ =	shalt  }
0x76: {  	_ =	shalt  }
0x77: {  	_ =	shalt  }
0x78: {  	_ =	shalt  }
0x79: {  	_ =	shalt  }
0x7a: {  	_ =	shalt  }
0x7b: {  	_ =	shalt  }
0x7c: {  	_ =	shalt  }
0x7d: {  	_ =	shalt  }
0x7e: {  	_ =	shalt  }
0x7f: {  	_ =	shalt  }
0x80: {  	_ =	shalt  }
0x81: {  	_ =	shalt  }
0x82: {  	_ =	shalt  }
0x83: {  	_ =	shalt  }
0x84: {  	_ =	shalt  }
0x85: {  	_ =	shalt  }
0x86: {  	_ =	shalt  }
0x87: {  	_ =	shalt  }
.Lfunc_end0:
.L_simem_size_0:
called_computation_lowered:
.L_overlay_start_0:
0x88: {  	s2 =	sld [smem:$0x3FD9]  }
0x89: {  	s3 =	sld [smem:$0x3FFE];
	_ =	sdelay $0x1  }
0x8a: {  	s1 =	srdreg.scid  }
0x8b: {  	s0 =	sand.u32 $0x1, s1  }
0x8c: {  	s17 =	sshll.u32 s0, $0xA;
	s2 =	sadd.s32 s3, s2  }
0x8d: {  	s2 =	sadd.s32 s2, s17  }
0x8e: {  	[smem:$0x3FC6] =	sst s2  }
0x8f: {  	_ = 	snop  }
0x90: {  	s2 =	sld [smem:$0x3FC9]  }
0x91: {  	s18 =	sld [smem:$0x3FC8];
	(tm) =	ssettm $0x1  }
0x92: {  	s4 =	sld [smem:$0x3FFB];
	_ =	sdelay $0x3  }
0x93: {  	_ =	strace s4  }
0x94: {  	s4 =	sld [smem:$0x3FFC];
	_ =	sdelay $0x3  }
0x95: {  	_ =	strace s4  }
0x96: {  	s4 =	sld [smem:$0x3FFD];
	_ =	sdelay $0x3  }
0x97: {  	_ =	strace s4  }
0x98: {  	_ =	strace $0x8FFFFFFF  }
0x99: {  	s19 =	sld [smem:$0x3FDB];
	_ =	sdelay $0x1  }
0x9a: {  	s5 =	simm.s32 $_scs_section_size  }
0x9b: {  	s6 =	simm.s32 $_size__tile_overlayer_lowered;
	s7 =	simm.s32 $_tile_overlayer_lowered  }
0x9c: {  	s22 =	simm.s32 $0x1BFF;
	s21 =	sshll.u32 s7, $0x1;
	s4 =	sadd.s32 s5, s19  }
0x9d: {  	s8 =	simm.s32 $0x0;
	s20 =	sshll.u32 s6, $0x1;
	s6 =	sadd.s32 s21, s4  }
0x9e: {  	[timem:s8], [sflag:s22] =	dma.local [hbm:s6], s20  }
0x9f: {  	_ =	swait.ge [sflag:s22], s20  }
0xa0: {  	s5 =	ssub.s32 $0x0, s20;
	[sflag:s22] =	ssyncset.done $0x0  }
0xa1: {  	[sflag:s22] =	ssyncadd.s32 s5;
	_ =	sdelay $0x1  }
0xa2: {  	s23 =	simm.s32 $0x1B8B  }
0xa3: {  	_ =	swait.ge [sflag:s23], $0x1  }
0xa4: {  	[sflag:s23] =	ssyncset.done $0x0  }
0xa5: {  	s25 =	simm.s32 $0x1B8E;
	s24 =	sld [smem:$0x3FFE];
	[sflag:s23] =	ssyncadd.s32 $0xFFFFFFFF  }
0xa6: {  	s26 =	simm.s32 $execute0_lowered;
	[smem:$0x3FD2] =	sst s25  }
0xa7: {  	s6 =	sshll.u32 s26, $0x1;
	_ =	strace $0x80000046;
	[dreg:$0x1] =	wrdreg $0xFFFFFFFF  }
0xa8: {  	s28 =	simm.s32 $_size_execute0_lowered;
	s4 =	sadd.s32 s4, s6;
	[dreg:$0x0] =	wrdreg $0x0  }
0xa9: {  	s6 =	sshll.u32 s28, $0x1;
	[dreg:$0x2] =	wrdreg s4  }
0xaa: {  	[dreg:$0x3] =	wrdreg s6  }
0xab: {  	[dreg:$0x4] =	wrdreg $0xC0  }
0xac: {  	_ =	task [dreg:s8], $0x5FFFF  }
0xad: {  	[dreg:$0x1] =	wrdreg $0xFFFFFFFF  }
0xae: {  	[dreg:$0x0] =	wrdreg $0x60  }
0xaf: {  	[dreg:$0x2] =	wrdreg s2  }
0xb0: {  	[dreg:$0x3] =	wrdreg s18  }
0xb1: {  	[dreg:$0x4] =	wrdreg s24  }
0xb2: {  	[dreg:$0x5] =	wrdreg $0x9  }
0xb3: {  	_ =	task.clear_ibuf [dreg:s8], $0x6FFFF;
	_ =	strace $0x90000046  }
0xb4: {  	s29 =	simm.s32 $0x9;
	_ =	strace $0x80000048  }
0xb5: {  	_ =	swait.ge [sflag:s29], $0x1  }
0xb6: {  	[sflag:s29] =	ssyncadd.s32 $0xFFFFFFFF  }
0xb7: {  	_ =	strace $0x90000048  }
0xb8: {  	_ =	sfence  }
0xb9: {  	s30 =	sld [smem:$0x0];
	_ =	sdelay $0x2  }
0xba: {  	s31 =	sshll.u32 s1, $0xD;
	s1 =	sshrl.u32 s1, $0x2  }
0xbb: {  	s3 =	sand.u32 $0x4000, s31;
	s1 =	sadd.s32 s1, s30  }
0xbc: {  	s0 =	sor.u32 s3, s0;
	s1 =	sshll.u32 s1, $0x11  }
0xbd: {  	s0 =	sor.u32 s1, s0  }
0xbe: {  	s0 =	sadd.s32 $0x8F2B, s0  }
0xbf: {  	[sflag:s0] =	ssyncadd.remote.s32 $0x1  }
0xc0: {  	_ =	sfence.sel $0xFFFF  }
0xc1: {  	[dreg:$0x0] =	wrdreg $0xFFFFFFFF;
	(pc) =	sbr.abs _section_cstart, $3  }
0xc2: {  	[dreg:$0x1] =	wrdreg $0xFFFFFFFF  }
0xc3: {  	_ =	task.clear_ibuf [dreg:s8], $0x2FFFF;
	_ =	strace $0x9FFFFFFF  }
0xc4: {  	(tm) =	ssettm $0x7FFFFFFF  }
0xc5: {  	_ =	shalt  }
tec
execute0_lowered:
.L_overlay_start_1:
0x0: {  	(tag) =	ssettag $0x1  }
0x1: {  	s4 =	rddreg [dreg:$0x0]  }
0x2: {  	s1 =	rddreg [dreg:$0x1];
	v0 =	vlaneseq.u32  }
0x3: {  	s5 =	rddreg [dreg:$0x2];
	s3 =	simm.s32 $0x0;
	v0 =	vmul.u32 $0x10, v0  }
0x4: {  	[smem:$0x7FF] =	sst s3  }
0x5: {  	s0 =	rddreg [dreg:$0x3];
	_ =	strace $0x80000047;
	v2 =	vor.u32 $0x1, v0;
	[tilespmem:$0x1FFE0] =	vst v0  }
0x6: {  	[tilespmem:$0x1FF00] =	vst v2;
	v2 =	vor.u32 $0x2, v0  }
0x7: {  	[tilespmem:$0x1FF10] =	vst v2;
	v2 =	vor.u32 $0x3, v0  }
0x8: {  	[tilespmem:$0x1FF20] =	vst v2;
	v2 =	vor.u32 $0x4, v0  }
0x9: {  	[tilespmem:$0x1FF30] =	vst v2;
	v2 =	vor.u32 $0x5, v0  }
0xa: {  	[tilespmem:$0x1FF40] =	vst v2;
	v2 =	vor.u32 $0x6, v0  }
0xb: {  	s6 =	srdreg.scid;
	[tilespmem:$0x1FF50] =	vst v2;
	v2 =	vor.u32 $0x7, v0  }
0xc: {  	s2 =	stileid.u32;
	s10 =	simm.s32 $0x3;
	s11 =	simm.s32 $0x1;
	[tilespmem:$0x1FF60] =	vst v2;
	v2 =	vor.u32 $0x8, v0  }
0xd: {  	s12 =	simm.s32 $0x2;
	s13 =	simm.s32 $0x8880;
	s14 =	simm.s32 $0x8980;
	[tilespmem:$0x1FF70] =	vst v2;
	v2 =	vor.u32 $0x9, v0  }
0xe: {  	s15 =	simm.s32 $0x8800;
	s6 =	sand.u32 $0x1, s6;
	s7 =	sshll.u32 s2, $0x4;
	[tilespmem:$0x1FF80] =	vst v2;
	v2 =	vor.u32 $0xA, v0  }
0xf: {  	s16 =	simm.s32 $0x0;
	s8 =	sshll.u32 s6, $0x4;
	s7 =	sand.u32 $0x70, s7;
	[tilespmem:$0x1FF90] =	vst v2;
	v2 =	vor.u32 $0xB, v0  }
0x10: {  	s6 =	ssub.s32 $0x2, s6;
	s8 =	sor.u32 s2, s8;
	s5 =	sadd.s32 s7, s5;
	[tilespmem:$0x1FFA0] =	vst v2;
	v2 =	vor.u32 $0xC, v0  }
0x11: {  	s9 =	sshrl.u32 s6, $0x1;
	s30 =	sshll.u32 s8, $0x4;
	s8 =	sshll.u32 s8, $0xC;
	[tilespmem:$0x1FFB0] =	vst v2;
	v2 =	vor.u32 $0xD, v0  }
0x12: {  	s9 =	ssub.s32 s6, s9;
	s7 =	sand.u32 $0x180, s30;
	s4 =	sadd.s32 s4, s8;
	[tilespmem:$0x1FFC0] =	vst v2;
	v2 =	vor.u32 $0xE, v0  }
0x13: {  	s8 =	simm.s32 $0x3F00;
	s31 =	sadd.s32 s7, s5;
	s5 =	sadd.s32 $0x7E0, s4;
	v0 =	vor.u32 $0xF, v0;
	[tilespmem:$0x1FFD0] =	vst v2  }
0x14: {  	v1 =	vimm.s32 $0x1;
	s7 =	smax.u32 s9, $0x1;
	s9 =	simm.s32 $0x8000;
	s6 =	sadd.s32 $0x600, s31;
	[tilespmem:$0x1FFF0] =	vst v0  }
.LBB2_1:
0x15: {  	[tilespmem:s3], [sflag:$0x1] =	stream.linear.gather [hbm4b:s4+s3], $0x3F00, $0x38;
	[tilespmem:$0x8A80] =	vst v63  }
0x16: {  	_ = 	snop  }
0x17: {  	[tilespmem:s8], [sflag:$0x2] =	stream.linear.gather [hbm4b:s5+s3], $0x4100, $0x38;
	[tilespmem:$0x8A80] =	vst v63  }
0x18: {  	_ = 	snop  }
0x19: {  	[tilespmem:s9], [sflag:$0x3] =	stream.linear.gather [hbm4b:s1+s3], $0x500, $0x38;
	[tilespmem:$0x8A80] =	vst v63  }
0x1a: {  	_ =	swait.ge [sflag:s10], $0x500  }
0x1b: {  	[sflag:s10] =	ssyncset.done $0x0  }
0x1c: {  	[sflag:s10] =	ssyncadd.s32 $0xFFFFFB00  }
0x1d: {  	_ =	swait.ge [sflag:s11], $0x3F00  }
0x1e: {  	[sflag:s11] =	ssyncset.done $0x0  }
0x1f: {  	s17 =	simm.s32 $0x0;
	[sflag:s11] =	ssyncadd.s32 $0xFFFFC100  }
0x20: {  	v0 =	vld [tilespmem:s17+$0x370];
	_ =	sdelay $0x1  }
0x21: {  	v5 =	vld [tilespmem:s17+$0x290];
	_ =	sdelay $0x1  }
0x22: {  	v6 =	vld [tilespmem:s17+$0x2F0]  }
0x23: {  	v0 =	vmul.u32 $0x3, v0  }
0x24: {  	v7 =	vld [tilespmem:s17+$0x350]  }
0x25: {  	[tilespmem:$0x1FD70] =	vst v0;
	v0 =	vmul.u32 $0x3, v5  }
0x26: {  	v8 =	vld [tilespmem:s17+$0x220]  }
0x27: {  	[tilespmem:$0x1FD80] =	vst v0;
	v0 =	vmul.u32 $0x3, v6  }
0x28: {  	v9 =	vld [tilespmem:s17+$0x280]  }
0x29: {  	[tilespmem:$0x1FDC0] =	vst v0;
	v0 =	vmul.u32 $0x3, v7  }
0x2a: {  	v10 =	vld [tilespmem:s17+$0x2E0]  }
0x2b: {  	[tilespmem:$0x1FDD0] =	vst v0;
	v0 =	vmul.u32 $0x3, v8  }
0x2c: {  	v12 =	vld [tilespmem:s17+$0x1B0]  }
0x2d: {  	[tilespmem:$0x1FDB0] =	vst v0;
	v0 =	vmul.u32 $0x3, v9  }
0x2e: {  	v13 =	vld [tilespmem:s17+$0x210]  }
0x2f: {  	v3 =	vld [tilespmem:s17+$0x300];
	[tilespmem:$0x1FDE0] =	vst v0;
	v0 =	vmul.u32 $0x3, v10  }
0x30: {  	v14 =	vld [tilespmem:s17+$0x270]  }
0x31: {  	v4 =	vld [tilespmem:s17+$0x360];
	[tilespmem:$0x1FE00] =	vst v0;
	v0 =	vmul.u32 $0x3, v12  }
0x32: {  	v15 =	vld [tilespmem:s17+$0x2D0]  }
0x33: {  	v11 =	vld [tilespmem:s17+$0x340];
	[tilespmem:$0x1FE10] =	vst v0;
	v0 =	vmul.u32 $0x3, v13  }
0x34: {  	v16 =	vld [tilespmem:s17+$0x330]  }
0x35: {  	v26 =	vld [tilespmem:s17+$0x130];
	[tilespmem:$0x1FE20] =	vst v0;
	v0 =	vmul.u32 $0x3, v14  }
0x36: {  	v18 =	vld [tilespmem:s17+$0x1A0]  }
0x37: {  	v17 =	vld [tilespmem:s17+$0x140];
	[tilespmem:$0x1FE40] =	vst v0;
	v0 =	vmul.u32 $0x3, v15  }
0x38: {  	v19 =	vld [tilespmem:s17+$0x200]  }
0x39: {  	v27 =	vld [tilespmem:s17+$0x190];
	[tilespmem:$0x1FE50] =	vst v0;
	v0 =	vmul.u32 $0x3, v16  }
0x3a: {  	v54 =	vmul.u32 $0x3, v26;
	v26 =	vld [tilespmem:s17+$0xE0]  }
0x3b: {  	[tilespmem:$0x1FE60] =	vst v0;
	v0 =	vmul.u32 $0x3, v18;
	v18 =	vld [tilespmem:$0x1FD70]  }
0x3c: {  	v20 =	vld [tilespmem:s17+$0x260]  }
0x3d: {  	v21 =	vld [tilespmem:s17+$0x2C0]  }
0x3e: {  	v31 =	vld [tilespmem:s17+$0x2B0]  }
0x3f: {  	v55 =	vmul.u32 $0x3, v27;
	v27 =	vld [tilespmem:s17+$0xF0]  }
0x40: {  	v9 =	vmul.u32 $0x3, v26;
	v26 =	vshll.u32 v1, v18;
	v18 =	vld [tilespmem:$0x1FD80]  }
0x41: {  	v22 =	vld [tilespmem:s17+$0x310];
	v2 =	vmul.u32 $0x3, v3  }
0x42: {  	v23 =	vld [tilespmem:s17+$0x320]  }
0x43: {  	v24 =	vld [tilespmem:s17+$0x60];
	[tilespmem:$0x1FD90] =	vst v2;
	v2 =	vmul.u32 $0x3, v4  }
0x44: {  	v57 =	vmul.u32 $0x3, v31;
	v31 =	vld [tilespmem:s17+$0x10]  }
0x45: {  	[tilespmem:$0x1FDA0] =	vst v2;
	v2 =	vmul.u32 $0x3, v27;
	v27 =	vshll.u32 v1, v18;
	v18 =	vld [tilespmem:$0x1FD90]  }
0x46: {  	v25 =	vld [tilespmem:s17+$0xD0]  }
0x47: {  	v28 =	vld [tilespmem:s17+$0x1F0]  }
0x48: {  	v32 =	vld [tilespmem:s17+$0x50]  }
0x49: {  	v35 =	vld [tilespmem:s17+$0x180]  }
0x4a: {  	v14 =	vmul.u32 $0x3, v31;
	v31 =	vshll.u32 v1, v18;
	v18 =	vld [tilespmem:$0x1FDA0]  }
0x4b: {  	v29 =	vld [tilespmem:s17+$0x250]  }
0x4c: {  	v30 =	vld [tilespmem:s17+$0x2A0]  }
0x4d: {  	v33 =	vld [tilespmem:s17+$0xC0]  }
0x4e: {  	v60 =	vmul.u32 $0x3, v32;
	v32 =	vld [tilespmem:s17+$0x70]  }
0x4f: {  	v58 =	vmul.u32 $0x3, v21;
	v21 =	vmul.u32 $0x3, v35;
	v35 =	vshll.u32 v1, v18;
	v18 =	vld [tilespmem:$0x1FDB0]  }
0x50: {  	v34 =	vld [tilespmem:s17+$0x120]  }
0x51: {  	v36 =	vld [tilespmem:s17+$0x1E0]  }
0x52: {  	v37 =	vld [tilespmem:s17+$0x230]  }
0x53: {  	v38 =	vld [tilespmem:s17+$0x240]  }
0x54: {  	v53 =	vmul.u32 $0x3, v11;
	v11 =	vmul.u32 $0x3, v32;
	v32 =	vshll.u32 v1, v18;
	v18 =	vld [tilespmem:$0x1FDC0]  }
0x55: {  	v39 =	vld [tilespmem:s17+$0x40]  }
0x56: {  	v40 =	vld [tilespmem:s17+$0xB0]  }
0x57: {  	v42 =	vld [tilespmem:s17+$0x170]  }
0x58: {  	v46 =	vld [tilespmem:s17+$0xA0]  }
0x59: {  	v61 =	vmul.u32 $0x3, v20;
	v20 =	vmul.u32 $0x3, v37;
	v37 =	vshll.u32 v1, v18;
	v18 =	vld [tilespmem:$0x1FDD0]  }
0x5a: {  	v47 =	vld [tilespmem:s17+$0x100]  }
0x5b: {  	v48 =	vld [tilespmem:s17+$0x150];
	v52 =	vmul.u32 $0x3, v17;
	v59 =	vmul.u32 $0x3, v19;
	v22 =	vmul.u32 $0x3, v22  }
0x5c: {  	v50 =	vld [tilespmem:s17+$0x20];
	v19 =	vmul.u32 $0x3, v24;
	v25 =	vmul.u32 $0x3, v25;
	v23 =	vmul.u32 $0x3, v23  }
0x5d: {  	v24 =	vmul.u32 $0x3, v28;
	v29 =	vmul.u32 $0x3, v29;
	v56 =	vmul.u32 $0x3, v30  }
0x5e: {  	v62 =	vmul.u32 $0x3, v33;
	v16 =	vmul.u32 $0x3, v46;
	v46 =	vshll.u32 v1, v18;
	v18 =	vld [tilespmem:$0x1FDE0]  }
0x5f: {  	v43 =	vld [tilespmem:s17+$0x1C0];
	v63 =	vmul.u32 $0x3, v34;
	v34 =	vmul.u32 $0x3, v39;
	v39 =	vmul.u32 $0x3, v40  }
0x60: {  	v3 =	vmul.u32 $0x3, v38;
	v40 =	vmul.u32 $0x3, v47;
	v17 =	vmul.u32 $0x3, v48  }
0x61: {  	v51 =	vld [tilespmem:s17+$0x90];
	v50 =	vmul.u32 $0x3, v50;
	v4 =	vmul.u32 $0x3, v36;
	v5 =	vmul.u32 $0x3, v42  }
0x62: {  	v41 =	vld [tilespmem:s17+$0x110];
	v36 =	vshll.u32 v1, v52;
	v22 =	vshll.u32 v1, v22;
	v23 =	vshll.u32 v1, v23  }
0x63: {  	v49 =	vld [tilespmem:s17+$0x160];
	v19 =	vshll.u32 v1, v19;
	v42 =	vshll.u32 v1, v54;
	v18 =	vshll.u32 v1, v18  }
0x64: {  	v54 =	vshll.u32 v1, v55;
	v55 =	vshll.u32 v1, v63;
	v6 =	vmul.u32 $0x3, v43;
	[tilespmem:$0x1FDF0] =	vst v18;
	v18 =	vld [tilespmem:$0x1FE00]  }
0x65: {  	v30 =	vld [tilespmem:s17+$0x0];
	v43 =	vshll.u32 v1, v62;
	v4 =	vshll.u32 v1, v4;
	v5 =	vshll.u32 v1, v5  }
0x66: {  	v7 =	vmul.u32 $0x3, v51;
	v51 =	vshll.u32 v1, v53;
	v53 =	vshll.u32 v1, v61  }
0x67: {  	v38 =	vld [tilespmem:s17+$0x80];
	v61 =	vshll.u32 v1, v29;
	v29 =	vshll.u32 v1, v20;
	v47 =	vshll.u32 v1, v6  }
0x68: {  	v6 =	vshll.u32 v1, v50;
	v20 =	vshll.u32 v1, v17;
	v8 =	vmul.u32 $0x3, v41;
	v28 =	vld [tilespmem:$0x1FE50]  }
0x69: {  	v41 =	vshll.u32 v1, v60;
	v10 =	vmul.u32 $0x3, v49;
	v48 =	vshll.u32 v1, v18;
	v18 =	vld [tilespmem:$0x1FE10]  }
0x6a: {  	v60 =	vshll.u32 v1, v21;
	v21 =	vshll.u32 v1, v3;
	v13 =	vmul.u32 $0x3, v30  }
0x6b: {  	v45 =	vld [tilespmem:s17+$0x30];
	v30 =	vshll.u32 v1, v10;
	v10 =	vshll.u32 v1, v2;
	v2 =	vimm.s32 $0x0  }
0x6c: {  	v44 =	vld [tilespmem:s17+$0x1D0];
	v7 =	vshll.u32 v1, v7;
	v62 =	vshll.u32 v1, v8;
	[tilespmem:$0x1FE90] =	vst v2;
	v2 =	vimm.s32 $0x0  }
0x6d: {  	v12 =	vmul.u32 $0x3, v38;
	[tilespmem:$0x1FEA0] =	vst v2;
	v2 =	vimm.s32 $0x0;
	v52 =	vshll.u32 v1, v28;
	v28 =	vld [tilespmem:$0x1FE60]  }
0x6e: {  	v8 =	vshll.u32 v1, v40;
	[tilespmem:$0x1FEB0] =	vst v2;
	v2 =	vimm.s32 $0x0;
	v33 =	vshll.u32 v1, v18;
	v18 =	vld [tilespmem:$0x1FE20]  }
0x6f: {  	v9 =	vshll.u32 v1, v9;
	v17 =	vshll.u32 v1, v12;
	[tilespmem:$0x1FEC0] =	vst v2;
	v2 =	vimm.s32 $0x0  }
0x70: {  	v12 =	vadd.s32 v20, v30;
	v50 =	vshll.u32 v1, v13;
	v15 =	vmul.u32 $0x3, v45;
	[tilespmem:$0x1FED0] =	vst v2  }
0x71: {  	v13 =	vadd.s32 v22, v23;
	v23 =	vimm.s32 $0x0;
	v2 =	vimm.s32 $0x0;
	[tilespmem:$0x1FE70] =	vst v0  }
0x72: {  	v3 =	vshll.u32 v1, v15;
	v15 =	vshll.u32 v1, v14;
	v49 =	vshll.u32 v1, v28;
	v28 =	vld [tilespmem:$0x1FE70]  }
0x73: {  	[tilespmem:$0x1FEE0] =	vst v2;
	v2 =	vimm.s32 $0x0;
	v0 =	vmul.u32 $0x3, v44;
	v18 =	vshll.u32 v1, v18  }
0x74: {  	v63 =	vshll.u32 v1, v16;
	v16 =	vshll.u32 v1, v11;
	v44 =	vshll.u32 v1, v25;
	[tilespmem:$0x1FE30] =	vst v18;
	v18 =	vld [tilespmem:$0x1FE40]  }
0x75: {  	v25 =	vshll.u32 v1, v57;
	v57 =	vshll.u32 v1, v39;
	v0 =	vshll.u32 v1, v0  }
0x76: {  	v11 =	vadd.s32 v47, v0;
	v0 =	vadd.s32 v29, v21;
	v21 =	vimm.s32 $0x0  }
0x77: {  	v45 =	vshll.u32 v1, v28;
	v28 =	vshll.u32 v1, v59;
	v59 =	vshll.u32 v1, v58  }
0x78: {  	[tilespmem:$0x1FE80] =	vst v19;
	v58 =	vshll.u32 v1, v24;
	v24 =	vshll.u32 v1, v56;
	v56 =	vshll.u32 v1, v34  }
0x79: {  	s17 =	simm.s32 $0xE00;
	[tilespmem:$0x1FEF0] =	vst v2;
	v14 =	vadd.s32 v24, v25;
	v24 =	vimm.s32 $0x0;
	v18 =	vshll.u32 v1, v18  }
.LBB2_2:
0x7a: {  	s18 =	sshra.s32 s17, $0x2  }
0x7b: {  	v20 =	vld [tilespmem:s18+$0x370]  }
0x7c: {  	v13 =	vadd.s32 v49, v13;
	v49 =	vld [tilespmem:s18+$0x300]  }
0x7d: {  	v2 =	vadd.s32 v50, v15;
	v50 =	vld [tilespmem:s18+$0x360]  }
0x7e: {  	v9 =	vadd.s32 v9, v10;
	v10 =	vadd.s32 v59, v14;
	v59 =	vld [tilespmem:s18+$0x290]  }
0x7f: {  	v0 =	vadd.s32 v61, v0;
	v61 =	vld [tilespmem:s18+$0x2F0]  }
0x80: {  	v22 =	vld [tilespmem:s18+$0x220]  }
0x81: {  	v25 =	vld [tilespmem:s18+$0x280]  }
0x82: {  	v5 =	vadd.s32 v5, v12;
	v12 =	vld [tilespmem:s18+$0x2E0]  }
0x83: {  	v8 =	vadd.s32 v8, v9;
	v9 =	vadd.s32 v52, v10;
	v10 =	vld [tilespmem:$0x1FDF0]  }
0x84: {  	v34 =	vld [tilespmem:s18+$0x340]  }
0x85: {  	v30 =	vld [tilespmem:s18+$0x2D0]  }
0x86: {  	v15 =	vadd.s32 v16, v17;
	v4 =	vadd.s32 v4, v11;
	v2 =	vadd.s32 v6, v2;
	v19 =	vld [tilespmem:s18+$0x2C0]  }
0x87: {  	v6 =	vadd.s32 v7, v15;
	v7 =	vadd.s32 v51, v13;
	v4 =	vadd.s32 v58, v4;
	v13 =	vld [tilespmem:s18+$0x310]  }
0x88: {  	v0 =	vadd.s32 v53, v0;
	v5 =	vadd.s32 v60, v5;
	v14 =	vld [tilespmem:s18+$0xD0];
	v2 =	vadd.s32 v3, v2  }
0x89: {  	v15 =	vld [tilespmem:s18+$0x250];
	v3 =	vadd.s32 v62, v8;
	v6 =	vadd.s32 v63, v6;
	v8 =	vadd.s32 v48, v9  }
0x8a: {  	v16 =	vld [tilespmem:s18+$0x2B0];
	v7 =	vadd.s32 v46, v7;
	v5 =	vadd.s32 v54, v5;
	v4 =	vadd.s32 v28, v4  }
0x8b: {  	v40 =	vld [tilespmem:s18+$0x50];
	v0 =	vadd.s32 v18, v0;
	v2 =	vadd.s32 v56, v2;
	v6 =	vadd.s32 v57, v6  }
0x8c: {  	v62 =	vld [tilespmem:s18+$0x350];
	v3 =	vadd.s32 v55, v3;
	v8 =	vadd.s32 v37, v8;
	v7 =	vadd.s32 v35, v7  }
0x8d: {  	v63 =	vld [tilespmem:s18+$0x1B0];
	v5 =	vadd.s32 v45, v5;
	v3 =	vadd.s32 v42, v3;
	v2 =	vadd.s32 v41, v2  }
0x8e: {  	v9 =	vld [tilespmem:$0x1FE80];
	v6 =	vadd.s32 v43, v6;
	v7 =	vadd.s32 v26, v7;
	v8 =	vadd.s32 v31, v8  }
0x8f: {  	v37 =	vld [tilespmem:s18+$0x260];
	v5 =	vadd.s32 v33, v5;
	v6 =	vadd.s32 v44, v6;
	v3 =	vadd.s32 v36, v3  }
0x90: {  	v0 =	vadd.s32 v10, v0;
	v10 =	vld [tilespmem:$0x1FE30];
	v11 =	vshrl.u32 v3, $0x3;
	v3 =	vand.u32 $0x71C71C7, v3  }
0x91: {  	v36 =	vld [tilespmem:s18+$0x200];
	v51 =	vmul.u32 $0x3, v59;
	v52 =	vmul.u32 $0x3, v12;
	v59 =	vmul.u32 $0x3, v34  }
0x92: {  	v18 =	vld [tilespmem:$0x1FE90];
	v43 =	vmul.u32 $0x3, v19;
	v42 =	vmul.u32 $0x3, v13;
	v47 =	vmul.u32 $0x3, v14  }
0x93: {  	v46 =	vld [tilespmem:s18+$0x1C0];
	v14 =	vmul.u32 $0x3, v16;
	v0 =	vadd.s32 v27, v0;
	v2 =	vadd.s32 v9, v2  }
0x94: {  	v54 =	vld [tilespmem:s18+$0x30];
	v9 =	vshrl.u32 v2, $0x3;
	v2 =	vand.u32 $0x71C71C7, v2;
	v12 =	vmul.u32 $0x3, v37  }
0x95: {  	v45 =	vld [tilespmem:s18+$0x170];
	v9 =	vand.u32 $0x71C71C7, v9;
	v4 =	vadd.s32 v10, v4;
	v10 =	vshrl.u32 v6, $0x3  }
0x96: {  	v55 =	vld [tilespmem:s18+$0xA0];
	v58 =	vmul.u32 $0x3, v36;
	v6 =	vand.u32 $0x71C71C7, v6;
	v10 =	vand.u32 $0x71C71C7, v10  }
0x97: {  	v56 =	vld [tilespmem:s18+$0x100];
	v4 =	vadd.s32 v32, v4;
	v2 =	vadd.s32 v2, v6;
	v9 =	vadd.s32 v9, v10  }
0x98: {  	v35 =	vld [tilespmem:s18+$0x10];
	v10 =	vand.u32 $0x71C71C7, v11;
	v11 =	vshrl.u32 v5, $0x3;
	v5 =	vand.u32 $0x71C71C7, v5  }
0x99: {  	v26 =	vld [tilespmem:s18+$0x210];
	v2 =	vadd.s32 v3, v2;
	v3 =	vand.u32 $0x71C71C7, v4;
	v9 =	vadd.s32 v10, v9  }
0x9a: {  	v31 =	vld [tilespmem:s18+$0x330];
	v10 =	vand.u32 $0x71C71C7, v11;
	v11 =	vshrl.u32 v4, $0x3;
	v2 =	vadd.s32 v5, v2  }
0x9b: {  	v33 =	vld [tilespmem:s18+$0x1A0];
	v9 =	vadd.s32 v10, v9;
	v10 =	vand.u32 $0x71C71C7, v11;
	v11 =	vshrl.u32 v0, $0x3  }
0x9c: {  	v44 =	vld [tilespmem:s18+$0xC0];
	v0 =	vand.u32 $0x71C71C7, v0;
	v2 =	vadd.s32 v3, v2;
	v3 =	vand.u32 $0x71C71C7, v8  }
0x9d: {  	v36 =	vld [tilespmem:s18+$0x70];
	v9 =	vadd.s32 v10, v9;
	v10 =	vand.u32 $0x71C71C7, v11;
	v11 =	vshrl.u32 v8, $0x3  }
0x9e: {  	v34 =	vld [tilespmem:s18+$0x0];
	v9 =	vadd.s32 v10, v9;
	v10 =	vand.u32 $0x71C71C7, v11;
	v11 =	vshrl.u32 v7, $0x3  }
0x9f: {  	v27 =	vld [tilespmem:s18+$0x270];
	v0 =	vadd.s32 v0, v2;
	v9 =	vadd.s32 v10, v9;
	v10 =	vand.u32 $0x71C71C7, v11  }
0xa0: {  	v37 =	vld [tilespmem:s18+$0x80];
	v5 =	vand.u32 $0x71C71C7, v7;
	v0 =	vadd.s32 v3, v0;
	v9 =	vadd.s32 v10, v9  }
0xa1: {  	v28 =	vmul.u32 $0x3, v31;
	v31 =	vld [tilespmem:s18+$0x90];
	v0 =	vadd.s32 v5, v0;
	v5 =	vand.u32 $0x3F, v9  }
0xa2: {  	v47 =	vshll.u32 v1, v47;
	v16 =	vmul.u32 $0x3, v36;
	v24 =	vadd.s32 v24, v5;
	v5 =	vld [tilespmem:$0x1FEA0]  }
0xa3: {  	v14 =	vshll.u32 v1, v14;
	v53 =	vmul.u32 $0x3, v33;
	v33 =	vld [tilespmem:s18+$0xF0];
	v34 =	vmul.u32 $0x3, v34  }
0xa4: {  	v32 =	vld [tilespmem:s18+$0x140];
	v16 =	vshll.u32 v1, v16;
	v17 =	vshrl.u32 v0, $0x6;
	v38 =	vshrl.u32 v0, $0xC  }
0xa5: {  	v7 =	vld [tilespmem:s18+$0x2A0];
	v39 =	vshrl.u32 v0, $0x12;
	v48 =	vand.u32 $0x3F, v0;
	v0 =	vshrl.u32 v0, $0x18  }
0xa6: {  	v11 =	vld [tilespmem:s18+$0x320];
	v6 =	vshrl.u32 v9, $0x12;
	v2 =	vshrl.u32 v9, $0x6;
	v17 =	vand.u32 $0x3F, v17  }
0xa7: {  	v10 =	vld [tilespmem:s18+$0x60];
	v8 =	vshrl.u32 v9, $0xC;
	v9 =	vshrl.u32 v9, $0x18;
	v5 =	vadd.s32 v5, v17  }
0xa8: {  	v38 =	vand.u32 $0x3F, v38;
	v39 =	vand.u32 $0x3F, v39;
	v4 =	vand.u32 $0x3F, v6;
	[tilespmem:$0x1FEA0] =	vst v5;
	v5 =	vld [tilespmem:$0x1FEB0]  }
0xa9: {  	v6 =	vld [tilespmem:s18+$0x130];
	v2 =	vand.u32 $0x3F, v2;
	v3 =	vand.u32 $0x3F, v8;
	v21 =	vadd.s32 v21, v4  }
0xaa: {  	v8 =	vmul.u32 $0x3, v49;
	v49 =	vmul.u32 $0x3, v22;
	v4 =	vld [tilespmem:s18+$0x190];
	v18 =	vadd.s32 v18, v2;
	[tilespmem:$0x1FD60] =	vst v21  }
0xab: {  	v2 =	vld [tilespmem:s18+$0x120];
	v23 =	vadd.s32 v23, v3;
	v60 =	vmul.u32 $0x3, v7;
	v7 =	vmul.u32 $0x3, v31;
	[tilespmem:$0x1FE90] =	vst v18  }
0xac: {  	v3 =	vld [tilespmem:s18+$0x180];
	[tilespmem:$0x1FCE0] =	vst v8;
	v8 =	vmul.u32 $0x3, v50;
	v50 =	vmul.u32 $0x3, v20;
	v18 =	vmul.u32 $0x3, v27  }
0xad: {  	[tilespmem:$0x1FD50] =	vst v23;
	v27 =	vld [tilespmem:s18+$0x160];
	v11 =	vmul.u32 $0x3, v11;
	v23 =	vmul.u32 $0x3, v45;
	v5 =	vadd.s32 v5, v38  }
0xae: {  	v45 =	vshll.u32 v1, v53;
	v53 =	vshll.u32 v1, v12;
	v12 =	vshll.u32 v1, v42;
	[tilespmem:$0x1FEB0] =	vst v5;
	v5 =	vld [tilespmem:$0x1FEC0]  }
0xaf: {  	v21 =	vld [tilespmem:s18+$0x1F0];
	v57 =	vmul.u32 $0x3, v10;
	v10 =	vmul.u32 $0x3, v33;
	[tilespmem:$0x1FCF0] =	vst v8;
	v8 =	vmul.u32 $0x3, v61  }
0xb0: {  	v31 =	vld [tilespmem:$0x1FCE0];
	v7 =	vshll.u32 v1, v7;
	v61 =	vmul.u32 $0x3, v30;
	v18 =	vshll.u32 v1, v18  }
0xb1: {  	v30 =	vld [tilespmem:s18+$0x20];
	v11 =	vshll.u32 v1, v11;
	v13 =	vmul.u32 $0x3, v6;
	[tilespmem:$0x1FD00] =	vst v8;
	v8 =	vmul.u32 $0x3, v62  }
0xb2: {  	v17 =	vld [tilespmem:s18+$0x40];
	v10 =	vshll.u32 v1, v10;
	v41 =	vmul.u32 $0x3, v4;
	v4 =	vmul.u32 $0x3, v15  }
0xb3: {  	v19 =	vmul.u32 $0x3, v27;
	v27 =	vshll.u32 v1, v51;
	v51 =	vld [tilespmem:$0x1FD00];
	[tilespmem:$0x1FD10] =	vst v8;
	v5 =	vadd.s32 v5, v39  }
0xb4: {  	v2 =	vmul.u32 $0x3, v2;
	v3 =	vmul.u32 $0x3, v3;
	v8 =	vmul.u32 $0x3, v25;
	[tilespmem:$0x1FEC0] =	vst v5;
	v5 =	vld [tilespmem:$0x1FED0]  }
0xb5: {  	v15 =	vmul.u32 $0x3, v35;
	v20 =	vmul.u32 $0x3, v21;
	v25 =	vmul.u32 $0x3, v54;
	v54 =	vld [tilespmem:$0x1FD10]  }
0xb6: {  	v21 =	vmul.u32 $0x3, v40;
	[tilespmem:$0x1FD20] =	vst v8;
	v8 =	vmul.u32 $0x3, v63;
	v63 =	vmul.u32 $0x3, v32;
	v32 =	vld [tilespmem:s18+$0xE0]  }
0xb7: {  	v40 =	vmul.u32 $0x3, v56;
	v42 =	vshll.u32 v1, v13;
	v13 =	vshll.u32 v1, v60;
	v38 =	vld [tilespmem:s18+$0xB0]  }
0xb8: {  	v31 =	vshll.u32 v1, v31;
	v60 =	vshll.u32 v1, v3;
	[tilespmem:$0x1FD30] =	vst v8;
	v8 =	vmul.u32 $0x3, v26;
	v26 =	vld [tilespmem:s18+$0x150]  }
0xb9: {  	v15 =	vshll.u32 v1, v15;
	v14 =	vadd.s32 v13, v14;
	v5 =	vadd.s32 v5, v9;
	v9 =	vld [tilespmem:$0x1FEE0]  }
0xba: {  	v13 =	vadd.s32 v12, v11;
	v30 =	vmul.u32 $0x3, v30;
	v6 =	vmul.u32 $0x3, v17;
	v56 =	vld [tilespmem:$0x1FD30];
	[tilespmem:$0x1FD40] =	vst v8  }
0xbb: {  	v17 =	vmul.u32 $0x3, v37;
	v37 =	vshll.u32 v1, v51;
	v51 =	vshll.u32 v1, v59;
	v59 =	vld [tilespmem:$0x1FD40]  }
0xbc: {  	v3 =	vshll.u32 v1, v25;
	v62 =	vmul.u32 $0x3, v38;
	v38 =	vmul.u32 $0x3, v55;
	v55 =	vld [tilespmem:$0x1FD20]  }
0xbd: {  	v17 =	vshll.u32 v1, v17;
	v8 =	vmul.u32 $0x3, v44;
	v44 =	vmovc v24;
	v24 =	vmul.u32 $0x3, v46;
	v39 =	vld [tilespmem:s18+$0x110]  }
0xbe: {  	v29 =	vmul.u32 $0x3, v26;
	v26 =	vshll.u32 v1, v50;
	v50 =	vld [tilespmem:$0x1FCF0];
	v9 =	vadd.s32 v9, v48  }
0xbf: {  	v46 =	vshll.u32 v1, v54;
	v54 =	vshll.u32 v1, v41;
	v41 =	vshll.u32 v1, v21;
	[tilespmem:$0x1FEE0] =	vst v9;
	v9 =	vld [tilespmem:$0x1FEF0]  }
0xc0: {  	v32 =	vmul.u32 $0x3, v32;
	v36 =	vshll.u32 v1, v59;
	v59 =	vshll.u32 v1, v43  }
0xc1: {  	v43 =	vshll.u32 v1, v8;
	v8 =	vshll.u32 v1, v40;
	v33 =	vshll.u32 v1, v55;
	[tilespmem:$0x1FE30] =	vst v36  }
0xc2: {  	v36 =	vshll.u32 v1, v63;
	v63 =	vshll.u32 v1, v57;
	v55 =	vshll.u32 v1, v2;
	[tilespmem:$0x1FED0] =	vst v5;
	v5 =	vld [tilespmem:s18+$0x1E0]  }
0xc3: {  	v57 =	vshll.u32 v1, v62;
	v22 =	vmul.u32 $0x3, v39;
	v35 =	vshll.u32 v1, v50;
	v48 =	vld [tilespmem:s18+$0x1D0]  }
0xc4: {  	v50 =	vshll.u32 v1, v49;
	[tilespmem:$0x1FDF0] =	vst v33;
	v33 =	vshll.u32 v1, v56;
	v9 =	vadd.s32 v9, v0;
	v0 =	vld [tilespmem:s18+$0x230]  }
0xc5: {  	v49 =	vshll.u32 v1, v28;
	v28 =	vshll.u32 v1, v58;
	v58 =	vshll.u32 v1, v20;
	[tilespmem:$0x1FEF0] =	vst v9;
	v9 =	vld [tilespmem:s18+$0x240]  }
0xc6: {  	[tilespmem:$0x1FE80] =	vst v63;
	v56 =	vshll.u32 v1, v6;
	v20 =	vshll.u32 v1, v24;
	v63 =	vshll.u32 v1, v38  }
0xc7: {  	v62 =	vshll.u32 v1, v22;
	v22 =	vshll.u32 v1, v29;
	v5 =	vmul.u32 $0x3, v5  }
0xc8: {  	p0 =	sne.s32 s17, $0xEE00;
	v39 =	vmul.u32 $0x3, v48;
	v48 =	vshll.u32 v1, v52;
	v52 =	vshll.u32 v1, v61  }
.Ltmp0:
0xc9: {  	v61 =	vshll.u32 v1, v4;
	v4 =	vshll.u32 v1, v5;
	v5 =	vshll.u32 v1, v23;
	(pc) =	sbr.rel @p0 .LBB2_2-.Ltmp0, $4  }
0xca: {  	v23 =	vshll.u32 v1, v19;
	v0 =	vmul.u32 $0x3, v0;
	v9 =	vmul.u32 $0x3, v9  }
0xcb: {  	v24 =	vmovc v44;
	v6 =	vshll.u32 v1, v30;
	v12 =	vadd.s32 v22, v23;
	v21 =	vshll.u32 v1, v39  }
0xcc: {  	v44 =	vmovc v47;
	v23 =	vld [tilespmem:$0x1FD50];
	v11 =	vadd.s32 v20, v21;
	v0 =	vshll.u32 v1, v0;
	v2 =	vshll.u32 v1, v9  }
0xcd: {  	s17 =	sadd.s32 $0xE00, s17;
	v21 =	vld [tilespmem:$0x1FD60];
	v9 =	vshll.u32 v1, v32;
	v32 =	vmovc v50;
	v50 =	vshll.u32 v1, v34;
	v0 =	vadd.s32 v0, v2  }
0xce: {  	_ =	swait.ge [sflag:s12], $0x4100  }
0xcf: {  	v5 =	vadd.s32 v5, v12;
	v12 =	vld [tilespmem:$0x1FDF0]  }
0xd0: {  	v15 =	vadd.s32 v50, v15  }
0xd1: {  	v16 =	vadd.s32 v16, v17;
	v9 =	vadd.s32 v9, v10;
	v0 =	vadd.s32 v61, v0  }
0xd2: {  	v10 =	vadd.s32 v59, v14;
	v13 =	vadd.s32 v49, v13;
	v0 =	vadd.s32 v53, v0  }
0xd3: {  	v4 =	vadd.s32 v4, v11;
	v8 =	vadd.s32 v8, v9;
	v0 =	vadd.s32 v18, v0  }
0xd4: {  	v6 =	vadd.s32 v6, v15;
	v7 =	vadd.s32 v7, v16;
	v0 =	vadd.s32 v12, v0;
	v12 =	vld [tilespmem:$0x1FE30]  }
0xd5: {  	v9 =	vadd.s32 v51, v13;
	v4 =	vadd.s32 v58, v4;
	v10 =	vadd.s32 v52, v10  }
0xd6: {  	v5 =	vadd.s32 v60, v5;
	v3 =	vadd.s32 v3, v6;
	v6 =	vadd.s32 v62, v8  }
0xd7: {  	v7 =	vadd.s32 v63, v7;
	v8 =	vadd.s32 v48, v10;
	v9 =	vadd.s32 v46, v9  }
0xd8: {  	v5 =	vadd.s32 v54, v5;
	v4 =	vadd.s32 v28, v4;
	v3 =	vadd.s32 v56, v3  }
0xd9: {  	v7 =	vadd.s32 v57, v7;
	v6 =	vadd.s32 v55, v6;
	v4 =	vadd.s32 v12, v4;
	v12 =	vld [tilespmem:$0x1FE80]  }
0xda: {  	v8 =	vadd.s32 v37, v8;
	v9 =	vadd.s32 v35, v9;
	v5 =	vadd.s32 v45, v5  }
0xdb: {  	v6 =	vadd.s32 v42, v6;
	v3 =	vadd.s32 v41, v3;
	v7 =	vadd.s32 v43, v7  }
0xdc: {  	v8 =	vadd.s32 v31, v8;
	v5 =	vadd.s32 v33, v5;
	v7 =	vadd.s32 v44, v7  }
0xdd: {  	v9 =	vadd.s32 v26, v9;
	v6 =	vadd.s32 v36, v6;
	v19 =	vshrl.u32 v7, $0x3  }
0xde: {  	v20 =	vshrl.u32 v6, $0x3;
	v7 =	vand.u32 $0x71C71C7, v7;
	v3 =	vadd.s32 v12, v3  }
0xdf: {  	v6 =	vand.u32 $0x71C71C7, v6;
	v0 =	vadd.s32 v27, v0;
	v18 =	vshrl.u32 v3, $0x3  }
0xe0: {  	v19 =	vand.u32 $0x71C71C7, v19;
	v3 =	vand.u32 $0x71C71C7, v3;
	v18 =	vand.u32 $0x71C71C7, v18  }
0xe1: {  	v4 =	vadd.s32 v32, v4;
	v3 =	vadd.s32 v3, v7;
	v18 =	vadd.s32 v18, v19  }
0xe2: {  	v19 =	vand.u32 $0x71C71C7, v20;
	v20 =	vshrl.u32 v5, $0x3;
	v5 =	vand.u32 $0x71C71C7, v5  }
0xe3: {  	v3 =	vadd.s32 v6, v3;
	v18 =	vadd.s32 v19, v18;
	v19 =	vand.u32 $0x71C71C7, v20  }
0xe4: {  	v20 =	vshrl.u32 v4, $0x3;
	v4 =	vand.u32 $0x71C71C7, v4;
	v3 =	vadd.s32 v5, v3  }
0xe5: {  	v18 =	vadd.s32 v19, v18;
	v19 =	vand.u32 $0x71C71C7, v20;
	v20 =	vshrl.u32 v0, $0x3  }
0xe6: {  	v0 =	vand.u32 $0x71C71C7, v0;
	v3 =	vadd.s32 v4, v3;
	v4 =	vand.u32 $0x71C71C7, v8  }
0xe7: {  	v18 =	vadd.s32 v19, v18;
	v19 =	vand.u32 $0x71C71C7, v20;
	v20 =	vshrl.u32 v8, $0x3  }
0xe8: {  	v18 =	vadd.s32 v19, v18;
	v19 =	vand.u32 $0x71C71C7, v20;
	v20 =	vshrl.u32 v9, $0x3  }
0xe9: {  	v0 =	vadd.s32 v0, v3;
	v18 =	vadd.s32 v19, v18;
	v19 =	vand.u32 $0x71C71C7, v20  }
0xea: {  	v9 =	vand.u32 $0x71C71C7, v9;
	v0 =	vadd.s32 v4, v0;
	v18 =	vadd.s32 v19, v18  }
0xeb: {  	v0 =	vadd.s32 v9, v0;
	v9 =	vand.u32 $0x3F, v18  }
0xec: {  	v27 =	vadd.s32 v24, v9;
	v9 =	vld [tilespmem:$0x1FEA0];
	_ =	sdelay $0x2  }
0xed: {  	v20 =	vshrl.u32 v0, $0x6  }
0xee: {  	v20 =	vand.u32 $0x3F, v20  }
0xef: {  	v24 =	vadd.s32 v9, v20;
	v9 =	vld [tilespmem:$0x1FEB0]  }
0xf0: {  	[sflag:s12] =	ssyncset.done $0x0;
	v19 =	vshrl.u32 v18, $0x12  }
0xf1: {  	s17 =	simm.s32 $0x0;
	[sflag:s12] =	ssyncadd.s32 $0xFFFFBF00;
	v19 =	vand.u32 $0x3F, v19  }
0xf2: {  	v2 =	vld [tilespmem:s17+$0x4270];
	v25 =	vadd.s32 v21, v19;
	v21 =	vshrl.u32 v0, $0xC  }
0xf3: {  	v61 =	vld [tilespmem:s17+$0x41F0];
	v21 =	vand.u32 $0x3F, v21  }
0xf4: {  	v51 =	vld [tilespmem:s17+$0x4250];
	v9 =	vadd.s32 v9, v21  }
0xf5: {  	[tilespmem:$0x1FBD0] =	vst v9;
	v9 =	vld [tilespmem:$0x1FEC0]  }
0xf6: {  	v53 =	vld [tilespmem:s17+$0x4180]  }
0xf7: {  	v10 =	vld [tilespmem:s17+$0x41E0]  }
0xf8: {  	v13 =	vld [tilespmem:s17+$0x40B0];
	v22 =	vshrl.u32 v0, $0x12  }
0xf9: {  	v14 =	vld [tilespmem:s17+$0x4110];
	v48 =	vand.u32 $0x3F, v22  }
0xfa: {  	v62 =	vld [tilespmem:s17+$0x41D0];
	v22 =	vmul.u32 $0x3, v2;
	v2 =	vmul.u32 $0x3, v51;
	v9 =	vadd.s32 v9, v48  }
0xfb: {  	[tilespmem:$0x1FBE0] =	vst v9;
	v9 =	vld [tilespmem:$0x1FED0]  }
0xfc: {  	v15 =	vld [tilespmem:s17+$0x4230];
	[tilespmem:$0x1FC20] =	vst v2;
	v2 =	vmul.u32 $0x3, v53  }
0xfd: {  	v28 =	vld [tilespmem:s17+$0x4040]  }
0xfe: {  	v29 =	vld [tilespmem:s17+$0x40A0];
	[tilespmem:$0x1FC30] =	vst v2;
	v2 =	vmul.u32 $0x3, v10  }
0xff: {  	v30 =	vld [tilespmem:s17+$0x4100];
	v3 =	vshrl.u32 v18, $0x6;
	v19 =	vshrl.u32 v18, $0xC;
	v18 =	vshrl.u32 v18, $0x18  }
0x100: {  	v37 =	vld [tilespmem:s17+$0x41A0];
	[tilespmem:$0x1FC40] =	vst v2;
	v2 =	vmul.u32 $0x3, v13;
	v9 =	vadd.s32 v9, v18  }
0x101: {  	[tilespmem:$0x1FBF0] =	vst v9;
	v9 =	vld [tilespmem:$0x1FEE0]  }
0x102: {  	v38 =	vld [tilespmem:s17+$0x3F50];
	[tilespmem:$0x1FC50] =	vst v2;
	v2 =	vmul.u32 $0x3, v14  }
0x103: {  	v57 =	vld [tilespmem:s17+$0x40C0]  }
0x104: {  	v59 =	vld [tilespmem:s17+$0x40D0];
	[tilespmem:$0x1FC60] =	vst v2;
	v2 =	vmul.u32 $0x3, v62  }
0x105: {  	v41 =	vld [tilespmem:s17+$0x4130];
	v56 =	vand.u32 $0x3F, v0  }
0x106: {  	v12 =	vld [tilespmem:$0x1FE90];
	[tilespmem:$0x1FC70] =	vst v2;
	v9 =	vadd.s32 v9, v56  }
0x107: {  	v2 =	vmul.u32 $0x3, v15;
	[tilespmem:$0x1FC00] =	vst v9;
	v9 =	vld [tilespmem:$0x1FEF0]  }
0x108: {  	v7 =	vld [tilespmem:s17+$0x4030]  }
0x109: {  	v4 =	vld [tilespmem:s17+$0x41B0];
	[tilespmem:$0x1FC80] =	vst v2;
	v2 =	vmul.u32 $0x3, v29  }
0x10a: {  	v18 =	vmul.u32 $0x3, v28;
	v28 =	vld [tilespmem:s17+$0x4050]  }
0x10b: {  	v3 =	vand.u32 $0x3F, v3;
	v0 =	vshrl.u32 v0, $0x18;
	[tilespmem:$0x1FC90] =	vst v2;
	v2 =	vmul.u32 $0x3, v30;
	v30 =	vld [tilespmem:s17+$0x4060]  }
0x10c: {  	v26 =	vadd.s32 v12, v3;
	v3 =	vld [tilespmem:s17+$0x4080];
	v0 =	vadd.s32 v9, v0  }
0x10d: {  	v54 =	vmul.u32 $0x3, v7;
	v7 =	vmul.u32 $0x3, v37;
	[tilespmem:$0x1FC10] =	vst v0;
	v0 =	vld [tilespmem:s17+$0x4140]  }
0x10e: {  	v33 =	vmul.u32 $0x3, v61;
	v61 =	vmul.u32 $0x3, v59;
	v4 =	vmul.u32 $0x3, v4  }
0x10f: {  	v7 =	vshll.u32 v1, v7;
	v51 =	vmul.u32 $0x3, v38;
	v28 =	vmul.u32 $0x3, v28  }
0x110: {  	v38 =	vmul.u32 $0x3, v57;
	v4 =	vshll.u32 v1, v4;
	v30 =	vmul.u32 $0x3, v30  }
0x111: {  	v42 =	vadd.s32 v7, v4;
	v57 =	vmul.u32 $0x3, v3;
	v7 =	vshll.u32 v1, v28  }
0x112: {  	v47 =	vld [tilespmem:s17+$0x4260];
	v28 =	vshll.u32 v1, v30;
	v30 =	vmul.u32 $0x3, v41;
	v0 =	vmul.u32 $0x3, v0  }
0x113: {  	v49 =	vld [tilespmem:s17+$0x4190];
	v3 =	vshll.u32 v1, v38;
	v59 =	vadd.s32 v7, v28;
	v7 =	vshll.u32 v1, v61  }
0x114: {  	v11 =	vld [tilespmem:s17+$0x4240];
	v61 =	vadd.s32 v3, v7;
	v7 =	vshll.u32 v1, v30;
	v0 =	vshll.u32 v1, v0  }
0x115: {  	v7 =	vadd.s32 v7, v0;
	v0 =	vld [tilespmem:s17+$0x3F80]  }
0x116: {  	v58 =	vld [tilespmem:s17+$0x4210]  }
0x117: {  	v34 =	vld [tilespmem:s17+$0x4220]  }
0x118: {  	v46 =	vld [tilespmem:s17+$0x3FB0]  }
0x119: {  	v31 =	vld [tilespmem:s17+$0x4160]  }
0x11a: {  	v21 =	vmul.u32 $0x3, v0;
	v0 =	vld [tilespmem:$0x1FC20]  }
0x11b: {  	v35 =	vld [tilespmem:s17+$0x3F60]  }
0x11c: {  	v36 =	vld [tilespmem:s17+$0x3FD0]  }
0x11d: {  	v6 =	vld [tilespmem:s17+$0x4090]  }
0x11e: {  	v20 =	vmul.u32 $0x3, v47;
	v47 =	vmul.u32 $0x3, v31;
	v31 =	vmul.u32 $0x3, v34;
	v34 =	vld [tilespmem:s17+$0x3FA0]  }
0x11f: {  	v16 =	vmul.u32 $0x3, v46;
	v29 =	vmul.u32 $0x3, v58;
	v46 =	vshll.u32 v1, v0;
	v0 =	vld [tilespmem:$0x1FC30]  }
0x120: {  	v8 =	vld [tilespmem:s17+$0x4150]  }
0x121: {  	v12 =	vld [tilespmem:s17+$0x40E0];
	v31 =	vshll.u32 v1, v31;
	v29 =	vshll.u32 v1, v29  }
0x122: {  	v58 =	vadd.s32 v29, v31;
	v29 =	vld [tilespmem:s17+$0x3F00]  }
0x123: {  	[tilespmem:$0x1FCA0] =	vst v2;
	v2 =	vmul.u32 $0x3, v35;
	v35 =	vld [tilespmem:s17+$0x4000]  }
0x124: {  	v44 =	vmul.u32 $0x3, v11;
	v11 =	vmul.u32 $0x3, v34;
	v34 =	vshll.u32 v1, v0;
	v0 =	vld [tilespmem:$0x1FC40]  }
0x125: {  	[tilespmem:$0x1FCB0] =	vst v2;
	v2 =	vmul.u32 $0x3, v36;
	_ =	sdelay $0x1  }
0x126: {  	v49 =	vmul.u32 $0x3, v49;
	[tilespmem:$0x1FCC0] =	vst v2;
	v2 =	vmul.u32 $0x3, v6;
	v6 =	vmul.u32 $0x3, v8  }
0x127: {  	v32 =	vld [tilespmem:s17+$0x3F30];
	v8 =	vmul.u32 $0x3, v12;
	v12 =	vmul.u32 $0x3, v35;
	v35 =	vmul.u32 $0x3, v29  }
0x128: {  	v29 =	vshll.u32 v1, v22;
	v22 =	vshll.u32 v1, v49;
	v49 =	vshll.u32 v1, v0;
	v0 =	vld [tilespmem:$0x1FC50];
	_ =	sdelay $0x2  }
0x129: {  	v50 =	vld [tilespmem:s17+$0x4200]  }
0x12a: {  	v28 =	vld [tilespmem:s17+$0x3F10]  }
0x12b: {  	v10 =	vmul.u32 $0x3, v32;
	v32 =	vshll.u32 v1, v0;
	v0 =	vld [tilespmem:$0x1FC60];
	_ =	sdelay $0x1  }
0x12c: {  	v52 =	vld [tilespmem:s17+$0x4120];
	v19 =	vand.u32 $0x3F, v19  }
0x12d: {  	v60 =	vld [tilespmem:s17+$0x4170];
	v23 =	vadd.s32 v23, v19;
	v19 =	vmul.u32 $0x3, v50  }
0x12e: {  	v38 =	vmul.u32 $0x3, v28  }
0x12f: {  	v28 =	vshll.u32 v1, v19;
	v19 =	vshll.u32 v1, v20;
	v20 =	vshll.u32 v1, v0;
	v0 =	vld [tilespmem:$0x1FC70];
	_ =	sdelay $0x2  }
0x130: {  	v45 =	vmul.u32 $0x3, v60;
	v48 =	vmul.u32 $0x3, v52;
	_ =	sdelay $0x1  }
0x131: {  	v31 =	vshll.u32 v1, v48;
	v48 =	vshll.u32 v1, v45;
	v45 =	vshll.u32 v1, v0;
	v0 =	vld [tilespmem:$0x1FC80];
	_ =	sdelay $0x4  }
0x132: {  	v41 =	vshll.u32 v1, v0;
	v0 =	vld [tilespmem:$0x1FC90]  }
0x133: {  	v40 =	vld [tilespmem:s17+$0x4020]  }
0x134: {  	v63 =	vld [tilespmem:s17+$0x41C0]  }
0x135: {  	v39 =	vld [tilespmem:s17+$0x3FC0]  }
0x136: {  	v43 =	vld [tilespmem:s17+$0x3F40]  }
0x137: {  	v30 =	vshll.u32 v1, v33;
	v33 =	vshll.u32 v1, v18;
	v18 =	vshll.u32 v1, v0;
	v0 =	vld [tilespmem:$0x1FCA0]  }
0x138: {  	v55 =	vmul.u32 $0x3, v40;
	v40 =	vld [tilespmem:s17+$0x3F90]  }
0x139: {  	v5 =	vld [tilespmem:s17+$0x40F0]  }
0x13a: {  	v37 =	vld [tilespmem:s17+$0x3FE0]  }
0x13b: {  	v36 =	vld [tilespmem:s17+$0x3F20]  }
0x13c: {  	v53 =	vshll.u32 v1, v0;
	v0 =	vld [tilespmem:$0x1FCB0]  }
0x13d: {  	v60 =	vmul.u32 $0x3, v63;
	v50 =	vld [tilespmem:s17+$0x4010]  }
0x13e: {  	v4 =	vld [tilespmem:s17+$0x3FF0]  }
0x13f: {  	v44 =	vshll.u32 v1, v44;
	v60 =	vshll.u32 v1, v60;
	v55 =	vshll.u32 v1, v55  }
0x140: {  	v63 =	vmul.u32 $0x3, v5;
	v51 =	vshll.u32 v1, v51;
	v14 =	vmul.u32 $0x3, v40;
	v52 =	vld [tilespmem:s17+$0x4070]  }
0x141: {  	v47 =	vshll.u32 v1, v47;
	v13 =	vmul.u32 $0x3, v36;
	v36 =	vshll.u32 v1, v0;
	v0 =	vld [tilespmem:$0x1FCC0]  }
0x142: {  	v5 =	vmul.u32 $0x3, v50;
	v50 =	vshll.u32 v1, v54;
	v62 =	vmul.u32 $0x3, v39  }
0x143: {  	v15 =	vmul.u32 $0x3, v37;
	[tilespmem:$0x1FCD0] =	vst v2;
	v2 =	vmul.u32 $0x3, v4;
	v56 =	vmul.u32 $0x3, v43;
	v3 =	vld [tilespmem:s17+$0x3F70]  }
0x144: {  	v6 =	vshll.u32 v1, v6;
	v4 =	vshll.u32 v1, v57;
	v8 =	vshll.u32 v1, v8  }
0x145: {  	v57 =	vshll.u32 v1, v16;
	v12 =	vshll.u32 v1, v12;
	v56 =	vshll.u32 v1, v56  }
0x146: {  	v9 =	vmul.u32 $0x3, v52;
	v52 =	vshll.u32 v1, v62;
	v37 =	vshll.u32 v1, v0;
	v0 =	vld [tilespmem:$0x1FCD0]  }
0x147: {  	v62 =	vshll.u32 v1, v5;
	v5 =	vshll.u32 v1, v11;
	v11 =	vshll.u32 v1, v14  }
0x148: {  	v14 =	vshll.u32 v1, v35;
	v17 =	vmul.u32 $0x3, v3;
	v3 =	vshll.u32 v1, v63  }
0x149: {  	v9 =	vshll.u32 v1, v9;
	v63 =	vshll.u32 v1, v10;
	v10 =	vshll.u32 v1, v13  }
0x14a: {  	v13 =	vshll.u32 v1, v2;
	v16 =	vshll.u32 v1, v17;
	v17 =	vshll.u32 v1, v21  }
0x14b: {  	s17 =	simm.s32 $0xE00;
	v54 =	vshll.u32 v1, v0;
	v0 =	vshll.u32 v1, v15;
	v15 =	vshll.u32 v1, v38  }
.LBB2_4:
0x14c: {  	v2 =	vadd.s32 v14, v15;
	v14 =	vadd.s32 v16, v17  }
0x14d: {  	v0 =	vadd.s32 v0, v13;
	v6 =	vadd.s32 v6, v7;
	v7 =	vadd.s32 v60, v42  }
0x14e: {  	v13 =	vadd.s32 v41, v58;
	v9 =	vadd.s32 v9, v59;
	v8 =	vadd.s32 v8, v61  }
0x14f: {  	v0 =	vadd.s32 v12, v0;
	v2 =	vadd.s32 v10, v2;
	v10 =	vadd.s32 v11, v14  }
0x150: {  	s18 =	sshra.s32 s17, $0x2;
	v11 =	vadd.s32 v44, v13;
	v3 =	vadd.s32 v3, v8;
	v6 =	vadd.s32 v47, v6  }
0x151: {  	v21 =	vld [tilespmem:s18+$0x4270];
	v7 =	vadd.s32 v45, v7;
	v4 =	vadd.s32 v4, v9;
	v2 =	vadd.s32 v63, v2  }
0x152: {  	v41 =	vld [tilespmem:s18+$0x4200];
	v0 =	vadd.s32 v62, v0;
	v5 =	vadd.s32 v5, v10;
	v7 =	vadd.s32 v49, v7  }
0x153: {  	v42 =	vld [tilespmem:s18+$0x4260];
	v8 =	vadd.s32 v46, v11;
	v4 =	vadd.s32 v54, v4;
	v3 =	vadd.s32 v53, v3  }
0x154: {  	v44 =	vld [tilespmem:s18+$0x4190];
	v6 =	vadd.s32 v48, v6;
	v2 =	vadd.s32 v56, v2;
	v5 =	vadd.s32 v57, v5  }
0x155: {  	v45 =	vld [tilespmem:s18+$0x41F0];
	v0 =	vadd.s32 v55, v0;
	v6 =	vadd.s32 v34, v6;
	v7 =	vadd.s32 v30, v7  }
0x156: {  	v58 =	vld [tilespmem:s18+$0x4120];
	v8 =	vadd.s32 v19, v8;
	v4 =	vadd.s32 v18, v4;
	v3 =	vadd.s32 v20, v3  }
0x157: {  	v59 =	vld [tilespmem:s18+$0x4180];
	v0 =	vadd.s32 v50, v0;
	v2 =	vadd.s32 v51, v2;
	v5 =	vadd.s32 v52, v5  }
0x158: {  	v60 =	vld [tilespmem:s18+$0x41E0];
	v8 =	vadd.s32 v29, v8;
	v3 =	vadd.s32 v31, v3;
	v6 =	vadd.s32 v22, v6  }
0x159: {  	v61 =	vld [tilespmem:s18+$0x4240];
	v7 =	vadd.s32 v28, v7;
	v4 =	vadd.s32 v32, v4;
	v2 =	vadd.s32 v36, v2  }
0x15a: {  	v35 =	vld [tilespmem:s18+$0x40B0];
	v5 =	vadd.s32 v37, v5;
	v0 =	vadd.s32 v33, v0;
	v9 =	vshrl.u32 v2, $0x3  }
0x15b: {  	v38 =	vld [tilespmem:s18+$0x4160];
	v10 =	vshrl.u32 v5, $0x3;
	v11 =	vshrl.u32 v0, $0x3;
	v2 =	vand.u32 $0x71C71C7, v2  }
0x15c: {  	v12 =	vld [tilespmem:s18+$0x41C0];
	v5 =	vand.u32 $0x71C71C7, v5;
	v9 =	vand.u32 $0x71C71C7, v9;
	v10 =	vand.u32 $0x71C71C7, v10  }
0x15d: {  	v13 =	vld [tilespmem:s18+$0x4210];
	v0 =	vand.u32 $0x71C71C7, v0;
	v2 =	vadd.s32 v2, v5;
	v9 =	vadd.s32 v9, v10  }
0x15e: {  	v14 =	vld [tilespmem:s18+$0x3FD0];
	v10 =	vand.u32 $0x71C71C7, v11;
	v11 =	vshrl.u32 v4, $0x3;
	v4 =	vand.u32 $0x71C71C7, v4  }
0x15f: {  	v15 =	vld [tilespmem:s18+$0x4150];
	v0 =	vadd.s32 v0, v2;
	v2 =	vand.u32 $0x71C71C7, v3;
	v9 =	vadd.s32 v10, v9  }
0x160: {  	v16 =	vld [tilespmem:s18+$0x41B0];
	v10 =	vand.u32 $0x71C71C7, v11;
	v11 =	vshrl.u32 v3, $0x3;
	v0 =	vadd.s32 v4, v0  }
0x161: {  	v43 =	vld [tilespmem:s18+$0x3F50];
	v4 =	vand.u32 $0x71C71C7, v6;
	v9 =	vadd.s32 v10, v9;
	v10 =	vand.u32 $0x71C71C7, v11  }
0x162: {  	v63 =	vld [tilespmem:s18+$0x4250];
	v11 =	vshrl.u32 v6, $0x3;
	v0 =	vadd.s32 v2, v0;
	v2 =	vand.u32 $0x71C71C7, v7  }
0x163: {  	v53 =	vld [tilespmem:s18+$0x40D0];
	v9 =	vadd.s32 v10, v9;
	v10 =	vand.u32 $0x71C71C7, v11;
	v11 =	vshrl.u32 v7, $0x3  }
0x164: {  	v54 =	vld [tilespmem:s18+$0x3F30];
	v9 =	vadd.s32 v10, v9;
	v10 =	vand.u32 $0x71C71C7, v11;
	v11 =	vshrl.u32 v8, $0x3  }
0x165: {  	v30 =	vld [tilespmem:s18+$0x4110];
	v0 =	vadd.s32 v4, v0;
	v9 =	vadd.s32 v10, v9;
	v10 =	vand.u32 $0x71C71C7, v11  }
0x166: {  	v55 =	vld [tilespmem:s18+$0x3FA0];
	v6 =	vand.u32 $0x71C71C7, v8;
	v0 =	vadd.s32 v2, v0;
	v9 =	vadd.s32 v10, v9  }
0x167: {  	v56 =	vld [tilespmem:s18+$0x4000];
	v0 =	vadd.s32 v6, v0;
	v6 =	vand.u32 $0x3F, v9  }
0x168: {  	v27 =	vadd.s32 v27, v6;
	v6 =	vld [tilespmem:$0x1FBD0]  }
0x169: {  	v34 =	vld [tilespmem:s18+$0x3F00]  }
0x16a: {  	v28 =	vld [tilespmem:s18+$0x4170]  }
0x16b: {  	v29 =	vld [tilespmem:s18+$0x41D0];
	v39 =	vshrl.u32 v0, $0xC  }
0x16c: {  	v31 =	vld [tilespmem:s18+$0x4230];
	v39 =	vand.u32 $0x3F, v39  }
0x16d: {  	v32 =	vld [tilespmem:s18+$0x4040];
	v6 =	vadd.s32 v6, v39  }
0x16e: {  	[tilespmem:$0x1FBD0] =	vst v6;
	v6 =	vld [tilespmem:$0x1FBE0]  }
0x16f: {  	v22 =	vld [tilespmem:s18+$0x3FC0]  }
0x170: {  	v51 =	vld [tilespmem:s18+$0x4070]  }
0x171: {  	v33 =	vld [tilespmem:s18+$0x40A0];
	v40 =	vshrl.u32 v0, $0x12  }
0x172: {  	v52 =	vld [tilespmem:s18+$0x40C0];
	v40 =	vand.u32 $0x3F, v40  }
0x173: {  	v36 =	vld [tilespmem:s18+$0x4100];
	v6 =	vadd.s32 v6, v40  }
0x174: {  	[tilespmem:$0x1FBE0] =	vst v6;
	v6 =	vld [tilespmem:$0x1FBF0]  }
0x175: {  	v18 =	vmul.u32 $0x3, v21;
	v49 =	vmul.u32 $0x3, v60;
	v60 =	vmul.u32 $0x3, v28;
	v28 =	vld [tilespmem:s18+$0x4060]  }
0x176: {  	v44 =	vmul.u32 $0x3, v44;
	v46 =	vmul.u32 $0x3, v58;
	v37 =	vmul.u32 $0x3, v33;
	v33 =	vld [tilespmem:s18+$0x3FF0]  }
0x177: {  	v48 =	vmul.u32 $0x3, v59;
	v59 =	vmul.u32 $0x3, v61;
	v7 =	vld [tilespmem:s18+$0x40F0];
	v5 =	vshrl.u32 v9, $0x12  }
0x178: {  	v11 =	vld [tilespmem:s18+$0x4220];
	v4 =	vshrl.u32 v9, $0x6;
	v8 =	vshrl.u32 v9, $0xC;
	v9 =	vshrl.u32 v9, $0x18  }
0x179: {  	v47 =	vmul.u32 $0x3, v38;
	v58 =	vmul.u32 $0x3, v12;
	v10 =	vld [tilespmem:s18+$0x3F60];
	v6 =	vadd.s32 v6, v9  }
0x17a: {  	v61 =	vmul.u32 $0x3, v13;
	v57 =	vmul.u32 $0x3, v14;
	v19 =	vmul.u32 $0x3, v16;
	[tilespmem:$0x1FBF0] =	vst v6;
	v6 =	vld [tilespmem:s18+$0x40E0]  }
0x17b: {  	v21 =	vmul.u32 $0x3, v43;
	v3 =	vand.u32 $0x3F, v5;
	v5 =	vld [tilespmem:s18+$0x4030];
	v2 =	vand.u32 $0x3F, v4  }
0x17c: {  	v4 =	vand.u32 $0x3F, v8;
	v8 =	vld [tilespmem:s18+$0x41A0];
	v25 =	vadd.s32 v25, v3;
	v3 =	vmul.u32 $0x3, v41  }
0x17d: {  	v38 =	vmul.u32 $0x3, v54;
	v43 =	vmul.u32 $0x3, v56;
	v26 =	vadd.s32 v26, v2;
	v2 =	vld [tilespmem:s18+$0x4020];
	[tilespmem:$0x1FB90] =	vst v25  }
0x17e: {  	v49 =	vshll.u32 v1, v49;
	v23 =	vadd.s32 v23, v4;
	v4 =	vld [tilespmem:s18+$0x4080];
	[tilespmem:$0x1FB00] =	vst v3;
	v3 =	vmul.u32 $0x3, v42  }
0x17f: {  	v47 =	vshll.u32 v1, v47;
	v22 =	vmul.u32 $0x3, v22;
	[tilespmem:$0x1FBC0] =	vst v23;
	v23 =	vmul.u32 $0x3, v6;
	v6 =	vld [tilespmem:s18+$0x3F70]  }
0x180: {  	v17 =	vshrl.u32 v0, $0x6;
	v62 =	vand.u32 $0x3F, v0;
	v25 =	vld [tilespmem:s18+$0x4090];
	[tilespmem:$0x1FB10] =	vst v3;
	v3 =	vmul.u32 $0x3, v45  }
0x181: {  	v0 =	vshrl.u32 v0, $0x18;
	v14 =	vmul.u32 $0x3, v28;
	v17 =	vand.u32 $0x3F, v17;
	[tilespmem:$0x1FB70] =	vst v27;
	v39 =	vld [tilespmem:s18+$0x3FB0]  }
0x182: {  	v24 =	vadd.s32 v24, v17;
	v45 =	vmul.u32 $0x3, v35;
	v35 =	vld [tilespmem:s18+$0x3F10];
	[tilespmem:$0x1FB20] =	vst v3;
	v3 =	vmul.u32 $0x3, v63  }
0x183: {  	v20 =	vmul.u32 $0x3, v7;
	v7 =	vmul.u32 $0x3, v15;
	[tilespmem:$0x1FB80] =	vst v26;
	v63 =	vmul.u32 $0x3, v32;
	v32 =	vld [tilespmem:s18+$0x3FE0]  }
0x184: {  	[tilespmem:$0x1FB30] =	vst v3;
	v3 =	vmul.u32 $0x3, v30;
	v9 =	vld [tilespmem:$0x1FC00];
	v16 =	vmul.u32 $0x3, v6;
	v6 =	vshll.u32 v1, v44  }
0x185: {  	v41 =	vmul.u32 $0x3, v29;
	v27 =	vmul.u32 $0x3, v52;
	v26 =	vmul.u32 $0x3, v51;
	[tilespmem:$0x1FBB0] =	vst v6;
	v6 =	vld [tilespmem:$0x1FB00]  }
0x186: {  	v51 =	vshll.u32 v1, v21;
	v21 =	vshll.u32 v1, v19;
	v30 =	vld [tilespmem:s18+$0x4050];
	[tilespmem:$0x1FB40] =	vst v3;
	v3 =	vmul.u32 $0x3, v31  }
0x187: {  	v50 =	vmul.u32 $0x3, v5;
	v42 =	vmul.u32 $0x3, v8;
	v4 =	vmul.u32 $0x3, v4;
	v40 =	vld [tilespmem:s18+$0x4010]  }
0x188: {  	v8 =	vmul.u32 $0x3, v2;
	v2 =	vmul.u32 $0x3, v33;
	v31 =	vld [tilespmem:s18+$0x3F90];
	[tilespmem:$0x1FB50] =	vst v3;
	v3 =	vmul.u32 $0x3, v36  }
0x189: {  	[tilespmem:$0x1FBA0] =	vst v24;
	v12 =	vmul.u32 $0x3, v25;
	v50 =	vshll.u32 v1, v50;
	v4 =	vshll.u32 v1, v4;
	v36 =	vld [tilespmem:s18+$0x3F80]  }
0x18a: {  	v33 =	vshll.u32 v1, v63;
	[tilespmem:$0x1FB60] =	vst v3;
	v9 =	vadd.s32 v9, v62;
	v28 =	vshll.u32 v1, v6;
	v6 =	vld [tilespmem:$0x1FB10]  }
0x18b: {  	v54 =	vshll.u32 v1, v12;
	v12 =	vshll.u32 v1, v43;
	v24 =	vmul.u32 $0x3, v39;
	[tilespmem:$0x1FC00] =	vst v9;
	v9 =	vld [tilespmem:$0x1FC10]  }
0x18c: {  	v39 =	vmul.u32 $0x3, v55;
	v35 =	vmul.u32 $0x3, v35;
	v55 =	vshll.u32 v1, v8;
	v63 =	vld [tilespmem:$0x1FB60]  }
0x18d: {  	v17 =	vld [tilespmem:s18+$0x3F40];
	v13 =	vmul.u32 $0x3, v32;
	v32 =	vshll.u32 v1, v45;
	v45 =	vshll.u32 v1, v41  }
0x18e: {  	v29 =	vld [tilespmem:s18+$0x3F20];
	v15 =	vmul.u32 $0x3, v30;
	v3 =	vmul.u32 $0x3, v11;
	v25 =	vmul.u32 $0x3, v40  }
0x18f: {  	v40 =	vmul.u32 $0x3, v53;
	v11 =	vmul.u32 $0x3, v31;
	v52 =	vshll.u32 v1, v6;
	v6 =	vld [tilespmem:$0x1FB20]  }
0x190: {  	v31 =	vshll.u32 v1, v46;
	v36 =	vmul.u32 $0x3, v36;
	v9 =	vadd.s32 v9, v0;
	v0 =	vld [tilespmem:s18+$0x4130]  }
0x191: {  	v11 =	vshll.u32 v1, v11;
	v53 =	vshll.u32 v1, v63;
	v63 =	vshll.u32 v1, v38;
	[tilespmem:$0x1FC10] =	vst v9;
	v9 =	vld [tilespmem:s18+$0x4140]  }
0x192: {  	v62 =	vmul.u32 $0x3, v10;
	v10 =	vmul.u32 $0x3, v17;
	v17 =	vmul.u32 $0x3, v34  }
0x193: {  	v34 =	vshll.u32 v1, v48;
	v48 =	vshll.u32 v1, v60;
	v60 =	vshll.u32 v1, v58  }
0x194: {  	v58 =	vshll.u32 v1, v61;
	v61 =	vshll.u32 v1, v62;
	v30 =	vshll.u32 v1, v6;
	v6 =	vld [tilespmem:$0x1FB30]  }
0x195: {  	v5 =	vmul.u32 $0x3, v0;
	v0 =	vmul.u32 $0x3, v29;
	v29 =	vshll.u32 v1, v18;
	v18 =	vld [tilespmem:$0x1FB50]  }
0x196: {  	v56 =	vshll.u32 v1, v10;
	v62 =	vshll.u32 v1, v25;
	v9 =	vmul.u32 $0x3, v9  }
0x197: {  	v25 =	vshll.u32 v1, v40;
	v8 =	vshll.u32 v1, v23;
	v44 =	vshll.u32 v1, v59  }
0x198: {  	v59 =	vshll.u32 v1, v3;
	v3 =	vshll.u32 v1, v20;
	v23 =	vshll.u32 v1, v9  }
0x199: {  	v9 =	vshll.u32 v1, v26;
	v26 =	vshll.u32 v1, v15;
	v46 =	vshll.u32 v1, v6;
	v6 =	vld [tilespmem:$0x1FB40]  }
0x19a: {  	v41 =	vshll.u32 v1, v18;
	v18 =	vshll.u32 v1, v37;
	v37 =	vshll.u32 v1, v57  }
0x19b: {  	v57 =	vshll.u32 v1, v24;
	v24 =	vshll.u32 v1, v27;
	v27 =	vshll.u32 v1, v14  }
0x19c: {  	p0 =	sne.s32 s17, $0xEE00;
	v58 =	vadd.s32 v58, v59;
	v16 =	vshll.u32 v1, v16;
	v59 =	vadd.s32 v26, v27;
	v27 =	vld [tilespmem:$0x1FB70]  }
.Ltmp1:
0x19d: {  	v10 =	vshll.u32 v1, v0;
	v14 =	vshll.u32 v1, v17;
	v17 =	vshll.u32 v1, v36;
	v36 =	vmovc v61;
	v26 =	vld [tilespmem:$0x1FB80];
	(pc) =	sbr.rel @p0 .LBB2_4-.Ltmp1, $4  }
0x19e: {  	v61 =	vadd.s32 v24, v25;
	v25 =	vld [tilespmem:$0x1FB90];
	v19 =	vmovc v52;
	v52 =	vshll.u32 v1, v22;
	v6 =	vshll.u32 v1, v6  }
0x19f: {  	v24 =	vld [tilespmem:$0x1FBA0];
	v22 =	vshll.u32 v1, v5;
	v20 =	vmovc v6;
	v6 =	vshll.u32 v1, v7;
	v7 =	vshll.u32 v1, v42  }
0x1a0: {  	v0 =	vshll.u32 v1, v13;
	v42 =	vadd.s32 v7, v21;
	v7 =	vadd.s32 v22, v23;
	v22 =	vld [tilespmem:$0x1FBB0]  }
0x1a1: {  	s17 =	sadd.s32 $0xE00, s17;
	v13 =	vshll.u32 v1, v2;
	v15 =	vshll.u32 v1, v35;
	v5 =	vshll.u32 v1, v39;
	v23 =	vld [tilespmem:$0x1FBC0]  }
0x1a2: {  	v2 =	vadd.s32 v14, v15;
	v39 =	vadd.s32 v16, v17;
	v0 =	vadd.s32 v0, v13  }
0x1a3: {  	v6 =	vadd.s32 v6, v7;
	v40 =	vadd.s32 v60, v42;
	v42 =	vadd.s32 v41, v58  }
0x1a4: {  	v9 =	vadd.s32 v9, v59;
	v8 =	vadd.s32 v8, v61;
	v0 =	vadd.s32 v12, v0  }
0x1a5: {  	v2 =	vadd.s32 v10, v2;
	v43 =	vadd.s32 v11, v39;
	v58 =	vadd.s32 v44, v42  }
0x1a6: {  	v3 =	vadd.s32 v3, v8;
	v6 =	vadd.s32 v47, v6;
	v7 =	vadd.s32 v45, v40  }
0x1a7: {  	v4 =	vadd.s32 v4, v9;
	v2 =	vadd.s32 v63, v2;
	v0 =	vadd.s32 v62, v0  }
0x1a8: {  	v5 =	vadd.s32 v5, v43;
	v7 =	vadd.s32 v49, v7;
	v59 =	vadd.s32 v46, v58  }
0x1a9: {  	v4 =	vadd.s32 v54, v4;
	v3 =	vadd.s32 v53, v3;
	v6 =	vadd.s32 v48, v6  }
0x1aa: {  	v2 =	vadd.s32 v56, v2;
	v5 =	vadd.s32 v57, v5;
	v0 =	vadd.s32 v55, v0  }
0x1ab: {  	v6 =	vadd.s32 v34, v6;
	v7 =	vadd.s32 v30, v7;
	v8 =	vadd.s32 v19, v59  }
0x1ac: {  	v4 =	vadd.s32 v18, v4;
	v3 =	vadd.s32 v20, v3;
	v0 =	vadd.s32 v50, v0  }
0x1ad: {  	v2 =	vadd.s32 v51, v2;
	v5 =	vadd.s32 v52, v5;
	v8 =	vadd.s32 v29, v8  }
0x1ae: {  	v3 =	vadd.s32 v31, v3;
	v6 =	vadd.s32 v22, v6;
	v7 =	vadd.s32 v28, v7  }
0x1af: {  	v4 =	vadd.s32 v32, v4;
	v2 =	vadd.s32 v36, v2;
	v5 =	vadd.s32 v37, v5  }
0x1b0: {  	v0 =	vadd.s32 v33, v0;
	v12 =	vshrl.u32 v4, $0x3;
	v14 =	vshrl.u32 v3, $0x3  }
0x1b1: {  	v42 =	vld [tilespmem:$0x7E60];
	v16 =	vshrl.u32 v6, $0x3;
	v18 =	vshrl.u32 v7, $0x3;
	v20 =	vshrl.u32 v8, $0x3  }
0x1b2: {  	v44 =	vld [tilespmem:$0x7E70];
	v4 =	vand.u32 $0x71C71C7, v4;
	v3 =	vand.u32 $0x71C71C7, v3;
	v32 =	vand.u32 $0x71C71C7, v6  }
0x1b3: {  	v34 =	vand.u32 $0x71C71C7, v8;
	v60 =	vshrl.u32 v2, $0x3;
	v61 =	vshrl.u32 v5, $0x3  }
0x1b4: {  	v55 =	vld [tilespmem:$0x7EF0];
	v62 =	vshrl.u32 v0, $0x3;
	v13 =	vand.u32 $0x71C71C7, v12;
	v15 =	vand.u32 $0x71C71C7, v14  }
0x1b5: {  	v56 =	vld [tilespmem:$0x7F00];
	v17 =	vand.u32 $0x71C71C7, v16;
	v19 =	vand.u32 $0x71C71C7, v18;
	v2 =	vand.u32 $0x71C71C7, v2  }
0x1b6: {  	v22 =	vld [tilespmem:$0x7E00];
	v5 =	vand.u32 $0x71C71C7, v5;
	v21 =	vand.u32 $0x71C71C7, v20;
	v0 =	vand.u32 $0x71C71C7, v0  }
0x1b7: {  	v50 =	vld [tilespmem:$0x7EC0];
	v52 =	vmul.u32 $0x3, v44;
	v12 =	vmul.u32 $0x3, v42;
	v9 =	vand.u32 $0x71C71C7, v60  }
0x1b8: {  	v33 =	vld [tilespmem:$0x7E20];
	v10 =	vand.u32 $0x71C71C7, v61;
	v63 =	vand.u32 $0x71C71C7, v62;
	v2 =	vadd.s32 v2, v5  }
0x1b9: {  	v48 =	vld [tilespmem:$0x7EA0];
	v9 =	vadd.s32 v9, v10;
	v0 =	vadd.s32 v0, v2;
	v6 =	vshll.u32 v1, v52  }
0x1ba: {  	v61 =	vld [tilespmem:$0x7F70];
	v12 =	vshll.u32 v1, v12;
	v10 =	vmul.u32 $0x3, v55;
	v11 =	vmul.u32 $0x3, v56  }
0x1bb: {  	v9 =	vadd.s32 v63, v9;
	v0 =	vadd.s32 v4, v0;
	v4 =	vmul.u32 $0x3, v22  }
0x1bc: {  	v45 =	vld [tilespmem:$0x7E80];
	v59 =	vmul.u32 $0x3, v50;
	v9 =	vadd.s32 v13, v9;
	v0 =	vadd.s32 v3, v0  }
0x1bd: {  	v50 =	vld [tilespmem:$0x7FD0];
	v5 =	vmul.u32 $0x3, v33;
	v10 =	vshll.u32 v1, v10;
	v9 =	vadd.s32 v15, v9  }
0x1be: {  	v3 =	vld [tilespmem:$0x7E10];
	v0 =	vadd.s32 v32, v0;
	v4 =	vshll.u32 v1, v4;
	v9 =	vadd.s32 v17, v9  }
0x1bf: {  	v18 =	vld [tilespmem:$0x7F30];
	v47 =	vshll.u32 v1, v5;
	v5 =	vmul.u32 $0x3, v48;
	v30 =	vmul.u32 $0x3, v61  }
0x1c0: {  	v20 =	vld [tilespmem:$0x7F40];
	v62 =	vshll.u32 v1, v59;
	v9 =	vadd.s32 v19, v9;
	v19 =	vshll.u32 v1, v11  }
0x1c1: {  	v49 =	vld [tilespmem:$0x7EB0];
	v28 =	vadd.s32 v21, v9;
	v5 =	vshll.u32 v1, v5;
	v33 =	vshll.u32 v1, v30  }
0x1c2: {  	v53 =	vld [tilespmem:$0x7EE0];
	v55 =	vmul.u32 $0x3, v50;
	v2 =	vshrl.u32 v28, $0x12;
	v35 =	vshrl.u32 v28, $0x6  }
0x1c3: {  	v54 =	vld [tilespmem:$0x1FC00];
	v36 =	vshrl.u32 v28, $0xC;
	v41 =	vand.u32 $0x3F, v28;
	v3 =	vmul.u32 $0x3, v3  }
0x1c4: {  	v57 =	vld [tilespmem:$0x7F10];
	v2 =	vand.u32 $0x3F, v2;
	v37 =	vand.u32 $0x3F, v36;
	v27 =	vadd.s32 v27, v41  }
0x1c5: {  	v16 =	vld [tilespmem:$0x7F80];
	v36 =	vmul.u32 $0x3, v18;
	v41 =	vmul.u32 $0x3, v20;
	v25 =	vadd.s32 v25, v2  }
0x1c6: {  	v51 =	vld [tilespmem:$0x1FBD0];
	v2 =	vand.u32 $0x71C71C7, v7;
	v7 =	vand.u32 $0x3F, v35;
	v3 =	vshll.u32 v1, v3  }
0x1c7: {  	v31 =	vld [tilespmem:$0x7F90];
	v22 =	vadd.s32 v23, v37;
	v0 =	vadd.s32 v2, v0;
	v26 =	vadd.s32 v26, v7  }
0x1c8: {  	v60 =	vld [tilespmem:$0x7F60];
	v3 =	vadd.s32 v4, v3;
	v7 =	vmul.u32 $0x3, v45;
	v4 =	vmul.u32 $0x3, v49  }
0x1c9: {  	v2 =	vld [tilespmem:$0x7E30];
	v44 =	vshll.u32 v1, v41;
	v29 =	vadd.s32 v34, v0;
	v3 =	vadd.s32 v47, v3  }
0x1ca: {  	v35 =	vld [tilespmem:$0x7FB0];
	v34 =	vmul.u32 $0x3, v16;
	v38 =	vshrl.u32 v29, $0x6;
	v39 =	vshrl.u32 v29, $0xC  }
0x1cb: {  	v0 =	vld [tilespmem:$0x7E40];
	v43 =	vand.u32 $0x3F, v29;
	v7 =	vshll.u32 v1, v7;
	v4 =	vshll.u32 v1, v4  }
0x1cc: {  	v40 =	vld [tilespmem:$0x7E50];
	v8 =	vand.u32 $0x3F, v38;
	v9 =	vand.u32 $0x3F, v39;
	v21 =	vadd.s32 v54, v43  }
0x1cd: {  	v46 =	vld [tilespmem:$0x7E90];
	v6 =	vadd.s32 v6, v7;
	v7 =	vmul.u32 $0x3, v57;
	v37 =	vshll.u32 v1, v34  }
0x1ce: {  	v32 =	vld [tilespmem:$0x7FA0];
	v39 =	vmul.u32 $0x3, v31;
	v24 =	vadd.s32 v24, v8;
	v2 =	vmul.u32 $0x3, v2  }
0x1cf: {  	v23 =	vadd.s32 v51, v9;
	v9 =	vmul.u32 $0x3, v53;
	v8 =	vmul.u32 $0x3, v60;
	v51 =	vld [tilespmem:$0x7FE0]  }
0x1d0: {  	v42 =	vmul.u32 $0x3, v35;
	v53 =	vld [tilespmem:$0x7FF0];
	v0 =	vmul.u32 $0x3, v0;
	v2 =	vshll.u32 v1, v2  }
0x1d1: {  	v7 =	vshll.u32 v1, v7;
	v2 =	vadd.s32 v2, v3;
	v3 =	vmul.u32 $0x3, v40  }
0x1d2: {  	v58 =	vld [tilespmem:$0x7F50];
	v9 =	vshll.u32 v1, v9;
	v8 =	vshll.u32 v1, v8;
	v0 =	vshll.u32 v1, v0  }
0x1d3: {  	v45 =	vshll.u32 v1, v42;
	v0 =	vadd.s32 v0, v2;
	v2 =	vld [tilespmem:$0x7ED0];
	v3 =	vshll.u32 v1, v3  }
0x1d4: {  	v63 =	vld [tilespmem:$0x7F20];
	v40 =	vmul.u32 $0x3, v32;
	v0 =	vadd.s32 v3, v0;
	v3 =	vmul.u32 $0x3, v46  }
0x1d5: {  	v17 =	vadd.s32 v9, v10;
	v56 =	vmul.u32 $0x3, v51;
	v57 =	vmul.u32 $0x3, v53  }
0x1d6: {  	v43 =	vshll.u32 v1, v40;
	v0 =	vadd.s32 v12, v0;
	v3 =	vshll.u32 v1, v3  }
0x1d7: {  	v48 =	vand.u32 $0x71C71C7, v0;
	v0 =	vshrl.u32 v0, $0x3;
	v3 =	vadd.s32 v3, v6  }
0x1d8: {  	v6 =	vmul.u32 $0x3, v58;
	v2 =	vmul.u32 $0x3, v2;
	v3 =	vadd.s32 v5, v3  }
0x1d9: {  	v0 =	vand.u32 $0x71C71C7, v0;
	v5 =	vmul.u32 $0x3, v63;
	v3 =	vadd.s32 v4, v3  }
0x1da: {  	v4 =	vadd.s32 v19, v17;
	v6 =	vshll.u32 v1, v6;
	v2 =	vshll.u32 v1, v2  }
0x1db: {  	v3 =	vadd.s32 v62, v3;
	v6 =	vadd.s32 v6, v8;
	v4 =	vadd.s32 v7, v4  }
0x1dc: {  	v5 =	vshll.u32 v1, v5;
	v7 =	vshll.u32 v1, v36;
	v6 =	vadd.s32 v33, v6  }
0x1dd: {  	v4 =	vadd.s32 v5, v4;
	v2 =	vadd.s32 v2, v3;
	v38 =	vadd.s32 v37, v6  }
0x1de: {  	v47 =	vld [tilespmem:$0x7FC0];
	v6 =	vshll.u32 v1, v39;
	v4 =	vadd.s32 v7, v4;
	v49 =	vand.u32 $0x71C71C7, v2  }
0x1df: {  	v2 =	vshrl.u32 v2, $0x3;
	v5 =	vadd.s32 v6, v38;
	v3 =	vadd.s32 v44, v4  }
0x1e0: {  	v6 =	vadd.s32 v48, v49;
	v2 =	vand.u32 $0x71C71C7, v2;
	v5 =	vadd.s32 v43, v5  }
0x1e1: {  	v52 =	vand.u32 $0x71C71C7, v3;
	v3 =	vshrl.u32 v3, $0x3;
	v0 =	vadd.s32 v0, v2  }
0x1e2: {  	v46 =	vadd.s32 v45, v5;
	v2 =	vadd.s32 v52, v6;
	v3 =	vand.u32 $0x71C71C7, v3  }
0x1e3: {  	v5 =	vmul.u32 $0x3, v47;
	v6 =	vshll.u32 v1, v57;
	v54 =	vand.u32 $0x71C71C7, v46  }
0x1e4: {  	v4 =	vshrl.u32 v46, $0x3;
	v0 =	vadd.s32 v3, v0;
	v61 =	vshrl.u32 v6, $0x3  }
0x1e5: {  	v2 =	vadd.s32 v54, v2;
	v3 =	vand.u32 $0x71C71C7, v4;
	v4 =	vshll.u32 v1, v55  }
0x1e6: {  	v62 =	vand.u32 $0x71C71C7, v61;
	v0 =	vadd.s32 v3, v0;
	v3 =	vshll.u32 v1, v5  }
0x1e7: {  	v5 =	vshll.u32 v1, v56;
	v58 =	vand.u32 $0x71C71C7, v3;
	v3 =	vshrl.u32 v3, $0x3  }
0x1e8: {  	v59 =	vand.u32 $0x71C71C7, v5;
	v2 =	vadd.s32 v58, v2;
	v3 =	vand.u32 $0x71C71C7, v3  }
0x1e9: {  	v0 =	vadd.s32 v3, v0;
	v3 =	vand.u32 $0x71C71C7, v4;
	v4 =	vshrl.u32 v4, $0x3  }
0x1ea: {  	v60 =	vshrl.u32 v5, $0x3;
	v2 =	vadd.s32 v3, v2;
	v3 =	vand.u32 $0x71C71C7, v4  }
0x1eb: {  	v9 =	vld [tilespmem:$0x1FBE0];
	v0 =	vadd.s32 v3, v0;
	v2 =	vadd.s32 v59, v2;
	v3 =	vand.u32 $0x71C71C7, v6  }
0x1ec: {  	v4 =	vand.u32 $0x71C71C7, v60;
	v2 =	vadd.s32 v3, v2;
	v3 =	vshrl.u32 v29, $0x12  }
0x1ed: {  	v0 =	vadd.s32 v4, v0;
	v3 =	vand.u32 $0x3F, v3;
	v12 =	vshrl.u32 v2, $0x6  }
0x1ee: {  	v41 =	vld [tilespmem:$0x1FFA0];
	v63 =	vand.u32 $0x3F, v2;
	v0 =	vadd.s32 v62, v0;
	v14 =	vand.u32 $0x3F, v12  }
0x1ef: {  	v31 =	vld [tilespmem:$0x1FF40];
	v16 =	vshrl.u32 v2, $0xC;
	v19 =	vshrl.u32 v2, $0x12;
	v4 =	vadd.s32 v24, v14  }
0x1f0: {  	v34 =	vld [tilespmem:$0x1FF60];
	v3 =	vadd.s32 v9, v3;
	v10 =	vadd.s32 v21, v63;
	[tilespmem:$0x88A0] =	vst v4;
	v4 =	vand.u32 $0x3F, v19  }
0x1f1: {  	v11 =	vand.u32 $0x3F, v0;
	v13 =	vshrl.u32 v0, $0x6;
	[tilespmem:$0x8880] =	vst v10;
	v24 =	vld [tilespmem:$0x1FC10];
	v3 =	vadd.s32 v3, v4  }
0x1f2: {  	v2 =	vshrl.u32 v2, $0x18;
	v5 =	vadd.s32 v27, v11;
	v15 =	vand.u32 $0x3F, v13;
	[tilespmem:$0x88E0] =	vst v3;
	v3 =	vld [tilespmem:$0x1FBF0]  }
0x1f3: {  	v35 =	vld [tilespmem:$0x1FF70];
	v17 =	vand.u32 $0x3F, v16;
	v18 =	vshrl.u32 v0, $0xC;
	v6 =	vadd.s32 v26, v15;
	[tilespmem:$0x8890] =	vst v5  }
0x1f4: {  	v42 =	vld [tilespmem:$0x1FFB0];
	v21 =	vshrl.u32 v0, $0x12;
	v20 =	vand.u32 $0x3F, v18;
	v5 =	vadd.s32 v23, v17;
	[tilespmem:$0x88B0] =	vst v6  }
0x1f5: {  	v33 =	vld [tilespmem:$0x1FF50];
	v23 =	vshrl.u32 v29, $0x18;
	v6 =	vadd.s32 v22, v20;
	[tilespmem:$0x88C0] =	vst v5;
	v4 =	vand.u32 $0x3F, v21  }
0x1f6: {  	v37 =	vld [tilespmem:$0x1FF80];
	v22 =	vshrl.u32 v28, $0x18;
	[tilespmem:$0x88D0] =	vst v6;
	v4 =	vadd.s32 v25, v4;
	v6 =	vadd.s32 v24, v23  }
0x1f7: {  	v39 =	vld [tilespmem:$0x1FF90];
	v0 =	vshrl.u32 v0, $0x18;
	[tilespmem:$0x88F0] =	vst v4;
	v2 =	vadd.s32 v6, v2;
	v3 =	vadd.s32 v3, v22  }
0x1f8: {  	v25 =	vld [tilespmem:$0x1FFE0];
	[tilespmem:$0x8900] =	vst v2;
	v0 =	vadd.s32 v3, v0  }
0x1f9: {  	v26 =	vld [tilespmem:$0x1FF00];
	[tilespmem:$0x8910] =	vst v0;
	v0 =	vimm.s32 $0x0  }
0x1fa: {  	v27 =	vld [tilespmem:$0x1FF10];
	[tilespmem:$0x8920] =	vst v0  }
0x1fb: {  	v28 =	vld [tilespmem:$0x1FF20];
	[tilespmem:$0x8930] =	vst v0  }
0x1fc: {  	v29 =	vld [tilespmem:$0x1FF30];
	[tilespmem:$0x8940] =	vst v0  }
0x1fd: {  	v43 =	vld [tilespmem:$0x1FFC0];
	[tilespmem:$0x8950] =	vst v0  }
0x1fe: {  	v45 =	vld [tilespmem:$0x1FFD0];
	[tilespmem:$0x8960] =	vst v0  }
0x1ff: {  	v47 =	vld [tilespmem:$0x1FFF0];
	[tilespmem:$0x8970] =	vst v0  }
0x200: {  	v0 =	vld.idx.msk [tilespmem:v25+s13+$0x0], $0xffff  }
0x201: {  	v2 =	vld.idx.msk [tilespmem:v26+s13+$0x0], $0xffff  }
0x202: {  	v3 =	vld.idx.msk [tilespmem:v27+s13+$0x0], $0xffff  }
0x203: {  	v4 =	vld.idx.msk [tilespmem:v28+s13+$0x0], $0xffff  }
0x204: {  	v30 =	vld.idx.msk [tilespmem:v29+s13+$0x0], $0xffff  }
0x205: {  	v32 =	vld.idx.msk [tilespmem:v31+s13+$0x0], $0xffff  }
0x206: {  	v0 =	vadd.s32 v0, v2;
	v2 =	vld.idx.msk [tilespmem:v33+s13+$0x0], $0xffff  }
0x207: {  	v0 =	vadd.s32 v3, v0;
	v3 =	vld.idx.msk [tilespmem:v34+s13+$0x0], $0xffff  }
0x208: {  	v36 =	vld.idx.msk [tilespmem:v35+s13+$0x0], $0xffff;
	v0 =	vadd.s32 v4, v0  }
0x209: {  	v38 =	vld.idx.msk [tilespmem:v37+s13+$0x0], $0xffff;
	v0 =	vadd.s32 v30, v0  }
0x20a: {  	v40 =	vld.idx.msk [tilespmem:v39+s13+$0x0], $0xffff;
	v0 =	vadd.s32 v32, v0  }
0x20b: {  	v0 =	vadd.s32 v2, v0;
	v2 =	vld.idx.msk [tilespmem:v41+s13+$0x0], $0xffff  }
0x20c: {  	v0 =	vadd.s32 v3, v0;
	v3 =	vld.idx.msk [tilespmem:v42+s13+$0x0], $0xffff  }
0x20d: {  	v44 =	vld.idx.msk [tilespmem:v43+s13+$0x0], $0xffff;
	v0 =	vadd.s32 v36, v0  }
0x20e: {  	v46 =	vld.idx.msk [tilespmem:v45+s13+$0x0], $0xffff;
	v0 =	vadd.s32 v38, v0  }
0x20f: {  	v48 =	vld.idx.msk [tilespmem:v47+s13+$0x0], $0xffff;
	v0 =	vadd.s32 v40, v0  }
0x210: {  	v0 =	vadd.s32 v2, v0  }
0x211: {  	v0 =	vadd.s32 v3, v0  }
0x212: {  	v0 =	vadd.s32 v44, v0  }
0x213: {  	v0 =	vadd.s32 v46, v0  }
0x214: {  	v0 =	vadd.s32 v48, v0  }
0x215: {  	[tilespmem:v25+s14+$0x0] =	vst.idx.msk $0xffff, v0  }
0x216: {  	[tilespmem:v26+s14+$0x0] =	vst.idx.msk $0xffff, v0  }
0x217: {  	[tilespmem:v27+s14+$0x0] =	vst.idx.msk $0xffff, v0  }
0x218: {  	[tilespmem:v28+s14+$0x0] =	vst.idx.msk $0xffff, v0  }
0x219: {  	[tilespmem:v29+s14+$0x0] =	vst.idx.msk $0xffff, v0  }
0x21a: {  	[tilespmem:v31+s14+$0x0] =	vst.idx.msk $0xffff, v0  }
0x21b: {  	[tilespmem:v33+s14+$0x0] =	vst.idx.msk $0xffff, v0  }
0x21c: {  	[tilespmem:v34+s14+$0x0] =	vst.idx.msk $0xffff, v0  }
0x21d: {  	[tilespmem:v35+s14+$0x0] =	vst.idx.msk $0xffff, v0  }
0x21e: {  	[tilespmem:v37+s14+$0x0] =	vst.idx.msk $0xffff, v0  }
0x21f: {  	[tilespmem:v39+s14+$0x0] =	vst.idx.msk $0xffff, v0  }
0x220: {  	[tilespmem:v41+s14+$0x0] =	vst.idx.msk $0xffff, v0  }
0x221: {  	[tilespmem:v42+s14+$0x0] =	vst.idx.msk $0xffff, v0  }
0x222: {  	[tilespmem:v43+s14+$0x0] =	vst.idx.msk $0xffff, v0  }
0x223: {  	[tilespmem:v45+s14+$0x0] =	vst.idx.msk $0xffff, v0  }
0x224: {  	[tilespmem:v47+s14+$0x0] =	vst.idx.msk $0xffff, v0  }
0x225: {  	v0 =	vld [tilespmem:$0x8980]  }
0x226: {  	v2 =	vld [tilespmem:$0x8000]  }
0x227: {  	v3 =	vld [tilespmem:$0x8990]  }
0x228: {  	v49 =	vld [tilespmem:$0x8080]  }
0x229: {  	v50 =	vld [tilespmem:$0x89A0]  }
0x22a: {  	v51 =	vld [tilespmem:$0x8100];
	v0 =	vcvt.s32.f32 v0  }
0x22b: {  	v7 =	vld [tilespmem:$0x89B0]  }
0x22c: {  	v8 =	vld [tilespmem:$0x89C0];
	v0 =	vmul.f32 v0, v2;
	v2 =	vcvt.s32.f32 v3  }
0x22d: {  	v3 =	vld [tilespmem:$0x8180]  }
0x22e: {  	v53 =	vld [tilespmem:$0x8200];
	v52 =	vcvt.s32.f32 v50;
	v0 =	vadd.f32 $0.0e+00, v0;
	v2 =	vmul.f32 v2, v49  }
0x22f: {  	v9 =	vld [tilespmem:$0x89D0]  }
0x230: {  	v55 =	vld [tilespmem:$0x8280];
	v54 =	vcvt.s32.f32 v7;
	v0 =	vadd.f32 v2, v0;
	v2 =	vmul.f32 v52, v51  }
0x231: {  	v56 =	vld [tilespmem:$0x89E0]  }
0x232: {  	v57 =	vld [tilespmem:$0x8300];
	v0 =	vadd.f32 v2, v0;
	v2 =	vmul.f32 v54, v3;
	v3 =	vcvt.s32.f32 v8  }
0x233: {  	v58 =	vld [tilespmem:$0x89F0]  }
0x234: {  	v59 =	vld [tilespmem:$0x8380];
	v0 =	vadd.f32 v2, v0;
	v2 =	vmul.f32 v3, v53;
	v3 =	vcvt.s32.f32 v9  }
0x235: {  	v60 =	vld [tilespmem:$0x8A00]  }
0x236: {  	v61 =	vld [tilespmem:$0x8400];
	v0 =	vadd.f32 v2, v0;
	v2 =	vmul.f32 v3, v55;
	v3 =	vcvt.s32.f32 v56  }
0x237: {  	v62 =	vld [tilespmem:$0x8A10]  }
0x238: {  	v0 =	vadd.f32 v2, v0;
	v2 =	vmul.f32 v3, v57;
	v3 =	vcvt.s32.f32 v58  }
0x239: {  	v63 =	vld [tilespmem:$0x8480]  }
0x23a: {  	v0 =	vadd.f32 v2, v0;
	v2 =	vmul.f32 v3, v59;
	v3 =	vcvt.s32.f32 v60;
	_ =	sdelay $0x1  }
0x23b: {  	v0 =	vadd.f32 v2, v0;
	v2 =	vmul.f32 v3, v61;
	v3 =	vcvt.s32.f32 v62;
	_ =	sdelay $0x1  }
0x23c: {  	v0 =	vadd.f32 v2, v0;
	v2 =	vmul.f32 v3, v63;
	_ =	sdelay $0x1  }
0x23d: {  	v0 =	vadd.f32 v2, v0;
	_ =	sdelay $0x1  }
0x23e: {  	s16 =	sadd.s32 $0x1, s16;
	v0 =	vmul.f32 $9.536743160e-07, v0  }
0x23f: {  	p0 =	sne.s32 s16, s7  }
.Ltmp2:
0x240: {  	[tilespmem:$0x8800] =	vst v0;
	(pc) =	sbr.rel @p0 .LBB2_1-.Ltmp2, $4  }
0x241: {  	[hbm4b:s6+s3] =	stream.linear.scatter [tilespmem:s15], [sflag:$0x3], $0x80, $0x38;
	[tilespmem:$0x8A80] =	vst v63  }
0x242: {  	_ =	swait.ge [sflag:s10], $0x80  }
0x243: {  	[sflag:s10] =	ssyncset.done $0x0  }
0x244: {  	[sflag:s10] =	ssyncadd.s32 $0xFFFFFF80  }
0x245: {  	_ =	sfence.sel $0x180000  }
0x246: {  	[bflag:$0x0] =	sbarrier.arrive $0xFFFF  }
0x247: {  	p0 =	sne.s32 s2, $0x0;
	_ =	strace $0x90000047  }
0x248: {  	s0 =	sadd.s32 @!p0 $0x100000, s0;
	[bflag:$0x2] =	sbarrier.arrive $0xFFFF  }
0x249: {  	[sflag:s0] =	ssyncadd.tile.s32 @!p0 $0x1;
	_ =	shalt  }
.Lfunc_end2:
_tile_overlayer_lowered:
.L_overlay_start_2:
0x24a: {  	(tag) =	ssettag $0x2  }
0x24b: {  	s0 =	rddreg [dreg:$0x0];
	s2 =	stileid.u32  }
0x24c: {  	s1 =	rddreg [dreg:$0x1];
	p0 =	sne.s32 s2, $0x0  }
0x24d: {  	s3 =	rddreg [dreg:$0x2];
	[bflag:$0x3] =	sbarrier.arrive $0xFFFF;
	s2 =	simm.s32 @!p0 $0x1C03  }
0x24e: {  	[timem:s3], [sflag:s2] =	dma.local @!p0 [hbm:s0], s1  }
0x24f: {  	s0 =	simm.s32 @!p0 $0x3  }
0x250: {  	_ =	swait.ge @!p0 [sflag:s0], s1  }
0x251: {  	s1 =	ssub.s32 @!p0 $0x0, s1;
	[sflag:s0] =	ssyncset.done @!p0 $0x0  }
0x252: {  	[sflag:s0] =	ssyncadd.s32 @!p0 s1  }
0x253: {  	[bflag:$0x3] =	sbarrier.arrive $0xFFFF  }
0x254: {  	_ =	shalt  }

</sc_bundles>
